<compile_context>
chip_gen: v7x
topology: tpu7x:2x2x1
jax: 0.10.2.dev20260603
libtpu: 0.0.44.dev20260713+nightly
codegen_flags: <defaults>
</compile_context>

<pallas_src>
import functools

import jax
import jax.numpy as jnp
from jax import lax
from jax.experimental import pallas as pl
from jax.experimental.pallas import tpu as pltpu
from jax.experimental.pallas import tpu_sc as plsc

N = 2048
E = 16384
G = 16
EPS = 1e-6
F32 = jnp.float32


def _dot(a, b, dims):
    return lax.dot_general(a, b, (dims, ((), ())), preferred_element_type=F32)




def _fold_s(S):
    m1 = jnp.max(S[0:1, :]) + jnp.max(S[2:3, :])
    m2 = jnp.max(S[1:2, :]) + jnp.max(S[3:4, :])
    return jnp.concatenate(
        [S[0:1] - m1, S[1:2] - m2, S[2:4], jnp.zeros((4, N), F32)], axis=0)


def _split_weights(d_in, w0f_ref, b0_ref, w1f_ref, b1_ref, w0w_ref, w1w_ref):
    w0, w1 = w0f_ref[...], w1f_ref[...]
    wu = jnp.concatenate([w0[:, :d_in], w1[:, :d_in]], axis=0)
    wv = jnp.concatenate([w0[:, d_in:], w1[:, d_in:]], axis=0)
    bu = jnp.concatenate([b0_ref[...], b1_ref[...]], axis=0)
    a0, a1 = w0w_ref[...], w1w_ref[...]
    ws = jnp.concatenate(
        [a0[:, :d_in], a1[:, :d_in], a0[:, d_in:], a1[:, d_in:]], axis=0)
    return wu, wv, bu, ws


def _proj0_body(d_in, x_ref, w0f_ref, b0_ref, w1f_ref, b1_ref, w0w_ref,
                w1w_ref, u_out, v_out, s_out):
    wu, wv, bu, ws = _split_weights(
        d_in, w0f_ref, b0_ref, w1f_ref, b1_ref, w0w_ref, w1w_ref)
    x = x_ref[...]
    u_out[...] = _dot(wu, x, ((1,), (1,))) + bu[:, None]
    v_out[...] = _dot(wv, x, ((1,), (1,)))
    s_out[...] = _fold_s(_dot(ws, x, ((1,), (1,))))


def _proj_mid_body(d_in, num_ref, den_ref, w0f_ref, b0_ref, w1f_ref, b1_ref,
                   w0w_ref, w1w_ref, u_out, v_out, s_out):
    wu, wv, bu, ws = _split_weights(
        d_in, w0f_ref, b0_ref, w1f_ref, b1_ref, w0w_ref, w1w_ref)
    c_in = num_ref.shape[0] // 2
    num = num_ref[:c_in] + num_ref[c_in:]
    den = den_ref[:2] + den_ref[2:]
    half = c_in // 2
    hc = jnp.concatenate([num[:half] / (den[0:1] + EPS),
                          num[half:] / (den[1:2] + EPS)], axis=0)
    u_out[...] = _dot(wu, hc, ((1,), (0,))) + bu[:, None]
    v_out[...] = _dot(wv, hc, ((1,), (0,)))
    s_out[...] = _fold_s(_dot(ws, hc, ((1,), (0,))))


def _final_body(num_ref, den_ref, mg_ref, w1_ref, b1_ref, w2_ref, b2_ref,
                out_ref):
    c_in = num_ref.shape[0] // 2
    num = num_ref[:c_in] + num_ref[c_in:]
    den = den_ref[:2] + den_ref[2:]
    half = c_in // 2
    hc = jnp.concatenate([num[:half] / (den[0:1] + EPS),
                          num[half:] / (den[1:2] + EPS)], axis=0)
    pooled = _dot(mg_ref[...], hc, ((0,), (1,)))
    z1 = jax.nn.relu(_dot(pooled, w1_ref[...], ((1,), (1,)))
                     + b1_ref[...][None, :])
    out_ref[...] = _dot(z1, w2_ref[...], ((1,), (1,))) + b2_ref[...][None, :]


def _tc_call(body, out_shapes, args):
    return pl.pallas_call(
        body,
        out_shape=[jax.ShapeDtypeStruct(s, F32) for s in out_shapes],
    )(*args)




@functools.cache
def _make_sc_edge(C, CPW):
    info = plsc.get_sparse_core_info()
    NC, NS = info.num_cores, info.num_subcores
    assert C == CPW * NS
    EH = E // NC
    mesh = plsc.VectorSubcoreMesh(core_axis_name="c", subcore_axis_name="s")

    @functools.partial(
        pl.kernel, mesh=mesh,
        compiler_params=pltpu.CompilerParams(needs_layout_passes=False),
        out_type=[jax.ShapeDtypeStruct((NC * C, N), F32),
                  jax.ShapeDtypeStruct((NC * 2, N), F32)],
        scratch_types=[
            pltpu.VMEM((CPW, N), F32),
            pltpu.VMEM((CPW, N), F32),
            pltpu.VMEM((1, N), F32),
            pltpu.VMEM((1, N), F32),
            pltpu.VMEM((CPW, N), F32),
            pltpu.VMEM((1, N), F32),
            pltpu.VMEM((EH,), jnp.int32),
            pltpu.VMEM((EH,), jnp.int32),
            pltpu.SemaphoreType.DMA,
        ],
    )
    def sc_edge(u_hbm, v_hbm, s_hbm, src_hbm, tgt_hbm, num_out, den_out,
                u_v, v_v, p_v, q_v, num_v, den_v, src_v, tgt_v, sem):
        sc = lax.axis_index("c")
        sub = lax.axis_index("s")
        head = sub // (NS // 2)
        r0 = pl.multiple_of(sub * CPW, CPW)
        e0 = pl.multiple_of(sc * EH, EH)

        cps = [
            pltpu.async_copy(u_hbm.at[pl.ds(r0, CPW)], u_v, sem),
            pltpu.async_copy(v_hbm.at[pl.ds(r0, CPW)], v_v, sem),
            pltpu.async_copy(s_hbm.at[pl.ds(head, 1)], p_v, sem),
            pltpu.async_copy(s_hbm.at[pl.ds(2 + head, 1)], q_v, sem),
            pltpu.async_copy(src_hbm.at[pl.ds(e0, EH)], src_v, sem),
            pltpu.async_copy(tgt_hbm.at[pl.ds(e0, EH)], tgt_v, sem),
        ]

        zf = jnp.zeros((16,), F32)
        zi = jnp.zeros((16,), jnp.int32)

        @plsc.parallel_loop(0, N // 16, 1, unroll=8)
        def zero_acc(j):
            off = pl.multiple_of(j * 16, 16)
            for c in range(CPW):
                num_v[c, pl.ds(off, 16)] = zf
            den_v[0, pl.ds(off, 16)] = zf

        for cp in cps:
            cp.wait()

        @plsc.parallel_loop(0, EH // 16, 1, unroll=1)
        def edge_body(g):
            base = pl.multiple_of(g * 16, 16)
            s16 = src_v[pl.ds(base, 16)]
            t16 = tgt_v[pl.ds(base, 16)]
            ps = plsc.load_gather(p_v, [zi, s16])
            qt = plsc.load_gather(q_v, [zi, t16])
            w = jnp.exp(ps + qt)
            plsc.addupdate_scatter(den_v, [zi, t16], w)
            for c in range(CPW):
                cv = jnp.full((16,), c, jnp.int32)
                us = plsc.load_gather(u_v, [cv, s16])
                vt = plsc.load_gather(v_v, [cv, t16])
                y = jnp.maximum(us + vt, 0.0)
                plsc.addupdate_scatter(num_v, [cv, t16], y * w)

        pltpu.sync_copy(num_v, num_out.at[pl.ds(sc * C + r0, CPW)])

        @pl.when(jnp.logical_or(sub == 0, sub == NS // 2))
        def _():
            pltpu.sync_copy(den_v, den_out.at[pl.ds(sc * 2 + head, 1)])

    return sc_edge




def _run_sc(c, u, v, s, src, tgt):
    return _make_sc_edge(c, c // 16)(u, v, s, src, tgt)


def _wargs(layer):
    h0, h1 = layer
    return (h0["f"]["W"], h0["f"]["b"], h1["f"]["W"], h1["f"]["b"],
            h0["w"]["W"], h1["w"]["W"])


def kernel(x, adj, src, tgt, Msrc, Mtgt, Mgraph, params):
    del adj, Msrc, Mtgt
    gat = params["gat"]
    dims = [(128, 32), (64, 64), (128, 64)]

    c1 = 2 * dims[0][1]
    u, v, s = _tc_call(functools.partial(_proj0_body, dims[0][0]),
                       [(c1, N), (c1, N), (8, N)], (x, *_wargs(gat[0])))
    num, den = _run_sc(c1, u, v, s, src, tgt)

    for li in (1, 2):
        cl = 2 * dims[li][1]
        u, v, s = _tc_call(functools.partial(_proj_mid_body, dims[li][0]),
                           [(cl, N), (cl, N), (8, N)],
                           (num, den, *_wargs(gat[li])))
        num, den = _run_sc(cl, u, v, s, src, tgt)

    (out,) = _tc_call(
        _final_body, [(G, 10)],
        (num, den, Mgraph,
         params["mlp"][0]["W"], params["mlp"][0]["b"],
         params["mlp"][1]["W"], params["mlp"][1]["b"]))
    return out

# --- scband reference (transcript-rebuilt; emitter-appended) ---
"""Pipeline reference for scband-gat-48945447305825 (READ-ONLY COPY).

The authoritative reference and input builder live on the scoring server;
editing this copy changes nothing except your own understanding.
"""

import jax, jax.numpy as jnp
import numpy as np

N = 2048
E = 16384
F_IN = 128
G = 16
NUM_CLASSES = 10
EPS = 1e-6
# GAT stack from the module: layer_heads=[1,2,2,2], sizes=[128,32,64,64]
# per-layer (d_in = prev_d_out*heads_in, d_out), each with 2 heads
GAT_DIMS = [(128, 32), (64, 64), (128, 64)]
HEADS = [2, 2, 2]
MLP_DIMS = [(2 * 64, 32), (32, NUM_CLASSES)]


def _linear(key, d_in, d_out):
    k1, k2 = jax.random.split(key)
    lim = 1.0 / np.sqrt(d_in)
    W = jax.random.uniform(k1, (d_out, d_in), minval=-lim, maxval=lim, dtype=jnp.float32)
    b = jax.random.uniform(k2, (d_out,), minval=-lim, maxval=lim, dtype=jnp.float32)
    return {"W": W, "b": b}


def _make_params(key):
    params = {"gat": [], "mlp": []}
    keys = jax.random.split(key, 64)
    i = 0
    for (d_in, d_out), n_heads in zip(GAT_DIMS, HEADS):
        layer = []
        for _ in range(n_heads):
            f = _linear(keys[i], 2 * d_in, d_out); i += 1
            w = _linear(keys[i], 2 * d_in, 1); i += 1
            layer.append({"f": f, "w": w})
        params["gat"].append(layer)
    for d_in, d_out in MLP_DIMS:
        params["mlp"].append(_linear(keys[i], d_in, d_out)); i += 1
    return params


def setup_inputs(seed: int = 0):
    key = jax.random.key(seed)
    ks = jax.random.split(key, 6)
    x = jax.random.normal(ks[0], (N, F_IN), dtype=jnp.float32)
    src = jax.random.randint(ks[1], (E,), 0, N, dtype=jnp.int32)
    tgt = jax.random.randint(ks[2], (E,), 0, N, dtype=jnp.int32)
    e_ids = jnp.arange(E)
    Msrc = jnp.zeros((N, E), jnp.float32).at[src, e_ids].set(1.0)
    Mtgt = jnp.zeros((N, E), jnp.float32).at[tgt, e_ids].set(1.0)
    adj = jnp.zeros((N, N), jnp.float32).at[src, tgt].set(1.0)
    Mgraph = jnp.zeros((N, G), jnp.float32).at[jnp.arange(N), jnp.arange(N) // (N // G)].set(1.0)
    params = _make_params(ks[3])
    return {"x": x, "adj": adj, "src": src, "tgt": tgt, "Msrc": Msrc, "Mtgt": Mtgt, "Mgraph": Mgraph, "params": params}


def _gat_head(x, src, tgt, Mtgt, hp):
    hsrc = x[src]                                   # E x d_in  (gather)
    htgt = x[tgt]                                   # E x d_in  (gather)
    h = jnp.concatenate([hsrc, htgt], axis=1)       # E x 2*d_in
    y = jax.nn.relu(h @ hp["f"]["W"].T + hp["f"]["b"])   # E x d_out
    a = h @ hp["w"]["W"].T + hp["w"]["b"]                # E x 1
    a_base = jnp.max(a, axis=0, keepdims=True)      # numeric stabilization
    a_exp = jnp.exp(a - a_base)
    a_sum = Mtgt @ a_exp + EPS                      # N x 1  (scatter-add via incidence matmul)
    return (Mtgt @ (y * a_exp)) / a_sum             # N x d_out


def reference(x, adj, src, tgt, Msrc, Mtgt, Mgraph, params):
    h = x
    for layer in params["gat"]:
        h = jnp.concatenate([_gat_head(h, src, tgt, Mtgt, hp) for hp in layer], axis=1)
    h = Mgraph.T @ h                                # G x 128  (graph pooling)
    h = jax.nn.relu(h @ params["mlp"][0]["W"].T + params["mlp"][0]["b"])
    h = h @ params["mlp"][1]["W"].T + params["mlp"][1]["b"]
    return h

if __name__ == "__main__":
    import jax
    _d = setup_inputs()
    print(jax.jit(kernel)(*tuple(_d.values())))

</pallas_src>

<mosaic_0001>
#map = affine_map<(d0, d1) -> (0, 0)>
#map1 = affine_map<(d0, d1) -> (0)>
module attributes {stable_mosaic.version = 14 : i64} {
  func.func @sc_edge(%arg0: i32, %arg1: i32, %arg2: memref<64x2048xf32, #tpu.memory_space<hbm>>, %arg3: memref<64x2048xf32, #tpu.memory_space<hbm>>, %arg4: memref<8x2048xf32, #tpu.memory_space<hbm>>, %arg5: memref<16384xi32, #tpu.memory_space<hbm>>, %arg6: memref<16384xi32, #tpu.memory_space<hbm>>, %arg7: memref<128x2048xf32, #tpu.memory_space<hbm>>, %arg8: memref<4x2048xf32, #tpu.memory_space<hbm>>, %arg9: memref<4x2048xf32, #tpu.memory_space<vmem>>, %arg10: memref<4x2048xf32, #tpu.memory_space<vmem>>, %arg11: memref<1x2048xf32, #tpu.memory_space<vmem>>, %arg12: memref<1x2048xf32, #tpu.memory_space<vmem>>, %arg13: memref<4x2048xf32, #tpu.memory_space<vmem>>, %arg14: memref<1x2048xf32, #tpu.memory_space<vmem>>, %arg15: memref<8192xi32, #tpu.memory_space<vmem>>, %arg16: memref<8192xi32, #tpu.memory_space<vmem>>, %arg17: memref<!tpu.dma_semaphore, #tpu.memory_space<semaphore_mem>>) attributes {dimension_semantics = [#tpu.dimension_semantics<core_parallel>, #tpu.dimension_semantics<subcore_parallel>], iteration_bounds = array<i64: 2, 16>, scalar_prefetch = 0 : i64, scratch_operands = 9 : i64, tpu.core_type = #tpu.core_type<sc_vector_subcore>, window_params = [{transform_indices = #map}, {transform_indices = #map}, {transform_indices = #map}, {transform_indices = #map1}, {transform_indices = #map1}, {transform_indices = #map}, {transform_indices = #map}]} {
    %jit3A = arith.constant 8 : i32
    %div3A = arith.divsi %arg1, %jit3A : i32
    %sign3A = arith.constant 0 : i32
    %sign3A_0 = arith.cmpi sgt, %arg1, %sign3A : i32
    %sign3A_1 = arith.extui %sign3A_0 : i1 to i32
    %sign3A_2 = arith.constant 0 : i32
    %sign3A_3 = arith.cmpi slt, %arg1, %sign3A_2 : i32
    %sign3A_4 = arith.extui %sign3A_3 : i1 to i32
    %sign3A_5 = arith.subi %sign3A_1, %sign3A_4 : i32
    %sign3A_6 = arith.constant 0 : i32
    %sign3A_7 = arith.cmpi sgt, %jit3A, %sign3A_6 : i32
    %sign3A_8 = arith.extui %sign3A_7 : i1 to i32
    %sign3A_9 = arith.constant 0 : i32
    %sign3A_10 = arith.cmpi slt, %jit3A, %sign3A_9 : i32
    %sign3A_11 = arith.extui %sign3A_10 : i1 to i32
    %sign3A_12 = arith.subi %sign3A_8, %sign3A_11 : i32
    %ne3A = arith.cmpi ne, %sign3A_5, %sign3A_12 : i32
    %rem3A = arith.remsi %arg1, %jit3A : i32
    %ne3A_13 = arith.constant 0 : i32
    %ne3A_14 = arith.cmpi ne, %rem3A, %ne3A_13 : i32
    %and3A = arith.andi %ne3A, %ne3A_14 : i1
    %sub3A = arith.constant 1 : i32
    %sub3A_15 = arith.subi %div3A, %sub3A : i32
    %select_n3A = arith.select %and3A, %sub3A_15, %div3A : i32
    %mul3A = arith.constant 4 : i32
    %mul3A_16 = arith.muli %arg1, %mul3A : i32
    %multiple_of3A = tpu.assume_multiple %mul3A_16, 4 : i32
    %mul3A_17 = arith.constant 8192 : i32
    %mul3A_18 = arith.muli %arg0, %mul3A_17 : i32
    %multiple_of3A_19 = tpu.assume_multiple %mul3A_18, 8192 : i32
    %dma_start3A = arith.constant 0 : i32
    %dma_start3A_20 = tpu.memref_slice %arg2[%multiple_of3A, %dma_start3A] : memref<64x2048xf32, #tpu.memory_space<hbm>> -> memref<4x2048xf32, #tpu.memory_space<hbm>>
    %dma_start3A_21 = arith.constant 0 : i32
    %dma_start3A_22 = tpu.memref_slice %arg2[%multiple_of3A, %dma_start3A_21] : memref<64x2048xf32, #tpu.memory_space<hbm>> -> memref<4x2048xf32, #tpu.memory_space<hbm>>
    tpu.enqueue_dma source(%dma_start3A_22 : memref<4x2048xf32, #tpu.memory_space<hbm>>) target(%arg9 : memref<4x2048xf32, #tpu.memory_space<vmem>>) target_semaphore(%arg17 : memref<!tpu.dma_semaphore, #tpu.memory_space<semaphore_mem>>)
    %dma_start3A_23 = arith.constant 0 : i32
    %dma_start3A_24 = tpu.memref_slice %arg3[%multiple_of3A, %dma_start3A_23] : memref<64x2048xf32, #tpu.memory_space<hbm>> -> memref<4x2048xf32, #tpu.memory_space<hbm>>
    %dma_start3A_25 = arith.constant 0 : i32
    %dma_start3A_26 = tpu.memref_slice %arg3[%multiple_of3A, %dma_start3A_25] : memref<64x2048xf32, #tpu.memory_space<hbm>> -> memref<4x2048xf32, #tpu.memory_space<hbm>>
    tpu.enqueue_dma source(%dma_start3A_26 : memref<4x2048xf32, #tpu.memory_space<hbm>>) target(%arg10 : memref<4x2048xf32, #tpu.memory_space<vmem>>) target_semaphore(%arg17 : memref<!tpu.dma_semaphore, #tpu.memory_space<semaphore_mem>>)
    %dma_start3A_27 = arith.constant 0 : i32
    %dma_start3A_28 = tpu.memref_slice %arg4[%select_n3A, %dma_start3A_27] : memref<8x2048xf32, #tpu.memory_space<hbm>> -> memref<1x2048xf32, #tpu.memory_space<hbm>>
    %dma_start3A_29 = arith.constant 0 : i32
    %dma_start3A_30 = tpu.memref_slice %arg4[%select_n3A, %dma_start3A_29] : memref<8x2048xf32, #tpu.memory_space<hbm>> -> memref<1x2048xf32, #tpu.memory_space<hbm>>
    tpu.enqueue_dma source(%dma_start3A_30 : memref<1x2048xf32, #tpu.memory_space<hbm>>) target(%arg11 : memref<1x2048xf32, #tpu.memory_space<vmem>>) target_semaphore(%arg17 : memref<!tpu.dma_semaphore, #tpu.memory_space<semaphore_mem>>)
    %add3A = arith.constant 2 : i32
    %add3A_31 = arith.addi %add3A, %select_n3A : i32
    %dma_start3A_32 = arith.constant 0 : i32
    %dma_start3A_33 = tpu.memref_slice %arg4[%add3A_31, %dma_start3A_32] : memref<8x2048xf32, #tpu.memory_space<hbm>> -> memref<1x2048xf32, #tpu.memory_space<hbm>>
    %dma_start3A_34 = arith.constant 0 : i32
    %dma_start3A_35 = tpu.memref_slice %arg4[%add3A_31, %dma_start3A_34] : memref<8x2048xf32, #tpu.memory_space<hbm>> -> memref<1x2048xf32, #tpu.memory_space<hbm>>
    tpu.enqueue_dma source(%dma_start3A_35 : memref<1x2048xf32, #tpu.memory_space<hbm>>) target(%arg12 : memref<1x2048xf32, #tpu.memory_space<vmem>>) target_semaphore(%arg17 : memref<!tpu.dma_semaphore, #tpu.memory_space<semaphore_mem>>)
    %dma_start3A_36 = tpu.memref_slice %arg5[%multiple_of3A_19] : memref<16384xi32, #tpu.memory_space<hbm>> -> memref<8192xi32, #tpu.memory_space<hbm>>
    %dma_start3A_37 = tpu.memref_slice %arg5[%multiple_of3A_19] : memref<16384xi32, #tpu.memory_space<hbm>> -> memref<8192xi32, #tpu.memory_space<hbm>>
    tpu.enqueue_dma source(%dma_start3A_37 : memref<8192xi32, #tpu.memory_space<hbm>>) target(%arg15 : memref<8192xi32, #tpu.memory_space<vmem>>) target_semaphore(%arg17 : memref<!tpu.dma_semaphore, #tpu.memory_space<semaphore_mem>>)
    %dma_start3A_38 = tpu.memref_slice %arg6[%multiple_of3A_19] : memref<16384xi32, #tpu.memory_space<hbm>> -> memref<8192xi32, #tpu.memory_space<hbm>>
    %dma_start3A_39 = tpu.memref_slice %arg6[%multiple_of3A_19] : memref<16384xi32, #tpu.memory_space<hbm>> -> memref<8192xi32, #tpu.memory_space<hbm>>
    tpu.enqueue_dma source(%dma_start3A_39 : memref<8192xi32, #tpu.memory_space<hbm>>) target(%arg16 : memref<8192xi32, #tpu.memory_space<vmem>>) target_semaphore(%arg17 : memref<!tpu.dma_semaphore, #tpu.memory_space<semaphore_mem>>)
    %broadcast_in_dim3A = arith.constant 0.000000e+00 : f32
    %broadcast_in_dim3A_40 = vector.broadcast %broadcast_in_dim3A : f32 to vector<16xf32>
    %broadcast_in_dim3A_41 = arith.constant 0 : i32
    %broadcast_in_dim3A_42 = vector.broadcast %broadcast_in_dim3A_41 : i32 to vector<16xi32>
    %parallel_loop3A = arith.constant 0 : i32
    %parallel_loop3A_43 = arith.constant 128 : i32
    %parallel_loop3A_44 = arith.constant 1 : i32
    scf.for %parallel_loop3A_74 = %parallel_loop3A to %parallel_loop3A_43 step %parallel_loop3A_44  : i32 {
      %parallel_loop3A_75 = arith.constant 16 : i32
      %parallel_loop3A_76 = arith.muli %parallel_loop3A_74, %parallel_loop3A_75 : i32
      %parallel_loop3A_77 = tpu.assume_multiple %parallel_loop3A_76, 16 : i32
      %parallel_loop3A_78 = arith.constant 0 : i32
      %parallel_loop3A_79 = arith.index_cast %parallel_loop3A_78 : i32 to index
      %parallel_loop3A_80 = arith.index_cast %parallel_loop3A_77 : i32 to index
      %parallel_loop3A_81 = tpu.vector_load %arg13[%parallel_loop3A_79, %parallel_loop3A_80] {strides = array<i32>} : memref<4x2048xf32, #tpu.memory_space<vmem>>, vector<16xf32>,
      tpu.vector_store %arg13[%parallel_loop3A_79, %parallel_loop3A_80], %broadcast_in_dim3A_40 {strides = array<i32>} : memref<4x2048xf32, #tpu.memory_space<vmem>>, vector<16xf32>,
      %parallel_loop3A_82 = arith.constant 1 : i32
      %parallel_loop3A_83 = arith.index_cast %parallel_loop3A_82 : i32 to index
      %parallel_loop3A_84 = arith.index_cast %parallel_loop3A_77 : i32 to index
      %parallel_loop3A_85 = tpu.vector_load %arg13[%parallel_loop3A_83, %parallel_loop3A_84] {strides = array<i32>} : memref<4x2048xf32, #tpu.memory_space<vmem>>, vector<16xf32>,
      tpu.vector_store %arg13[%parallel_loop3A_83, %parallel_loop3A_84], %broadcast_in_dim3A_40 {strides = array<i32>} : memref<4x2048xf32, #tpu.memory_space<vmem>>, vector<16xf32>,
      %parallel_loop3A_86 = arith.constant 2 : i32
      %parallel_loop3A_87 = arith.index_cast %parallel_loop3A_86 : i32 to index
      %parallel_loop3A_88 = arith.index_cast %parallel_loop3A_77 : i32 to index
      %parallel_loop3A_89 = tpu.vector_load %arg13[%parallel_loop3A_87, %parallel_loop3A_88] {strides = array<i32>} : memref<4x2048xf32, #tpu.memory_space<vmem>>, vector<16xf32>,
      tpu.vector_store %arg13[%parallel_loop3A_87, %parallel_loop3A_88], %broadcast_in_dim3A_40 {strides = array<i32>} : memref<4x2048xf32, #tpu.memory_space<vmem>>, vector<16xf32>,
      %parallel_loop3A_90 = arith.constant 3 : i32
      %parallel_loop3A_91 = arith.index_cast %parallel_loop3A_90 : i32 to index
      %parallel_loop3A_92 = arith.index_cast %parallel_loop3A_77 : i32 to index
      %parallel_loop3A_93 = tpu.vector_load %arg13[%parallel_loop3A_91, %parallel_loop3A_92] {strides = array<i32>} : memref<4x2048xf32, #tpu.memory_space<vmem>>, vector<16xf32>,
      tpu.vector_store %arg13[%parallel_loop3A_91, %parallel_loop3A_92], %broadcast_in_dim3A_40 {strides = array<i32>} : memref<4x2048xf32, #tpu.memory_space<vmem>>, vector<16xf32>,
      %parallel_loop3A_94 = arith.constant 0 : i32
      %parallel_loop3A_95 = arith.index_cast %parallel_loop3A_94 : i32 to index
      %parallel_loop3A_96 = arith.index_cast %parallel_loop3A_77 : i32 to index
      %parallel_loop3A_97 = tpu.vector_load %arg14[%parallel_loop3A_95, %parallel_loop3A_96] {strides = array<i32>} : memref<1x2048xf32, #tpu.memory_space<vmem>>, vector<16xf32>,
      tpu.vector_store %arg14[%parallel_loop3A_95, %parallel_loop3A_96], %broadcast_in_dim3A_40 {strides = array<i32>} : memref<1x2048xf32, #tpu.memory_space<vmem>>, vector<16xf32>,
    } {sc.loop_unroll_factor = 8 : i64, sc.parallel_access}
    %dma_wait3A = arith.constant 0 : i32
    %dma_wait3A_45 = tpu.memref_slice %arg2[%multiple_of3A, %dma_wait3A] : memref<64x2048xf32, #tpu.memory_space<hbm>> -> memref<4x2048xf32, #tpu.memory_space<hbm>>
    %dma_wait3A_46 = arith.constant 0 : i32
    %dma_wait3A_47 = tpu.memref_slice %arg2[%multiple_of3A, %dma_wait3A_46] : memref<64x2048xf32, #tpu.memory_space<hbm>> -> memref<4x2048xf32, #tpu.memory_space<hbm>>
    tpu.wait_dma2 semaphore(%arg17 : memref<!tpu.dma_semaphore, #tpu.memory_space<semaphore_mem>>) src(%dma_wait3A_47 : memref<4x2048xf32, #tpu.memory_space<hbm>>) dst(%arg9 : memref<4x2048xf32, #tpu.memory_space<vmem>>)
    %dma_wait3A_48 = arith.constant 0 : i32
    %dma_wait3A_49 = tpu.memref_slice %arg3[%multiple_of3A, %dma_wait3A_48] : memref<64x2048xf32, #tpu.memory_space<hbm>> -> memref<4x2048xf32, #tpu.memory_space<hbm>>
    %dma_wait3A_50 = arith.constant 0 : i32
    %dma_wait3A_51 = tpu.memref_slice %arg3[%multiple_of3A, %dma_wait3A_50] : memref<64x2048xf32, #tpu.memory_space<hbm>> -> memref<4x2048xf32, #tpu.memory_space<hbm>>
    tpu.wait_dma2 semaphore(%arg17 : memref<!tpu.dma_semaphore, #tpu.memory_space<semaphore_mem>>) src(%dma_wait3A_51 : memref<4x2048xf32, #tpu.memory_space<hbm>>) dst(%arg10 : memref<4x2048xf32, #tpu.memory_space<vmem>>)
    %dma_wait3A_52 = arith.constant 0 : i32
    %dma_wait3A_53 = tpu.memref_slice %arg4[%select_n3A, %dma_wait3A_52] : memref<8x2048xf32, #tpu.memory_space<hbm>> -> memref<1x2048xf32, #tpu.memory_space<hbm>>
    %dma_wait3A_54 = arith.constant 0 : i32
    %dma_wait3A_55 = tpu.memref_slice %arg4[%select_n3A, %dma_wait3A_54] : memref<8x2048xf32, #tpu.memory_space<hbm>> -> memref<1x2048xf32, #tpu.memory_space<hbm>>
    tpu.wait_dma2 semaphore(%arg17 : memref<!tpu.dma_semaphore, #tpu.memory_space<semaphore_mem>>) src(%dma_wait3A_55 : memref<1x2048xf32, #tpu.memory_space<hbm>>) dst(%arg11 : memref<1x2048xf32, #tpu.memory_space<vmem>>)
    %dma_wait3A_56 = arith.constant 0 : i32
    %dma_wait3A_57 = tpu.memref_slice %arg4[%add3A_31, %dma_wait3A_56] : memref<8x2048xf32, #tpu.memory_space<hbm>> -> memref<1x2048xf32, #tpu.memory_space<hbm>>
    %dma_wait3A_58 = arith.constant 0 : i32
    %dma_wait3A_59 = tpu.memref_slice %arg4[%add3A_31, %dma_wait3A_58] : memref<8x2048xf32, #tpu.memory_space<hbm>> -> memref<1x2048xf32, #tpu.memory_space<hbm>>
    tpu.wait_dma2 semaphore(%arg17 : memref<!tpu.dma_semaphore, #tpu.memory_space<semaphore_mem>>) src(%dma_wait3A_59 : memref<1x2048xf32, #tpu.memory_space<hbm>>) dst(%arg12 : memref<1x2048xf32, #tpu.memory_space<vmem>>)
    %dma_wait3A_60 = tpu.memref_slice %arg5[%multiple_of3A_19] : memref<16384xi32, #tpu.memory_space<hbm>> -> memref<8192xi32, #tpu.memory_space<hbm>>
    %dma_wait3A_61 = tpu.memref_slice %arg5[%multiple_of3A_19] : memref<16384xi32, #tpu.memory_space<hbm>> -> memref<8192xi32, #tpu.memory_space<hbm>>
    tpu.wait_dma2 semaphore(%arg17 : memref<!tpu.dma_semaphore, #tpu.memory_space<semaphore_mem>>) src(%dma_wait3A_61 : memref<8192xi32, #tpu.memory_space<hbm>>) dst(%arg15 : memref<8192xi32, #tpu.memory_space<vmem>>)
    %dma_wait3A_62 = tpu.memref_slice %arg6[%multiple_of3A_19] : memref<16384xi32, #tpu.memory_space<hbm>> -> memref<8192xi32, #tpu.memory_space<hbm>>
    %dma_wait3A_63 = tpu.memref_slice %arg6[%multiple_of3A_19] : memref<16384xi32, #tpu.memory_space<hbm>> -> memref<8192xi32, #tpu.memory_space<hbm>>
    tpu.wait_dma2 semaphore(%arg17 : memref<!tpu.dma_semaphore, #tpu.memory_space<semaphore_mem>>) src(%dma_wait3A_63 : memref<8192xi32, #tpu.memory_space<hbm>>) dst(%arg16 : memref<8192xi32, #tpu.memory_space<vmem>>)
    %parallel_loop3A_64 = arith.constant 0 : i32
    %parallel_loop3A_65 = arith.constant 512 : i32
    %parallel_loop3A_66 = arith.constant 1 : i32
    scf.for %parallel_loop3A_74 = %parallel_loop3A_64 to %parallel_loop3A_65 step %parallel_loop3A_66  : i32 {
      %parallel_loop3A_75 = arith.constant 16 : i32
      %parallel_loop3A_76 = arith.muli %parallel_loop3A_74, %parallel_loop3A_75 : i32
      %parallel_loop3A_77 = tpu.assume_multiple %parallel_loop3A_76, 16 : i32
      %parallel_loop3A_78 = arith.index_cast %parallel_loop3A_77 : i32 to index
      %parallel_loop3A_79 = tpu.vector_load %arg15[%parallel_loop3A_78] {strides = array<i32>} : memref<8192xi32, #tpu.memory_space<vmem>>, vector<16xi32>,
      %parallel_loop3A_80 = arith.index_cast %parallel_loop3A_77 : i32 to index
      %parallel_loop3A_81 = tpu.vector_load %arg16[%parallel_loop3A_80] {strides = array<i32>} : memref<8192xi32, #tpu.memory_space<vmem>>, vector<16xi32>,
      %parallel_loop3A_82 = tpu.vector_load_idx %arg11[%broadcast_in_dim3A_42, %parallel_loop3A_79] : memref<1x2048xf32, #tpu.memory_space<vmem>>[vector<16xi32>, vector<16xi32>], vector<16xf32>,
      %parallel_loop3A_83 = tpu.vector_load_idx %arg12[%broadcast_in_dim3A_42, %parallel_loop3A_81] : memref<1x2048xf32, #tpu.memory_space<vmem>>[vector<16xi32>, vector<16xi32>], vector<16xf32>,
      %parallel_loop3A_84 = arith.addf %parallel_loop3A_82, %parallel_loop3A_83 : vector<16xf32>
      %parallel_loop3A_85 = math.exp %parallel_loop3A_84 : vector<16xf32>
      tpu.vector_store_idx %arg14[%broadcast_in_dim3A_42, %parallel_loop3A_81], %parallel_loop3A_85 {add = true} : memref<1x2048xf32, #tpu.memory_space<vmem>>[vector<16xi32>, vector<16xi32>], vector<16xf32>,
      %parallel_loop3A_86 = arith.constant 0 : i32
      %parallel_loop3A_87 = vector.broadcast %parallel_loop3A_86 : i32 to vector<16xi32>
      %parallel_loop3A_88 = tpu.vector_load_idx %arg9[%parallel_loop3A_87, %parallel_loop3A_79] : memref<4x2048xf32, #tpu.memory_space<vmem>>[vector<16xi32>, vector<16xi32>], vector<16xf32>,
      %parallel_loop3A_89 = tpu.vector_load_idx %arg10[%parallel_loop3A_87, %parallel_loop3A_81] : memref<4x2048xf32, #tpu.memory_space<vmem>>[vector<16xi32>, vector<16xi32>], vector<16xf32>,
      %parallel_loop3A_90 = arith.addf %parallel_loop3A_88, %parallel_loop3A_89 : vector<16xf32>
      %parallel_loop3A_91 = arith.constant 0.000000e+00 : f32
      %parallel_loop3A_92 = vector.broadcast %parallel_loop3A_91 : f32 to vector<16xf32>
      %parallel_loop3A_93 = arith.maximumf %parallel_loop3A_90, %parallel_loop3A_92 : vector<16xf32>
      %parallel_loop3A_94 = arith.mulf %parallel_loop3A_93, %parallel_loop3A_85 : vector<16xf32>
      tpu.vector_store_idx %arg13[%parallel_loop3A_87, %parallel_loop3A_81], %parallel_loop3A_94 {add = true} : memref<4x2048xf32, #tpu.memory_space<vmem>>[vector<16xi32>, vector<16xi32>], vector<16xf32>,
      %parallel_loop3A_95 = arith.constant 1 : i32
      %parallel_loop3A_96 = vector.broadcast %parallel_loop3A_95 : i32 to vector<16xi32>
      %parallel_loop3A_97 = tpu.vector_load_idx %arg9[%parallel_loop3A_96, %parallel_loop3A_79] : memref<4x2048xf32, #tpu.memory_space<vmem>>[vector<16xi32>, vector<16xi32>], vector<16xf32>,
      %parallel_loop3A_98 = tpu.vector_load_idx %arg10[%parallel_loop3A_96, %parallel_loop3A_81] : memref<4x2048xf32, #tpu.memory_space<vmem>>[vector<16xi32>, vector<16xi32>], vector<16xf32>,
      %parallel_loop3A_99 = arith.addf %parallel_loop3A_97, %parallel_loop3A_98 : vector<16xf32>
      %parallel_loop3A_100 = arith.constant 0.000000e+00 : f32
      %parallel_loop3A_101 = vector.broadcast %parallel_loop3A_100 : f32 to vector<16xf32>
      %parallel_loop3A_102 = arith.maximumf %parallel_loop3A_99, %parallel_loop3A_101 : vector<16xf32>
      %parallel_loop3A_103 = arith.mulf %parallel_loop3A_102, %parallel_loop3A_85 : vector<16xf32>
      tpu.vector_store_idx %arg13[%parallel_loop3A_96, %parallel_loop3A_81], %parallel_loop3A_103 {add = true} : memref<4x2048xf32, #tpu.memory_space<vmem>>[vector<16xi32>, vector<16xi32>], vector<16xf32>,
      %parallel_loop3A_104 = arith.constant 2 : i32
      %parallel_loop3A_105 = vector.broadcast %parallel_loop3A_104 : i32 to vector<16xi32>
      %parallel_loop3A_106 = tpu.vector_load_idx %arg9[%parallel_loop3A_105, %parallel_loop3A_79] : memref<4x2048xf32, #tpu.memory_space<vmem>>[vector<16xi32>, vector<16xi32>], vector<16xf32>,
      %parallel_loop3A_107 = tpu.vector_load_idx %arg10[%parallel_loop3A_105, %parallel_loop3A_81] : memref<4x2048xf32, #tpu.memory_space<vmem>>[vector<16xi32>, vector<16xi32>], vector<16xf32>,
      %parallel_loop3A_108 = arith.addf %parallel_loop3A_106, %parallel_loop3A_107 : vector<16xf32>
      %parallel_loop3A_109 = arith.constant 0.000000e+00 : f32
      %parallel_loop3A_110 = vector.broadcast %parallel_loop3A_109 : f32 to vector<16xf32>
      %parallel_loop3A_111 = arith.maximumf %parallel_loop3A_108, %parallel_loop3A_110 : vector<16xf32>
      %parallel_loop3A_112 = arith.mulf %parallel_loop3A_111, %parallel_loop3A_85 : vector<16xf32>
      tpu.vector_store_idx %arg13[%parallel_loop3A_105, %parallel_loop3A_81], %parallel_loop3A_112 {add = true} : memref<4x2048xf32, #tpu.memory_space<vmem>>[vector<16xi32>, vector<16xi32>], vector<16xf32>,
      %parallel_loop3A_113 = arith.constant 3 : i32
      %parallel_loop3A_114 = vector.broadcast %parallel_loop3A_113 : i32 to vector<16xi32>
      %parallel_loop3A_115 = tpu.vector_load_idx %arg9[%parallel_loop3A_114, %parallel_loop3A_79] : memref<4x2048xf32, #tpu.memory_space<vmem>>[vector<16xi32>, vector<16xi32>], vector<16xf32>,
      %parallel_loop3A_116 = tpu.vector_load_idx %arg10[%parallel_loop3A_114, %parallel_loop3A_81] : memref<4x2048xf32, #tpu.memory_space<vmem>>[vector<16xi32>, vector<16xi32>], vector<16xf32>,
      %parallel_loop3A_117 = arith.addf %parallel_loop3A_115, %parallel_loop3A_116 : vector<16xf32>
      %parallel_loop3A_118 = arith.constant 0.000000e+00 : f32
      %parallel_loop3A_119 = vector.broadcast %parallel_loop3A_118 : f32 to vector<16xf32>
      %parallel_loop3A_120 = arith.maximumf %parallel_loop3A_117, %parallel_loop3A_119 : vector<16xf32>
      %parallel_loop3A_121 = arith.mulf %parallel_loop3A_120, %parallel_loop3A_85 : vector<16xf32>
      tpu.vector_store_idx %arg13[%parallel_loop3A_114, %parallel_loop3A_81], %parallel_loop3A_121 {add = true} : memref<4x2048xf32, #tpu.memory_space<vmem>>[vector<16xi32>, vector<16xi32>], vector<16xf32>,
    } {sc.loop_unroll_factor = 1 : i64, sc.parallel_access}
    %mul3A_67 = arith.constant 64 : i32
    %mul3A_68 = arith.muli %arg0, %mul3A_67 : i32
    %add3A_69 = arith.addi %mul3A_68, %multiple_of3A : i32
    "tpu.region"() ({
      %run_scoped3A = tpu.sem_alloc : memref<!tpu.dma_semaphore, #tpu.memory_space<semaphore_mem>>
      %dma_start3A_74 = arith.constant 0 : i32
      %dma_start3A_75 = tpu.memref_slice %arg7[%add3A_69, %dma_start3A_74] : memref<128x2048xf32, #tpu.memory_space<hbm>> -> memref<4x2048xf32, #tpu.memory_space<hbm>>
      %dma_start3A_76 = arith.constant 0 : i32
      %dma_start3A_77 = tpu.memref_slice %arg7[%add3A_69, %dma_start3A_76] : memref<128x2048xf32, #tpu.memory_space<hbm>> -> memref<4x2048xf32, #tpu.memory_space<hbm>>
      tpu.enqueue_dma source(%arg13 : memref<4x2048xf32, #tpu.memory_space<vmem>>) target(%dma_start3A_77 : memref<4x2048xf32, #tpu.memory_space<hbm>>) target_semaphore(%run_scoped3A : memref<!tpu.dma_semaphore, #tpu.memory_space<semaphore_mem>>)
      %dma_wait3A_78 = arith.constant 0 : i32
      %dma_wait3A_79 = tpu.memref_slice %arg7[%add3A_69, %dma_wait3A_78] : memref<128x2048xf32, #tpu.memory_space<hbm>> -> memref<4x2048xf32, #tpu.memory_space<hbm>>
      %dma_wait3A_80 = arith.constant 0 : i32
      %dma_wait3A_81 = tpu.memref_slice %arg7[%add3A_69, %dma_wait3A_80] : memref<128x2048xf32, #tpu.memory_space<hbm>> -> memref<4x2048xf32, #tpu.memory_space<hbm>>
      tpu.wait_dma2 semaphore(%run_scoped3A : memref<!tpu.dma_semaphore, #tpu.memory_space<semaphore_mem>>) src(%arg13 : memref<4x2048xf32, #tpu.memory_space<vmem>>) dst(%dma_wait3A_81 : memref<4x2048xf32, #tpu.memory_space<hbm>>)
      tpu.yield
    }) : () -> ()
    %eq3A = arith.constant 0 : i32
    %eq3A_70 = arith.cmpi eq, %arg1, %eq3A : i32
    %eq3A_71 = arith.constant 8 : i32
    %eq3A_72 = arith.cmpi eq, %arg1, %eq3A_71 : i32
    %or3A = arith.ori %eq3A_70, %eq3A_72 : i1
    %convert_element_type3A = arith.extui %or3A : i1 to i32
    %cond3A = arith.constant 0 : i32
    %cond3A_73 = arith.cmpi ne, %convert_element_type3A, %cond3A : i32
    scf.if %cond3A_73 {
      %mul3A_74 = arith.constant 2 : i32
      %mul3A_75 = arith.muli %arg0, %mul3A_74 : i32
      %add3A_76 = arith.addi %mul3A_75, %select_n3A : i32
      "tpu.region"() ({
        %run_scoped3A = tpu.sem_alloc : memref<!tpu.dma_semaphore, #tpu.memory_space<semaphore_mem>>
        %dma_start3A_77 = arith.constant 0 : i32
        %dma_start3A_78 = tpu.memref_slice %arg8[%add3A_76, %dma_start3A_77] : memref<4x2048xf32, #tpu.memory_space<hbm>> -> memref<1x2048xf32, #tpu.memory_space<hbm>>
        %dma_start3A_79 = arith.constant 0 : i32
        %dma_start3A_80 = tpu.memref_slice %arg8[%add3A_76, %dma_start3A_79] : memref<4x2048xf32, #tpu.memory_space<hbm>> -> memref<1x2048xf32, #tpu.memory_space<hbm>>
        tpu.enqueue_dma source(%arg14 : memref<1x2048xf32, #tpu.memory_space<vmem>>) target(%dma_start3A_80 : memref<1x2048xf32, #tpu.memory_space<hbm>>) target_semaphore(%run_scoped3A : memref<!tpu.dma_semaphore, #tpu.memory_space<semaphore_mem>>)
        %dma_wait3A_81 = arith.constant 0 : i32
        %dma_wait3A_82 = tpu.memref_slice %arg8[%add3A_76, %dma_wait3A_81] : memref<4x2048xf32, #tpu.memory_space<hbm>> -> memref<1x2048xf32, #tpu.memory_space<hbm>>
        %dma_wait3A_83 = arith.constant 0 : i32
        %dma_wait3A_84 = tpu.memref_slice %arg8[%add3A_76, %dma_wait3A_83] : memref<4x2048xf32, #tpu.memory_space<hbm>> -> memref<1x2048xf32, #tpu.memory_space<hbm>>
        tpu.wait_dma2 semaphore(%run_scoped3A : memref<!tpu.dma_semaphore, #tpu.memory_space<semaphore_mem>>) src(%arg14 : memref<1x2048xf32, #tpu.memory_space<vmem>>) dst(%dma_wait3A_84 : memref<1x2048xf32, #tpu.memory_space<hbm>>)
        tpu.yield
      }) : () -> ()
    } else {
    }
    return
  }
}

#map = affine_map<(d0, d1) -> (0, 0)>
#map1 = affine_map<(d0, d1) -> (0)>
module attributes {stable_mosaic.version = 14 : i64} {
  func.func @sc_edge(%arg0: i32, %arg1: i32, %arg2: memref<128x2048xf32, #tpu.memory_space<hbm>>, %arg3: memref<128x2048xf32, #tpu.memory_space<hbm>>, %arg4: memref<8x2048xf32, #tpu.memory_space<hbm>>, %arg5: memref<16384xi32, #tpu.memory_space<hbm>>, %arg6: memref<16384xi32, #tpu.memory_space<hbm>>, %arg7: memref<256x2048xf32, #tpu.memory_space<hbm>>, %arg8: memref<4x2048xf32, #tpu.memory_space<hbm>>, %arg9: memref<8x2048xf32, #tpu.memory_space<vmem>>, %arg10: memref<8x2048xf32, #tpu.memory_space<vmem>>, %arg11: memref<1x2048xf32, #tpu.memory_space<vmem>>, %arg12: memref<1x2048xf32, #tpu.memory_space<vmem>>, %arg13: memref<8x2048xf32, #tpu.memory_space<vmem>>, %arg14: memref<1x2048xf32, #tpu.memory_space<vmem>>, %arg15: memref<8192xi32, #tpu.memory_space<vmem>>, %arg16: memref<8192xi32, #tpu.memory_space<vmem>>, %arg17: memref<!tpu.dma_semaphore, #tpu.memory_space<semaphore_mem>>) attributes {dimension_semantics = [#tpu.dimension_semantics<core_parallel>, #tpu.dimension_semantics<subcore_parallel>], iteration_bounds = array<i64: 2, 16>, scalar_prefetch = 0 : i64, scratch_operands = 9 : i64, tpu.core_type = #tpu.core_type<sc_vector_subcore>, window_params = [{transform_indices = #map}, {transform_indices = #map}, {transform_indices = #map}, {transform_indices = #map1}, {transform_indices = #map1}, {transform_indices = #map}, {transform_indices = #map}]} {
    %jit3A = arith.constant 8 : i32
    %div3A = arith.divsi %arg1, %jit3A : i32
    %sign3A = arith.constant 0 : i32
    %sign3A_0 = arith.cmpi sgt, %arg1, %sign3A : i32
    %sign3A_1 = arith.extui %sign3A_0 : i1 to i32
    %sign3A_2 = arith.constant 0 : i32
    %sign3A_3 = arith.cmpi slt, %arg1, %sign3A_2 : i32
    %sign3A_4 = arith.extui %sign3A_3 : i1 to i32
    %sign3A_5 = arith.subi %sign3A_1, %sign3A_4 : i32
    %sign3A_6 = arith.constant 0 : i32
    %sign3A_7 = arith.cmpi sgt, %jit3A, %sign3A_6 : i32
    %sign3A_8 = arith.extui %sign3A_7 : i1 to i32
    %sign3A_9 = arith.constant 0 : i32
    %sign3A_10 = arith.cmpi slt, %jit3A, %sign3A_9 : i32
    %sign3A_11 = arith.extui %sign3A_10 : i1 to i32
    %sign3A_12 = arith.subi %sign3A_8, %sign3A_11 : i32
    %ne3A = arith.cmpi ne, %sign3A_5, %sign3A_12 : i32
    %rem3A = arith.remsi %arg1, %jit3A : i32
    %ne3A_13 = arith.constant 0 : i32
    %ne3A_14 = arith.cmpi ne, %rem3A, %ne3A_13 : i32
    %and3A = arith.andi %ne3A, %ne3A_14 : i1
    %sub3A = arith.constant 1 : i32
    %sub3A_15 = arith.subi %div3A, %sub3A : i32
    %select_n3A = arith.select %and3A, %sub3A_15, %div3A : i32
    %mul3A = arith.constant 8 : i32
    %mul3A_16 = arith.muli %arg1, %mul3A : i32
    %multiple_of3A = tpu.assume_multiple %mul3A_16, 8 : i32
    %mul3A_17 = arith.constant 8192 : i32
    %mul3A_18 = arith.muli %arg0, %mul3A_17 : i32
    %multiple_of3A_19 = tpu.assume_multiple %mul3A_18, 8192 : i32
    %dma_start3A = arith.constant 0 : i32
    %dma_start3A_20 = tpu.memref_slice %arg2[%multiple_of3A, %dma_start3A] : memref<128x2048xf32, #tpu.memory_space<hbm>> -> memref<8x2048xf32, #tpu.memory_space<hbm>>
    %dma_start3A_21 = arith.constant 0 : i32
    %dma_start3A_22 = tpu.memref_slice %arg2[%multiple_of3A, %dma_start3A_21] : memref<128x2048xf32, #tpu.memory_space<hbm>> -> memref<8x2048xf32, #tpu.memory_space<hbm>>
    tpu.enqueue_dma source(%dma_start3A_22 : memref<8x2048xf32, #tpu.memory_space<hbm>>) target(%arg9 : memref<8x2048xf32, #tpu.memory_space<vmem>>) target_semaphore(%arg17 : memref<!tpu.dma_semaphore, #tpu.memory_space<semaphore_mem>>)
    %dma_start3A_23 = arith.constant 0 : i32
    %dma_start3A_24 = tpu.memref_slice %arg3[%multiple_of3A, %dma_start3A_23] : memref<128x2048xf32, #tpu.memory_space<hbm>> -> memref<8x2048xf32, #tpu.memory_space<hbm>>
    %dma_start3A_25 = arith.constant 0 : i32
    %dma_start3A_26 = tpu.memref_slice %arg3[%multiple_of3A, %dma_start3A_25] : memref<128x2048xf32, #tpu.memory_space<hbm>> -> memref<8x2048xf32, #tpu.memory_space<hbm>>
    tpu.enqueue_dma source(%dma_start3A_26 : memref<8x2048xf32, #tpu.memory_space<hbm>>) target(%arg10 : memref<8x2048xf32, #tpu.memory_space<vmem>>) target_semaphore(%arg17 : memref<!tpu.dma_semaphore, #tpu.memory_space<semaphore_mem>>)
    %dma_start3A_27 = arith.constant 0 : i32
    %dma_start3A_28 = tpu.memref_slice %arg4[%select_n3A, %dma_start3A_27] : memref<8x2048xf32, #tpu.memory_space<hbm>> -> memref<1x2048xf32, #tpu.memory_space<hbm>>
    %dma_start3A_29 = arith.constant 0 : i32
    %dma_start3A_30 = tpu.memref_slice %arg4[%select_n3A, %dma_start3A_29] : memref<8x2048xf32, #tpu.memory_space<hbm>> -> memref<1x2048xf32, #tpu.memory_space<hbm>>
    tpu.enqueue_dma source(%dma_start3A_30 : memref<1x2048xf32, #tpu.memory_space<hbm>>) target(%arg11 : memref<1x2048xf32, #tpu.memory_space<vmem>>) target_semaphore(%arg17 : memref<!tpu.dma_semaphore, #tpu.memory_space<semaphore_mem>>)
    %add3A = arith.constant 2 : i32
    %add3A_31 = arith.addi %add3A, %select_n3A : i32
    %dma_start3A_32 = arith.constant 0 : i32
    %dma_start3A_33 = tpu.memref_slice %arg4[%add3A_31, %dma_start3A_32] : memref<8x2048xf32, #tpu.memory_space<hbm>> -> memref<1x2048xf32, #tpu.memory_space<hbm>>
    %dma_start3A_34 = arith.constant 0 : i32
    %dma_start3A_35 = tpu.memref_slice %arg4[%add3A_31, %dma_start3A_34] : memref<8x2048xf32, #tpu.memory_space<hbm>> -> memref<1x2048xf32, #tpu.memory_space<hbm>>
    tpu.enqueue_dma source(%dma_start3A_35 : memref<1x2048xf32, #tpu.memory_space<hbm>>) target(%arg12 : memref<1x2048xf32, #tpu.memory_space<vmem>>) target_semaphore(%arg17 : memref<!tpu.dma_semaphore, #tpu.memory_space<semaphore_mem>>)
    %dma_start3A_36 = tpu.memref_slice %arg5[%multiple_of3A_19] : memref<16384xi32, #tpu.memory_space<hbm>> -> memref<8192xi32, #tpu.memory_space<hbm>>
    %dma_start3A_37 = tpu.memref_slice %arg5[%multiple_of3A_19] : memref<16384xi32, #tpu.memory_space<hbm>> -> memref<8192xi32, #tpu.memory_space<hbm>>
    tpu.enqueue_dma source(%dma_start3A_37 : memref<8192xi32, #tpu.memory_space<hbm>>) target(%arg15 : memref<8192xi32, #tpu.memory_space<vmem>>) target_semaphore(%arg17 : memref<!tpu.dma_semaphore, #tpu.memory_space<semaphore_mem>>)
    %dma_start3A_38 = tpu.memref_slice %arg6[%multiple_of3A_19] : memref<16384xi32, #tpu.memory_space<hbm>> -> memref<8192xi32, #tpu.memory_space<hbm>>
    %dma_start3A_39 = tpu.memref_slice %arg6[%multiple_of3A_19] : memref<16384xi32, #tpu.memory_space<hbm>> -> memref<8192xi32, #tpu.memory_space<hbm>>
    tpu.enqueue_dma source(%dma_start3A_39 : memref<8192xi32, #tpu.memory_space<hbm>>) target(%arg16 : memref<8192xi32, #tpu.memory_space<vmem>>) target_semaphore(%arg17 : memref<!tpu.dma_semaphore, #tpu.memory_space<semaphore_mem>>)
    %broadcast_in_dim3A = arith.constant 0.000000e+00 : f32
    %broadcast_in_dim3A_40 = vector.broadcast %broadcast_in_dim3A : f32 to vector<16xf32>
    %broadcast_in_dim3A_41 = arith.constant 0 : i32
    %broadcast_in_dim3A_42 = vector.broadcast %broadcast_in_dim3A_41 : i32 to vector<16xi32>
    %parallel_loop3A = arith.constant 0 : i32
    %parallel_loop3A_43 = arith.constant 128 : i32
    %parallel_loop3A_44 = arith.constant 1 : i32
    scf.for %parallel_loop3A_74 = %parallel_loop3A to %parallel_loop3A_43 step %parallel_loop3A_44  : i32 {
      %parallel_loop3A_75 = arith.constant 16 : i32
      %parallel_loop3A_76 = arith.muli %parallel_loop3A_74, %parallel_loop3A_75 : i32
      %parallel_loop3A_77 = tpu.assume_multiple %parallel_loop3A_76, 16 : i32
      %parallel_loop3A_78 = arith.constant 0 : i32
      %parallel_loop3A_79 = arith.index_cast %parallel_loop3A_78 : i32 to index
      %parallel_loop3A_80 = arith.index_cast %parallel_loop3A_77 : i32 to index
      %parallel_loop3A_81 = tpu.vector_load %arg13[%parallel_loop3A_79, %parallel_loop3A_80] {strides = array<i32>} : memref<8x2048xf32, #tpu.memory_space<vmem>>, vector<16xf32>,
      tpu.vector_store %arg13[%parallel_loop3A_79, %parallel_loop3A_80], %broadcast_in_dim3A_40 {strides = array<i32>} : memref<8x2048xf32, #tpu.memory_space<vmem>>, vector<16xf32>,
      %parallel_loop3A_82 = arith.constant 1 : i32
      %parallel_loop3A_83 = arith.index_cast %parallel_loop3A_82 : i32 to index
      %parallel_loop3A_84 = arith.index_cast %parallel_loop3A_77 : i32 to index
      %parallel_loop3A_85 = tpu.vector_load %arg13[%parallel_loop3A_83, %parallel_loop3A_84] {strides = array<i32>} : memref<8x2048xf32, #tpu.memory_space<vmem>>, vector<16xf32>,
      tpu.vector_store %arg13[%parallel_loop3A_83, %parallel_loop3A_84], %broadcast_in_dim3A_40 {strides = array<i32>} : memref<8x2048xf32, #tpu.memory_space<vmem>>, vector<16xf32>,
      %parallel_loop3A_86 = arith.constant 2 : i32
      %parallel_loop3A_87 = arith.index_cast %parallel_loop3A_86 : i32 to index
      %parallel_loop3A_88 = arith.index_cast %parallel_loop3A_77 : i32 to index
      %parallel_loop3A_89 = tpu.vector_load %arg13[%parallel_loop3A_87, %parallel_loop3A_88] {strides = array<i32>} : memref<8x2048xf32, #tpu.memory_space<vmem>>, vector<16xf32>,
      tpu.vector_store %arg13[%parallel_loop3A_87, %parallel_loop3A_88], %broadcast_in_dim3A_40 {strides = array<i32>} : memref<8x2048xf32, #tpu.memory_space<vmem>>, vector<16xf32>,
      %parallel_loop3A_90 = arith.constant 3 : i32
      %parallel_loop3A_91 = arith.index_cast %parallel_loop3A_90 : i32 to index
      %parallel_loop3A_92 = arith.index_cast %parallel_loop3A_77 : i32 to index
      %parallel_loop3A_93 = tpu.vector_load %arg13[%parallel_loop3A_91, %parallel_loop3A_92] {strides = array<i32>} : memref<8x2048xf32, #tpu.memory_space<vmem>>, vector<16xf32>,
      tpu.vector_store %arg13[%parallel_loop3A_91, %parallel_loop3A_92], %broadcast_in_dim3A_40 {strides = array<i32>} : memref<8x2048xf32, #tpu.memory_space<vmem>>, vector<16xf32>,
      %parallel_loop3A_94 = arith.constant 4 : i32
      %parallel_loop3A_95 = arith.index_cast %parallel_loop3A_94 : i32 to index
      %parallel_loop3A_96 = arith.index_cast %parallel_loop3A_77 : i32 to index
      %parallel_loop3A_97 = tpu.vector_load %arg13[%parallel_loop3A_95, %parallel_loop3A_96] {strides = array<i32>} : memref<8x2048xf32, #tpu.memory_space<vmem>>, vector<16xf32>,
      tpu.vector_store %arg13[%parallel_loop3A_95, %parallel_loop3A_96], %broadcast_in_dim3A_40 {strides = array<i32>} : memref<8x2048xf32, #tpu.memory_space<vmem>>, vector<16xf32>,
      %parallel_loop3A_98 = arith.constant 5 : i32
      %parallel_loop3A_99 = arith.index_cast %parallel_loop3A_98 : i32 to index
      %parallel_loop3A_100 = arith.index_cast %parallel_loop3A_77 : i32 to index
      %parallel_loop3A_101 = tpu.vector_load %arg13[%parallel_loop3A_99, %parallel_loop3A_100] {strides = array<i32>} : memref<8x2048xf32, #tpu.memory_space<vmem>>, vector<16xf32>,
      tpu.vector_store %arg13[%parallel_loop3A_99, %parallel_loop3A_100], %broadcast_in_dim3A_40 {strides = array<i32>} : memref<8x2048xf32, #tpu.memory_space<vmem>>, vector<16xf32>,
      %parallel_loop3A_102 = arith.constant 6 : i32
      %parallel_loop3A_103 = arith.index_cast %parallel_loop3A_102 : i32 to index
      %parallel_loop3A_104 = arith.index_cast %parallel_loop3A_77 : i32 to index
      %parallel_loop3A_105 = tpu.vector_load %arg13[%parallel_loop3A_103, %parallel_loop3A_104] {strides = array<i32>} : memref<8x2048xf32, #tpu.memory_space<vmem>>, vector<16xf32>,
      tpu.vector_store %arg13[%parallel_loop3A_103, %parallel_loop3A_104], %broadcast_in_dim3A_40 {strides = array<i32>} : memref<8x2048xf32, #tpu.memory_space<vmem>>, vector<16xf32>,
      %parallel_loop3A_106 = arith.constant 7 : i32
      %parallel_loop3A_107 = arith.index_cast %parallel_loop3A_106 : i32 to index
      %parallel_loop3A_108 = arith.index_cast %parallel_loop3A_77 : i32 to index
      %parallel_loop3A_109 = tpu.vector_load %arg13[%parallel_loop3A_107, %parallel_loop3A_108] {strides = array<i32>} : memref<8x2048xf32, #tpu.memory_space<vmem>>, vector<16xf32>,
      tpu.vector_store %arg13[%parallel_loop3A_107, %parallel_loop3A_108], %broadcast_in_dim3A_40 {strides = array<i32>} : memref<8x2048xf32, #tpu.memory_space<vmem>>, vector<16xf32>,
      %parallel_loop3A_110 = arith.constant 0 : i32
      %parallel_loop3A_111 = arith.index_cast %parallel_loop3A_110 : i32 to index
      %parallel_loop3A_112 = arith.index_cast %parallel_loop3A_77 : i32 to index
      %parallel_loop3A_113 = tpu.vector_load %arg14[%parallel_loop3A_111, %parallel_loop3A_112] {strides = array<i32>} : memref<1x2048xf32, #tpu.memory_space<vmem>>, vector<16xf32>,
      tpu.vector_store %arg14[%parallel_loop3A_111, %parallel_loop3A_112], %broadcast_in_dim3A_40 {strides = array<i32>} : memref<1x2048xf32, #tpu.memory_space<vmem>>, vector<16xf32>,
    } {sc.loop_unroll_factor = 8 : i64, sc.parallel_access}
    %dma_wait3A = arith.constant 0 : i32
    %dma_wait3A_45 = tpu.memref_slice %arg2[%multiple_of3A, %dma_wait3A] : memref<128x2048xf32, #tpu.memory_space<hbm>> -> memref<8x2048xf32, #tpu.memory_space<hbm>>
    %dma_wait3A_46 = arith.constant 0 : i32
    %dma_wait3A_47 = tpu.memref_slice %arg2[%multiple_of3A, %dma_wait3A_46] : memref<128x2048xf32, #tpu.memory_space<hbm>> -> memref<8x2048xf32, #tpu.memory_space<hbm>>
    tpu.wait_dma2 semaphore(%arg17 : memref<!tpu.dma_semaphore, #tpu.memory_space<semaphore_mem>>) src(%dma_wait3A_47 : memref<8x2048xf32, #tpu.memory_space<hbm>>) dst(%arg9 : memref<8x2048xf32, #tpu.memory_space<vmem>>)
    %dma_wait3A_48 = arith.constant 0 : i32
    %dma_wait3A_49 = tpu.memref_slice %arg3[%multiple_of3A, %dma_wait3A_48] : memref<128x2048xf32, #tpu.memory_space<hbm>> -> memref<8x2048xf32, #tpu.memory_space<hbm>>
    %dma_wait3A_50 = arith.constant 0 : i32
    %dma_wait3A_51 = tpu.memref_slice %arg3[%multiple_of3A, %dma_wait3A_50] : memref<128x2048xf32, #tpu.memory_space<hbm>> -> memref<8x2048xf32, #tpu.memory_space<hbm>>
    tpu.wait_dma2 semaphore(%arg17 : memref<!tpu.dma_semaphore, #tpu.memory_space<semaphore_mem>>) src(%dma_wait3A_51 : memref<8x2048xf32, #tpu.memory_space<hbm>>) dst(%arg10 : memref<8x2048xf32, #tpu.memory_space<vmem>>)
    %dma_wait3A_52 = arith.constant 0 : i32
    %dma_wait3A_53 = tpu.memref_slice %arg4[%select_n3A, %dma_wait3A_52] : memref<8x2048xf32, #tpu.memory_space<hbm>> -> memref<1x2048xf32, #tpu.memory_space<hbm>>
    %dma_wait3A_54 = arith.constant 0 : i32
    %dma_wait3A_55 = tpu.memref_slice %arg4[%select_n3A, %dma_wait3A_54] : memref<8x2048xf32, #tpu.memory_space<hbm>> -> memref<1x2048xf32, #tpu.memory_space<hbm>>
    tpu.wait_dma2 semaphore(%arg17 : memref<!tpu.dma_semaphore, #tpu.memory_space<semaphore_mem>>) src(%dma_wait3A_55 : memref<1x2048xf32, #tpu.memory_space<hbm>>) dst(%arg11 : memref<1x2048xf32, #tpu.memory_space<vmem>>)
    %dma_wait3A_56 = arith.constant 0 : i32
    %dma_wait3A_57 = tpu.memref_slice %arg4[%add3A_31, %dma_wait3A_56] : memref<8x2048xf32, #tpu.memory_space<hbm>> -> memref<1x2048xf32, #tpu.memory_space<hbm>>
    %dma_wait3A_58 = arith.constant 0 : i32
    %dma_wait3A_59 = tpu.memref_slice %arg4[%add3A_31, %dma_wait3A_58] : memref<8x2048xf32, #tpu.memory_space<hbm>> -> memref<1x2048xf32, #tpu.memory_space<hbm>>
    tpu.wait_dma2 semaphore(%arg17 : memref<!tpu.dma_semaphore, #tpu.memory_space<semaphore_mem>>) src(%dma_wait3A_59 : memref<1x2048xf32, #tpu.memory_space<hbm>>) dst(%arg12 : memref<1x2048xf32, #tpu.memory_space<vmem>>)
    %dma_wait3A_60 = tpu.memref_slice %arg5[%multiple_of3A_19] : memref<16384xi32, #tpu.memory_space<hbm>> -> memref<8192xi32, #tpu.memory_space<hbm>>
    %dma_wait3A_61 = tpu.memref_slice %arg5[%multiple_of3A_19] : memref<16384xi32, #tpu.memory_space<hbm>> -> memref<8192xi32, #tpu.memory_space<hbm>>
    tpu.wait_dma2 semaphore(%arg17 : memref<!tpu.dma_semaphore, #tpu.memory_space<semaphore_mem>>) src(%dma_wait3A_61 : memref<8192xi32, #tpu.memory_space<hbm>>) dst(%arg15 : memref<8192xi32, #tpu.memory_space<vmem>>)
    %dma_wait3A_62 = tpu.memref_slice %arg6[%multiple_of3A_19] : memref<16384xi32, #tpu.memory_space<hbm>> -> memref<8192xi32, #tpu.memory_space<hbm>>
    %dma_wait3A_63 = tpu.memref_slice %arg6[%multiple_of3A_19] : memref<16384xi32, #tpu.memory_space<hbm>> -> memref<8192xi32, #tpu.memory_space<hbm>>
    tpu.wait_dma2 semaphore(%arg17 : memref<!tpu.dma_semaphore, #tpu.memory_space<semaphore_mem>>) src(%dma_wait3A_63 : memref<8192xi32, #tpu.memory_space<hbm>>) dst(%arg16 : memref<8192xi32, #tpu.memory_space<vmem>>)
    %parallel_loop3A_64 = arith.constant 0 : i32
    %parallel_loop3A_65 = arith.constant 512 : i32
    %parallel_loop3A_66 = arith.constant 1 : i32
    scf.for %parallel_loop3A_74 = %parallel_loop3A_64 to %parallel_loop3A_65 step %parallel_loop3A_66  : i32 {
      %parallel_loop3A_75 = arith.constant 16 : i32
      %parallel_loop3A_76 = arith.muli %parallel_loop3A_74, %parallel_loop3A_75 : i32
      %parallel_loop3A_77 = tpu.assume_multiple %parallel_loop3A_76, 16 : i32
      %parallel_loop3A_78 = arith.index_cast %parallel_loop3A_77 : i32 to index
      %parallel_loop3A_79 = tpu.vector_load %arg15[%parallel_loop3A_78] {strides = array<i32>} : memref<8192xi32, #tpu.memory_space<vmem>>, vector<16xi32>,
      %parallel_loop3A_80 = arith.index_cast %parallel_loop3A_77 : i32 to index
      %parallel_loop3A_81 = tpu.vector_load %arg16[%parallel_loop3A_80] {strides = array<i32>} : memref<8192xi32, #tpu.memory_space<vmem>>, vector<16xi32>,
      %parallel_loop3A_82 = tpu.vector_load_idx %arg11[%broadcast_in_dim3A_42, %parallel_loop3A_79] : memref<1x2048xf32, #tpu.memory_space<vmem>>[vector<16xi32>, vector<16xi32>], vector<16xf32>,
      %parallel_loop3A_83 = tpu.vector_load_idx %arg12[%broadcast_in_dim3A_42, %parallel_loop3A_81] : memref<1x2048xf32, #tpu.memory_space<vmem>>[vector<16xi32>, vector<16xi32>], vector<16xf32>,
      %parallel_loop3A_84 = arith.addf %parallel_loop3A_82, %parallel_loop3A_83 : vector<16xf32>
      %parallel_loop3A_85 = math.exp %parallel_loop3A_84 : vector<16xf32>
      tpu.vector_store_idx %arg14[%broadcast_in_dim3A_42, %parallel_loop3A_81], %parallel_loop3A_85 {add = true} : memref<1x2048xf32, #tpu.memory_space<vmem>>[vector<16xi32>, vector<16xi32>], vector<16xf32>,
      %parallel_loop3A_86 = arith.constant 0 : i32
      %parallel_loop3A_87 = vector.broadcast %parallel_loop3A_86 : i32 to vector<16xi32>
      %parallel_loop3A_88 = tpu.vector_load_idx %arg9[%parallel_loop3A_87, %parallel_loop3A_79] : memref<8x2048xf32, #tpu.memory_space<vmem>>[vector<16xi32>, vector<16xi32>], vector<16xf32>,
      %parallel_loop3A_89 = tpu.vector_load_idx %arg10[%parallel_loop3A_87, %parallel_loop3A_81] : memref<8x2048xf32, #tpu.memory_space<vmem>>[vector<16xi32>, vector<16xi32>], vector<16xf32>,
      %parallel_loop3A_90 = arith.addf %parallel_loop3A_88, %parallel_loop3A_89 : vector<16xf32>
      %parallel_loop3A_91 = arith.constant 0.000000e+00 : f32
      %parallel_loop3A_92 = vector.broadcast %parallel_loop3A_91 : f32 to vector<16xf32>
      %parallel_loop3A_93 = arith.maximumf %parallel_loop3A_90, %parallel_loop3A_92 : vector<16xf32>
      %parallel_loop3A_94 = arith.mulf %parallel_loop3A_93, %parallel_loop3A_85 : vector<16xf32>
      tpu.vector_store_idx %arg13[%parallel_loop3A_87, %parallel_loop3A_81], %parallel_loop3A_94 {add = true} : memref<8x2048xf32, #tpu.memory_space<vmem>>[vector<16xi32>, vector<16xi32>], vector<16xf32>,
      %parallel_loop3A_95 = arith.constant 1 : i32
      %parallel_loop3A_96 = vector.broadcast %parallel_loop3A_95 : i32 to vector<16xi32>
      %parallel_loop3A_97 = tpu.vector_load_idx %arg9[%parallel_loop3A_96, %parallel_loop3A_79] : memref<8x2048xf32, #tpu.memory_space<vmem>>[vector<16xi32>, vector<16xi32>], vector<16xf32>,
      %parallel_loop3A_98 = tpu.vector_load_idx %arg10[%parallel_loop3A_96, %parallel_loop3A_81] : memref<8x2048xf32, #tpu.memory_space<vmem>>[vector<16xi32>, vector<16xi32>], vector<16xf32>,
      %parallel_loop3A_99 = arith.addf %parallel_loop3A_97, %parallel_loop3A_98 : vector<16xf32>
      %parallel_loop3A_100 = arith.constant 0.000000e+00 : f32
      %parallel_loop3A_101 = vector.broadcast %parallel_loop3A_100 : f32 to vector<16xf32>
      %parallel_loop3A_102 = arith.maximumf %parallel_loop3A_99, %parallel_loop3A_101 : vector<16xf32>
      %parallel_loop3A_103 = arith.mulf %parallel_loop3A_102, %parallel_loop3A_85 : vector<16xf32>
      tpu.vector_store_idx %arg13[%parallel_loop3A_96, %parallel_loop3A_81], %parallel_loop3A_103 {add = true} : memref<8x2048xf32, #tpu.memory_space<vmem>>[vector<16xi32>, vector<16xi32>], vector<16xf32>,
      %parallel_loop3A_104 = arith.constant 2 : i32
      %parallel_loop3A_105 = vector.broadcast %parallel_loop3A_104 : i32 to vector<16xi32>
      %parallel_loop3A_106 = tpu.vector_load_idx %arg9[%parallel_loop3A_105, %parallel_loop3A_79] : memref<8x2048xf32, #tpu.memory_space<vmem>>[vector<16xi32>, vector<16xi32>], vector<16xf32>,
      %parallel_loop3A_107 = tpu.vector_load_idx %arg10[%parallel_loop3A_105, %parallel_loop3A_81] : memref<8x2048xf32, #tpu.memory_space<vmem>>[vector<16xi32>, vector<16xi32>], vector<16xf32>,
      %parallel_loop3A_108 = arith.addf %parallel_loop3A_106, %parallel_loop3A_107 : vector<16xf32>
      %parallel_loop3A_109 = arith.constant 0.000000e+00 : f32
      %parallel_loop3A_110 = vector.broadcast %parallel_loop3A_109 : f32 to vector<16xf32>
      %parallel_loop3A_111 = arith.maximumf %parallel_loop3A_108, %parallel_loop3A_110 : vector<16xf32>
      %parallel_loop3A_112 = arith.mulf %parallel_loop3A_111, %parallel_loop3A_85 : vector<16xf32>
      tpu.vector_store_idx %arg13[%parallel_loop3A_105, %parallel_loop3A_81], %parallel_loop3A_112 {add = true} : memref<8x2048xf32, #tpu.memory_space<vmem>>[vector<16xi32>, vector<16xi32>], vector<16xf32>,
      %parallel_loop3A_113 = arith.constant 3 : i32
      %parallel_loop3A_114 = vector.broadcast %parallel_loop3A_113 : i32 to vector<16xi32>
      %parallel_loop3A_115 = tpu.vector_load_idx %arg9[%parallel_loop3A_114, %parallel_loop3A_79] : memref<8x2048xf32, #tpu.memory_space<vmem>>[vector<16xi32>, vector<16xi32>], vector<16xf32>,
      %parallel_loop3A_116 = tpu.vector_load_idx %arg10[%parallel_loop3A_114, %parallel_loop3A_81] : memref<8x2048xf32, #tpu.memory_space<vmem>>[vector<16xi32>, vector<16xi32>], vector<16xf32>,
      %parallel_loop3A_117 = arith.addf %parallel_loop3A_115, %parallel_loop3A_116 : vector<16xf32>
      %parallel_loop3A_118 = arith.constant 0.000000e+00 : f32
      %parallel_loop3A_119 = vector.broadcast %parallel_loop3A_118 : f32 to vector<16xf32>
      %parallel_loop3A_120 = arith.maximumf %parallel_loop3A_117, %parallel_loop3A_119 : vector<16xf32>
      %parallel_loop3A_121 = arith.mulf %parallel_loop3A_120, %parallel_loop3A_85 : vector<16xf32>
      tpu.vector_store_idx %arg13[%parallel_loop3A_114, %parallel_loop3A_81], %parallel_loop3A_121 {add = true} : memref<8x2048xf32, #tpu.memory_space<vmem>>[vector<16xi32>, vector<16xi32>], vector<16xf32>,
      %parallel_loop3A_122 = arith.constant 4 : i32
      %parallel_loop3A_123 = vector.broadcast %parallel_loop3A_122 : i32 to vector<16xi32>
      %parallel_loop3A_124 = tpu.vector_load_idx %arg9[%parallel_loop3A_123, %parallel_loop3A_79] : memref<8x2048xf32, #tpu.memory_space<vmem>>[vector<16xi32>, vector<16xi32>], vector<16xf32>,
      %parallel_loop3A_125 = tpu.vector_load_idx %arg10[%parallel_loop3A_123, %parallel_loop3A_81] : memref<8x2048xf32, #tpu.memory_space<vmem>>[vector<16xi32>, vector<16xi32>], vector<16xf32>,
      %parallel_loop3A_126 = arith.addf %parallel_loop3A_124, %parallel_loop3A_125 : vector<16xf32>
      %parallel_loop3A_127 = arith.constant 0.000000e+00 : f32
      %parallel_loop3A_128 = vector.broadcast %parallel_loop3A_127 : f32 to vector<16xf32>
      %parallel_loop3A_129 = arith.maximumf %parallel_loop3A_126, %parallel_loop3A_128 : vector<16xf32>
      %parallel_loop3A_130 = arith.mulf %parallel_loop3A_129, %parallel_loop3A_85 : vector<16xf32>
      tpu.vector_store_idx %arg13[%parallel_loop3A_123, %parallel_loop3A_81], %parallel_loop3A_130 {add = true} : memref<8x2048xf32, #tpu.memory_space<vmem>>[vector<16xi32>, vector<16xi32>], vector<16xf32>,
      %parallel_loop3A_131 = arith.constant 5 : i32
      %parallel_loop3A_132 = vector.broadcast %parallel_loop3A_131 : i32 to vector<16xi32>
      %parallel_loop3A_133 = tpu.vector_load_idx %arg9[%parallel_loop3A_132, %parallel_loop3A_79] : memref<8x2048xf32, #tpu.memory_space<vmem>>[vector<16xi32>, vector<16xi32>], vector<16xf32>,
      %parallel_loop3A_134 = tpu.vector_load_idx %arg10[%parallel_loop3A_132, %parallel_loop3A_81] : memref<8x2048xf32, #tpu.memory_space<vmem>>[vector<16xi32>, vector<16xi32>], vector<16xf32>,
      %parallel_loop3A_135 = arith.addf %parallel_loop3A_133, %parallel_loop3A_134 : vector<16xf32>
      %parallel_loop3A_136 = arith.constant 0.000000e+00 : f32
      %parallel_loop3A_137 = vector.broadcast %parallel_loop3A_136 : f32 to vector<16xf32>
      %parallel_loop3A_138 = arith.maximumf %parallel_loop3A_135, %parallel_loop3A_137 : vector<16xf32>
      %parallel_loop3A_139 = arith.mulf %parallel_loop3A_138, %parallel_loop3A_85 : vector<16xf32>
      tpu.vector_store_idx %arg13[%parallel_loop3A_132, %parallel_loop3A_81], %parallel_loop3A_139 {add = true} : memref<8x2048xf32, #tpu.memory_space<vmem>>[vector<16xi32>, vector<16xi32>], vector<16xf32>,
      %parallel_loop3A_140 = arith.constant 6 : i32
      %parallel_loop3A_141 = vector.broadcast %parallel_loop3A_140 : i32 to vector<16xi32>
      %parallel_loop3A_142 = tpu.vector_load_idx %arg9[%parallel_loop3A_141, %parallel_loop3A_79] : memref<8x2048xf32, #tpu.memory_space<vmem>>[vector<16xi32>, vector<16xi32>], vector<16xf32>,
      %parallel_loop3A_143 = tpu.vector_load_idx %arg10[%parallel_loop3A_141, %parallel_loop3A_81] : memref<8x2048xf32, #tpu.memory_space<vmem>>[vector<16xi32>, vector<16xi32>], vector<16xf32>,
      %parallel_loop3A_144 = arith.addf %parallel_loop3A_142, %parallel_loop3A_143 : vector<16xf32>
      %parallel_loop3A_145 = arith.constant 0.000000e+00 : f32
      %parallel_loop3A_146 = vector.broadcast %parallel_loop3A_145 : f32 to vector<16xf32>
      %parallel_loop3A_147 = arith.maximumf %parallel_loop3A_144, %parallel_loop3A_146 : vector<16xf32>
      %parallel_loop3A_148 = arith.mulf %parallel_loop3A_147, %parallel_loop3A_85 : vector<16xf32>
      tpu.vector_store_idx %arg13[%parallel_loop3A_141, %parallel_loop3A_81], %parallel_loop3A_148 {add = true} : memref<8x2048xf32, #tpu.memory_space<vmem>>[vector<16xi32>, vector<16xi32>], vector<16xf32>,
      %parallel_loop3A_149 = arith.constant 7 : i32
      %parallel_loop3A_150 = vector.broadcast %parallel_loop3A_149 : i32 to vector<16xi32>
      %parallel_loop3A_151 = tpu.vector_load_idx %arg9[%parallel_loop3A_150, %parallel_loop3A_79] : memref<8x2048xf32, #tpu.memory_space<vmem>>[vector<16xi32>, vector<16xi32>], vector<16xf32>,
      %parallel_loop3A_152 = tpu.vector_load_idx %arg10[%parallel_loop3A_150, %parallel_loop3A_81] : memref<8x2048xf32, #tpu.memory_space<vmem>>[vector<16xi32>, vector<16xi32>], vector<16xf32>,
      %parallel_loop3A_153 = arith.addf %parallel_loop3A_151, %parallel_loop3A_152 : vector<16xf32>
      %parallel_loop3A_154 = arith.constant 0.000000e+00 : f32
      %parallel_loop3A_155 = vector.broadcast %parallel_loop3A_154 : f32 to vector<16xf32>
      %parallel_loop3A_156 = arith.maximumf %parallel_loop3A_153, %parallel_loop3A_155 : vector<16xf32>
      %parallel_loop3A_157 = arith.mulf %parallel_loop3A_156, %parallel_loop3A_85 : vector<16xf32>
      tpu.vector_store_idx %arg13[%parallel_loop3A_150, %parallel_loop3A_81], %parallel_loop3A_157 {add = true} : memref<8x2048xf32, #tpu.memory_space<vmem>>[vector<16xi32>, vector<16xi32>], vector<16xf32>,
    } {sc.loop_unroll_factor = 1 : i64, sc.parallel_access}
    %mul3A_67 = arith.constant 128 : i32
    %mul3A_68 = arith.muli %arg0, %mul3A_67 : i32
    %add3A_69 = arith.addi %mul3A_68, %multiple_of3A : i32
    "tpu.region"() ({
      %run_scoped3A = tpu.sem_alloc : memref<!tpu.dma_semaphore, #tpu.memory_space<semaphore_mem>>
      %dma_start3A_74 = arith.constant 0 : i32
      %dma_start3A_75 = tpu.memref_slice %arg7[%add3A_69, %dma_start3A_74] : memref<256x2048xf32, #tpu.memory_space<hbm>> -> memref<8x2048xf32, #tpu.memory_space<hbm>>
      %dma_start3A_76 = arith.constant 0 : i32
      %dma_start3A_77 = tpu.memref_slice %arg7[%add3A_69, %dma_start3A_76] : memref<256x2048xf32, #tpu.memory_space<hbm>> -> memref<8x2048xf32, #tpu.memory_space<hbm>>
      tpu.enqueue_dma source(%arg13 : memref<8x2048xf32, #tpu.memory_space<vmem>>) target(%dma_start3A_77 : memref<8x2048xf32, #tpu.memory_space<hbm>>) target_semaphore(%run_scoped3A : memref<!tpu.dma_semaphore, #tpu.memory_space<semaphore_mem>>)
      %dma_wait3A_78 = arith.constant 0 : i32
      %dma_wait3A_79 = tpu.memref_slice %arg7[%add3A_69, %dma_wait3A_78] : memref<256x2048xf32, #tpu.memory_space<hbm>> -> memref<8x2048xf32, #tpu.memory_space<hbm>>
      %dma_wait3A_80 = arith.constant 0 : i32
      %dma_wait3A_81 = tpu.memref_slice %arg7[%add3A_69, %dma_wait3A_80] : memref<256x2048xf32, #tpu.memory_space<hbm>> -> memref<8x2048xf32, #tpu.memory_space<hbm>>
      tpu.wait_dma2 semaphore(%run_scoped3A : memref<!tpu.dma_semaphore, #tpu.memory_space<semaphore_mem>>) src(%arg13 : memref<8x2048xf32, #tpu.memory_space<vmem>>) dst(%dma_wait3A_81 : memref<8x2048xf32, #tpu.memory_space<hbm>>)
      tpu.yield
    }) : () -> ()
    %eq3A = arith.constant 0 : i32
    %eq3A_70 = arith.cmpi eq, %arg1, %eq3A : i32
    %eq3A_71 = arith.constant 8 : i32
    %eq3A_72 = arith.cmpi eq, %arg1, %eq3A_71 : i32
    %or3A = arith.ori %eq3A_70, %eq3A_72 : i1
    %convert_element_type3A = arith.extui %or3A : i1 to i32
    %cond3A = arith.constant 0 : i32
    %cond3A_73 = arith.cmpi ne, %convert_element_type3A, %cond3A : i32
    scf.if %cond3A_73 {
      %mul3A_74 = arith.constant 2 : i32
      %mul3A_75 = arith.muli %arg0, %mul3A_74 : i32
      %add3A_76 = arith.addi %mul3A_75, %select_n3A : i32
      "tpu.region"() ({
        %run_scoped3A = tpu.sem_alloc : memref<!tpu.dma_semaphore, #tpu.memory_space<semaphore_mem>>
        %dma_start3A_77 = arith.constant 0 : i32
        %dma_start3A_78 = tpu.memref_slice %arg8[%add3A_76, %dma_start3A_77] : memref<4x2048xf32, #tpu.memory_space<hbm>> -> memref<1x2048xf32, #tpu.memory_space<hbm>>
        %dma_start3A_79 = arith.constant 0 : i32
        %dma_start3A_80 = tpu.memref_slice %arg8[%add3A_76, %dma_start3A_79] : memref<4x2048xf32, #tpu.memory_space<hbm>> -> memref<1x2048xf32, #tpu.memory_space<hbm>>
        tpu.enqueue_dma source(%arg14 : memref<1x2048xf32, #tpu.memory_space<vmem>>) target(%dma_start3A_80 : memref<1x2048xf32, #tpu.memory_space<hbm>>) target_semaphore(%run_scoped3A : memref<!tpu.dma_semaphore, #tpu.memory_space<semaphore_mem>>)
        %dma_wait3A_81 = arith.constant 0 : i32
        %dma_wait3A_82 = tpu.memref_slice %arg8[%add3A_76, %dma_wait3A_81] : memref<4x2048xf32, #tpu.memory_space<hbm>> -> memref<1x2048xf32, #tpu.memory_space<hbm>>
        %dma_wait3A_83 = arith.constant 0 : i32
        %dma_wait3A_84 = tpu.memref_slice %arg8[%add3A_76, %dma_wait3A_83] : memref<4x2048xf32, #tpu.memory_space<hbm>> -> memref<1x2048xf32, #tpu.memory_space<hbm>>
        tpu.wait_dma2 semaphore(%run_scoped3A : memref<!tpu.dma_semaphore, #tpu.memory_space<semaphore_mem>>) src(%arg14 : memref<1x2048xf32, #tpu.memory_space<vmem>>) dst(%dma_wait3A_84 : memref<1x2048xf32, #tpu.memory_space<hbm>>)
        tpu.yield
      }) : () -> ()
    } else {
    }
    return
  }
}

#map = affine_map<(d0, d1) -> (0, 0)>
#map1 = affine_map<(d0, d1) -> (0)>
module attributes {stable_mosaic.version = 14 : i64} {
  func.func @sc_edge(%arg0: i32, %arg1: i32, %arg2: memref<128x2048xf32, #tpu.memory_space<hbm>>, %arg3: memref<128x2048xf32, #tpu.memory_space<hbm>>, %arg4: memref<8x2048xf32, #tpu.memory_space<hbm>>, %arg5: memref<16384xi32, #tpu.memory_space<hbm>>, %arg6: memref<16384xi32, #tpu.memory_space<hbm>>, %arg7: memref<256x2048xf32, #tpu.memory_space<hbm>>, %arg8: memref<4x2048xf32, #tpu.memory_space<hbm>>, %arg9: memref<8x2048xf32, #tpu.memory_space<vmem>>, %arg10: memref<8x2048xf32, #tpu.memory_space<vmem>>, %arg11: memref<1x2048xf32, #tpu.memory_space<vmem>>, %arg12: memref<1x2048xf32, #tpu.memory_space<vmem>>, %arg13: memref<8x2048xf32, #tpu.memory_space<vmem>>, %arg14: memref<1x2048xf32, #tpu.memory_space<vmem>>, %arg15: memref<8192xi32, #tpu.memory_space<vmem>>, %arg16: memref<8192xi32, #tpu.memory_space<vmem>>, %arg17: memref<!tpu.dma_semaphore, #tpu.memory_space<semaphore_mem>>) attributes {dimension_semantics = [#tpu.dimension_semantics<core_parallel>, #tpu.dimension_semantics<subcore_parallel>], iteration_bounds = array<i64: 2, 16>, scalar_prefetch = 0 : i64, scratch_operands = 9 : i64, tpu.core_type = #tpu.core_type<sc_vector_subcore>, window_params = [{transform_indices = #map}, {transform_indices = #map}, {transform_indices = #map}, {transform_indices = #map1}, {transform_indices = #map1}, {transform_indices = #map}, {transform_indices = #map}]} {
    %jit3A = arith.constant 8 : i32
    %div3A = arith.divsi %arg1, %jit3A : i32
    %sign3A = arith.constant 0 : i32
    %sign3A_0 = arith.cmpi sgt, %arg1, %sign3A : i32
    %sign3A_1 = arith.extui %sign3A_0 : i1 to i32
    %sign3A_2 = arith.constant 0 : i32
    %sign3A_3 = arith.cmpi slt, %arg1, %sign3A_2 : i32
    %sign3A_4 = arith.extui %sign3A_3 : i1 to i32
    %sign3A_5 = arith.subi %sign3A_1, %sign3A_4 : i32
    %sign3A_6 = arith.constant 0 : i32
    %sign3A_7 = arith.cmpi sgt, %jit3A, %sign3A_6 : i32
    %sign3A_8 = arith.extui %sign3A_7 : i1 to i32
    %sign3A_9 = arith.constant 0 : i32
    %sign3A_10 = arith.cmpi slt, %jit3A, %sign3A_9 : i32
    %sign3A_11 = arith.extui %sign3A_10 : i1 to i32
    %sign3A_12 = arith.subi %sign3A_8, %sign3A_11 : i32
    %ne3A = arith.cmpi ne, %sign3A_5, %sign3A_12 : i32
    %rem3A = arith.remsi %arg1, %jit3A : i32
    %ne3A_13 = arith.constant 0 : i32
    %ne3A_14 = arith.cmpi ne, %rem3A, %ne3A_13 : i32
    %and3A = arith.andi %ne3A, %ne3A_14 : i1
    %sub3A = arith.constant 1 : i32
    %sub3A_15 = arith.subi %div3A, %sub3A : i32
    %select_n3A = arith.select %and3A, %sub3A_15, %div3A : i32
    %mul3A = arith.constant 8 : i32
    %mul3A_16 = arith.muli %arg1, %mul3A : i32
    %multiple_of3A = tpu.assume_multiple %mul3A_16, 8 : i32
    %mul3A_17 = arith.constant 8192 : i32
    %mul3A_18 = arith.muli %arg0, %mul3A_17 : i32
    %multiple_of3A_19 = tpu.assume_multiple %mul3A_18, 8192 : i32
    %dma_start3A = arith.constant 0 : i32
    %dma_start3A_20 = tpu.memref_slice %arg2[%multiple_of3A, %dma_start3A] : memref<128x2048xf32, #tpu.memory_space<hbm>> -> memref<8x2048xf32, #tpu.memory_space<hbm>>
    %dma_start3A_21 = arith.constant 0 : i32
    %dma_start3A_22 = tpu.memref_slice %arg2[%multiple_of3A, %dma_start3A_21] : memref<128x2048xf32, #tpu.memory_space<hbm>> -> memref<8x2048xf32, #tpu.memory_space<hbm>>
    tpu.enqueue_dma source(%dma_start3A_22 : memref<8x2048xf32, #tpu.memory_space<hbm>>) target(%arg9 : memref<8x2048xf32, #tpu.memory_space<vmem>>) target_semaphore(%arg17 : memref<!tpu.dma_semaphore, #tpu.memory_space<semaphore_mem>>)
    %dma_start3A_23 = arith.constant 0 : i32
    %dma_start3A_24 = tpu.memref_slice %arg3[%multiple_of3A, %dma_start3A_23] : memref<128x2048xf32, #tpu.memory_space<hbm>> -> memref<8x2048xf32, #tpu.memory_space<hbm>>
    %dma_start3A_25 = arith.constant 0 : i32
    %dma_start3A_26 = tpu.memref_slice %arg3[%multiple_of3A, %dma_start3A_25] : memref<128x2048xf32, #tpu.memory_space<hbm>> -> memref<8x2048xf32, #tpu.memory_space<hbm>>
    tpu.enqueue_dma source(%dma_start3A_26 : memref<8x2048xf32, #tpu.memory_space<hbm>>) target(%arg10 : memref<8x2048xf32, #tpu.memory_space<vmem>>) target_semaphore(%arg17 : memref<!tpu.dma_semaphore, #tpu.memory_space<semaphore_mem>>)
    %dma_start3A_27 = arith.constant 0 : i32
    %dma_start3A_28 = tpu.memref_slice %arg4[%select_n3A, %dma_start3A_27] : memref<8x2048xf32, #tpu.memory_space<hbm>> -> memref<1x2048xf32, #tpu.memory_space<hbm>>
    %dma_start3A_29 = arith.constant 0 : i32
    %dma_start3A_30 = tpu.memref_slice %arg4[%select_n3A, %dma_start3A_29] : memref<8x2048xf32, #tpu.memory_space<hbm>> -> memref<1x2048xf32, #tpu.memory_space<hbm>>
    tpu.enqueue_dma source(%dma_start3A_30 : memref<1x2048xf32, #tpu.memory_space<hbm>>) target(%arg11 : memref<1x2048xf32, #tpu.memory_space<vmem>>) target_semaphore(%arg17 : memref<!tpu.dma_semaphore, #tpu.memory_space<semaphore_mem>>)
    %add3A = arith.constant 2 : i32
    %add3A_31 = arith.addi %add3A, %select_n3A : i32
    %dma_start3A_32 = arith.constant 0 : i32
    %dma_start3A_33 = tpu.memref_slice %arg4[%add3A_31, %dma_start3A_32] : memref<8x2048xf32, #tpu.memory_space<hbm>> -> memref<1x2048xf32, #tpu.memory_space<hbm>>
    %dma_start3A_34 = arith.constant 0 : i32
    %dma_start3A_35 = tpu.memref_slice %arg4[%add3A_31, %dma_start3A_34] : memref<8x2048xf32, #tpu.memory_space<hbm>> -> memref<1x2048xf32, #tpu.memory_space<hbm>>
    tpu.enqueue_dma source(%dma_start3A_35 : memref<1x2048xf32, #tpu.memory_space<hbm>>) target(%arg12 : memref<1x2048xf32, #tpu.memory_space<vmem>>) target_semaphore(%arg17 : memref<!tpu.dma_semaphore, #tpu.memory_space<semaphore_mem>>)
    %dma_start3A_36 = tpu.memref_slice %arg5[%multiple_of3A_19] : memref<16384xi32, #tpu.memory_space<hbm>> -> memref<8192xi32, #tpu.memory_space<hbm>>
    %dma_start3A_37 = tpu.memref_slice %arg5[%multiple_of3A_19] : memref<16384xi32, #tpu.memory_space<hbm>> -> memref<8192xi32, #tpu.memory_space<hbm>>
    tpu.enqueue_dma source(%dma_start3A_37 : memref<8192xi32, #tpu.memory_space<hbm>>) target(%arg15 : memref<8192xi32, #tpu.memory_space<vmem>>) target_semaphore(%arg17 : memref<!tpu.dma_semaphore, #tpu.memory_space<semaphore_mem>>)
    %dma_start3A_38 = tpu.memref_slice %arg6[%multiple_of3A_19] : memref<16384xi32, #tpu.memory_space<hbm>> -> memref<8192xi32, #tpu.memory_space<hbm>>
    %dma_start3A_39 = tpu.memref_slice %arg6[%multiple_of3A_19] : memref<16384xi32, #tpu.memory_space<hbm>> -> memref<8192xi32, #tpu.memory_space<hbm>>
    tpu.enqueue_dma source(%dma_start3A_39 : memref<8192xi32, #tpu.memory_space<hbm>>) target(%arg16 : memref<8192xi32, #tpu.memory_space<vmem>>) target_semaphore(%arg17 : memref<!tpu.dma_semaphore, #tpu.memory_space<semaphore_mem>>)
    %broadcast_in_dim3A = arith.constant 0.000000e+00 : f32
    %broadcast_in_dim3A_40 = vector.broadcast %broadcast_in_dim3A : f32 to vector<16xf32>
    %broadcast_in_dim3A_41 = arith.constant 0 : i32
    %broadcast_in_dim3A_42 = vector.broadcast %broadcast_in_dim3A_41 : i32 to vector<16xi32>
    %parallel_loop3A = arith.constant 0 : i32
    %parallel_loop3A_43 = arith.constant 128 : i32
    %parallel_loop3A_44 = arith.constant 1 : i32
    scf.for %parallel_loop3A_74 = %parallel_loop3A to %parallel_loop3A_43 step %parallel_loop3A_44  : i32 {
      %parallel_loop3A_75 = arith.constant 16 : i32
      %parallel_loop3A_76 = arith.muli %parallel_loop3A_74, %parallel_loop3A_75 : i32
      %parallel_loop3A_77 = tpu.assume_multiple %parallel_loop3A_76, 16 : i32
      %parallel_loop3A_78 = arith.constant 0 : i32
      %parallel_loop3A_79 = arith.index_cast %parallel_loop3A_78 : i32 to index
      %parallel_loop3A_80 = arith.index_cast %parallel_loop3A_77 : i32 to index
      %parallel_loop3A_81 = tpu.vector_load %arg13[%parallel_loop3A_79, %parallel_loop3A_80] {strides = array<i32>} : memref<8x2048xf32, #tpu.memory_space<vmem>>, vector<16xf32>,
      tpu.vector_store %arg13[%parallel_loop3A_79, %parallel_loop3A_80], %broadcast_in_dim3A_40 {strides = array<i32>} : memref<8x2048xf32, #tpu.memory_space<vmem>>, vector<16xf32>,
      %parallel_loop3A_82 = arith.constant 1 : i32
      %parallel_loop3A_83 = arith.index_cast %parallel_loop3A_82 : i32 to index
      %parallel_loop3A_84 = arith.index_cast %parallel_loop3A_77 : i32 to index
      %parallel_loop3A_85 = tpu.vector_load %arg13[%parallel_loop3A_83, %parallel_loop3A_84] {strides = array<i32>} : memref<8x2048xf32, #tpu.memory_space<vmem>>, vector<16xf32>,
      tpu.vector_store %arg13[%parallel_loop3A_83, %parallel_loop3A_84], %broadcast_in_dim3A_40 {strides = array<i32>} : memref<8x2048xf32, #tpu.memory_space<vmem>>, vector<16xf32>,
      %parallel_loop3A_86 = arith.constant 2 : i32
      %parallel_loop3A_87 = arith.index_cast %parallel_loop3A_86 : i32 to index
      %parallel_loop3A_88 = arith.index_cast %parallel_loop3A_77 : i32 to index
      %parallel_loop3A_89 = tpu.vector_load %arg13[%parallel_loop3A_87, %parallel_loop3A_88] {strides = array<i32>} : memref<8x2048xf32, #tpu.memory_space<vmem>>, vector<16xf32>,
      tpu.vector_store %arg13[%parallel_loop3A_87, %parallel_loop3A_88], %broadcast_in_dim3A_40 {strides = array<i32>} : memref<8x2048xf32, #tpu.memory_space<vmem>>, vector<16xf32>,
      %parallel_loop3A_90 = arith.constant 3 : i32
      %parallel_loop3A_91 = arith.index_cast %parallel_loop3A_90 : i32 to index
      %parallel_loop3A_92 = arith.index_cast %parallel_loop3A_77 : i32 to index
      %parallel_loop3A_93 = tpu.vector_load %arg13[%parallel_loop3A_91, %parallel_loop3A_92] {strides = array<i32>} : memref<8x2048xf32, #tpu.memory_space<vmem>>, vector<16xf32>,
      tpu.vector_store %arg13[%parallel_loop3A_91, %parallel_loop3A_92], %broadcast_in_dim3A_40 {strides = array<i32>} : memref<8x2048xf32, #tpu.memory_space<vmem>>, vector<16xf32>,
      %parallel_loop3A_94 = arith.constant 4 : i32
      %parallel_loop3A_95 = arith.index_cast %parallel_loop3A_94 : i32 to index
      %parallel_loop3A_96 = arith.index_cast %parallel_loop3A_77 : i32 to index
      %parallel_loop3A_97 = tpu.vector_load %arg13[%parallel_loop3A_95, %parallel_loop3A_96] {strides = array<i32>} : memref<8x2048xf32, #tpu.memory_space<vmem>>, vector<16xf32>,
      tpu.vector_store %arg13[%parallel_loop3A_95, %parallel_loop3A_96], %broadcast_in_dim3A_40 {strides = array<i32>} : memref<8x2048xf32, #tpu.memory_space<vmem>>, vector<16xf32>,
      %parallel_loop3A_98 = arith.constant 5 : i32
      %parallel_loop3A_99 = arith.index_cast %parallel_loop3A_98 : i32 to index
      %parallel_loop3A_100 = arith.index_cast %parallel_loop3A_77 : i32 to index
      %parallel_loop3A_101 = tpu.vector_load %arg13[%parallel_loop3A_99, %parallel_loop3A_100] {strides = array<i32>} : memref<8x2048xf32, #tpu.memory_space<vmem>>, vector<16xf32>,
      tpu.vector_store %arg13[%parallel_loop3A_99, %parallel_loop3A_100], %broadcast_in_dim3A_40 {strides = array<i32>} : memref<8x2048xf32, #tpu.memory_space<vmem>>, vector<16xf32>,
      %parallel_loop3A_102 = arith.constant 6 : i32
      %parallel_loop3A_103 = arith.index_cast %parallel_loop3A_102 : i32 to index
      %parallel_loop3A_104 = arith.index_cast %parallel_loop3A_77 : i32 to index
      %parallel_loop3A_105 = tpu.vector_load %arg13[%parallel_loop3A_103, %parallel_loop3A_104] {strides = array<i32>} : memref<8x2048xf32, #tpu.memory_space<vmem>>, vector<16xf32>,
      tpu.vector_store %arg13[%parallel_loop3A_103, %parallel_loop3A_104], %broadcast_in_dim3A_40 {strides = array<i32>} : memref<8x2048xf32, #tpu.memory_space<vmem>>, vector<16xf32>,
      %parallel_loop3A_106 = arith.constant 7 : i32
      %parallel_loop3A_107 = arith.index_cast %parallel_loop3A_106 : i32 to index
      %parallel_loop3A_108 = arith.index_cast %parallel_loop3A_77 : i32 to index
      %parallel_loop3A_109 = tpu.vector_load %arg13[%parallel_loop3A_107, %parallel_loop3A_108] {strides = array<i32>} : memref<8x2048xf32, #tpu.memory_space<vmem>>, vector<16xf32>,
      tpu.vector_store %arg13[%parallel_loop3A_107, %parallel_loop3A_108], %broadcast_in_dim3A_40 {strides = array<i32>} : memref<8x2048xf32, #tpu.memory_space<vmem>>, vector<16xf32>,
      %parallel_loop3A_110 = arith.constant 0 : i32
      %parallel_loop3A_111 = arith.index_cast %parallel_loop3A_110 : i32 to index
      %parallel_loop3A_112 = arith.index_cast %parallel_loop3A_77 : i32 to index
      %parallel_loop3A_113 = tpu.vector_load %arg14[%parallel_loop3A_111, %parallel_loop3A_112] {strides = array<i32>} : memref<1x2048xf32, #tpu.memory_space<vmem>>, vector<16xf32>,
      tpu.vector_store %arg14[%parallel_loop3A_111, %parallel_loop3A_112], %broadcast_in_dim3A_40 {strides = array<i32>} : memref<1x2048xf32, #tpu.memory_space<vmem>>, vector<16xf32>,
    } {sc.loop_unroll_factor = 8 : i64, sc.parallel_access}
    %dma_wait3A = arith.constant 0 : i32
    %dma_wait3A_45 = tpu.memref_slice %arg2[%multiple_of3A, %dma_wait3A] : memref<128x2048xf32, #tpu.memory_space<hbm>> -> memref<8x2048xf32, #tpu.memory_space<hbm>>
    %dma_wait3A_46 = arith.constant 0 : i32
    %dma_wait3A_47 = tpu.memref_slice %arg2[%multiple_of3A, %dma_wait3A_46] : memref<128x2048xf32, #tpu.memory_space<hbm>> -> memref<8x2048xf32, #tpu.memory_space<hbm>>
    tpu.wait_dma2 semaphore(%arg17 : memref<!tpu.dma_semaphore, #tpu.memory_space<semaphore_mem>>) src(%dma_wait3A_47 : memref<8x2048xf32, #tpu.memory_space<hbm>>) dst(%arg9 : memref<8x2048xf32, #tpu.memory_space<vmem>>)
    %dma_wait3A_48 = arith.constant 0 : i32
    %dma_wait3A_49 = tpu.memref_slice %arg3[%multiple_of3A, %dma_wait3A_48] : memref<128x2048xf32, #tpu.memory_space<hbm>> -> memref<8x2048xf32, #tpu.memory_space<hbm>>
    %dma_wait3A_50 = arith.constant 0 : i32
    %dma_wait3A_51 = tpu.memref_slice %arg3[%multiple_of3A, %dma_wait3A_50] : memref<128x2048xf32, #tpu.memory_space<hbm>> -> memref<8x2048xf32, #tpu.memory_space<hbm>>
    tpu.wait_dma2 semaphore(%arg17 : memref<!tpu.dma_semaphore, #tpu.memory_space<semaphore_mem>>) src(%dma_wait3A_51 : memref<8x2048xf32, #tpu.memory_space<hbm>>) dst(%arg10 : memref<8x2048xf32, #tpu.memory_space<vmem>>)
    %dma_wait3A_52 = arith.constant 0 : i32
    %dma_wait3A_53 = tpu.memref_slice %arg4[%select_n3A, %dma_wait3A_52] : memref<8x2048xf32, #tpu.memory_space<hbm>> -> memref<1x2048xf32, #tpu.memory_space<hbm>>
    %dma_wait3A_54 = arith.constant 0 : i32
    %dma_wait3A_55 = tpu.memref_slice %arg4[%select_n3A, %dma_wait3A_54] : memref<8x2048xf32, #tpu.memory_space<hbm>> -> memref<1x2048xf32, #tpu.memory_space<hbm>>
    tpu.wait_dma2 semaphore(%arg17 : memref<!tpu.dma_semaphore, #tpu.memory_space<semaphore_mem>>) src(%dma_wait3A_55 : memref<1x2048xf32, #tpu.memory_space<hbm>>) dst(%arg11 : memref<1x2048xf32, #tpu.memory_space<vmem>>)
    %dma_wait3A_56 = arith.constant 0 : i32
    %dma_wait3A_57 = tpu.memref_slice %arg4[%add3A_31, %dma_wait3A_56] : memref<8x2048xf32, #tpu.memory_space<hbm>> -> memref<1x2048xf32, #tpu.memory_space<hbm>>
    %dma_wait3A_58 = arith.constant 0 : i32
    %dma_wait3A_59 = tpu.memref_slice %arg4[%add3A_31, %dma_wait3A_58] : memref<8x2048xf32, #tpu.memory_space<hbm>> -> memref<1x2048xf32, #tpu.memory_space<hbm>>
    tpu.wait_dma2 semaphore(%arg17 : memref<!tpu.dma_semaphore, #tpu.memory_space<semaphore_mem>>) src(%dma_wait3A_59 : memref<1x2048xf32, #tpu.memory_space<hbm>>) dst(%arg12 : memref<1x2048xf32, #tpu.memory_space<vmem>>)
    %dma_wait3A_60 = tpu.memref_slice %arg5[%multiple_of3A_19] : memref<16384xi32, #tpu.memory_space<hbm>> -> memref<8192xi32, #tpu.memory_space<hbm>>
    %dma_wait3A_61 = tpu.memref_slice %arg5[%multiple_of3A_19] : memref<16384xi32, #tpu.memory_space<hbm>> -> memref<8192xi32, #tpu.memory_space<hbm>>
    tpu.wait_dma2 semaphore(%arg17 : memref<!tpu.dma_semaphore, #tpu.memory_space<semaphore_mem>>) src(%dma_wait3A_61 : memref<8192xi32, #tpu.memory_space<hbm>>) dst(%arg15 : memref<8192xi32, #tpu.memory_space<vmem>>)
    %dma_wait3A_62 = tpu.memref_slice %arg6[%multiple_of3A_19] : memref<16384xi32, #tpu.memory_space<hbm>> -> memref<8192xi32, #tpu.memory_space<hbm>>
    %dma_wait3A_63 = tpu.memref_slice %arg6[%multiple_of3A_19] : memref<16384xi32, #tpu.memory_space<hbm>> -> memref<8192xi32, #tpu.memory_space<hbm>>
    tpu.wait_dma2 semaphore(%arg17 : memref<!tpu.dma_semaphore, #tpu.memory_space<semaphore_mem>>) src(%dma_wait3A_63 : memref<8192xi32, #tpu.memory_space<hbm>>) dst(%arg16 : memref<8192xi32, #tpu.memory_space<vmem>>)
    %parallel_loop3A_64 = arith.constant 0 : i32
    %parallel_loop3A_65 = arith.constant 512 : i32
    %parallel_loop3A_66 = arith.constant 1 : i32
    scf.for %parallel_loop3A_74 = %parallel_loop3A_64 to %parallel_loop3A_65 step %parallel_loop3A_66  : i32 {
      %parallel_loop3A_75 = arith.constant 16 : i32
      %parallel_loop3A_76 = arith.muli %parallel_loop3A_74, %parallel_loop3A_75 : i32
      %parallel_loop3A_77 = tpu.assume_multiple %parallel_loop3A_76, 16 : i32
      %parallel_loop3A_78 = arith.index_cast %parallel_loop3A_77 : i32 to index
      %parallel_loop3A_79 = tpu.vector_load %arg15[%parallel_loop3A_78] {strides = array<i32>} : memref<8192xi32, #tpu.memory_space<vmem>>, vector<16xi32>,
      %parallel_loop3A_80 = arith.index_cast %parallel_loop3A_77 : i32 to index
      %parallel_loop3A_81 = tpu.vector_load %arg16[%parallel_loop3A_80] {strides = array<i32>} : memref<8192xi32, #tpu.memory_space<vmem>>, vector<16xi32>,
      %parallel_loop3A_82 = tpu.vector_load_idx %arg11[%broadcast_in_dim3A_42, %parallel_loop3A_79] : memref<1x2048xf32, #tpu.memory_space<vmem>>[vector<16xi32>, vector<16xi32>], vector<16xf32>,
      %parallel_loop3A_83 = tpu.vector_load_idx %arg12[%broadcast_in_dim3A_42, %parallel_loop3A_81] : memref<1x2048xf32, #tpu.memory_space<vmem>>[vector<16xi32>, vector<16xi32>], vector<16xf32>,
      %parallel_loop3A_84 = arith.addf %parallel_loop3A_82, %parallel_loop3A_83 : vector<16xf32>
      %parallel_loop3A_85 = math.exp %parallel_loop3A_84 : vector<16xf32>
      tpu.vector_store_idx %arg14[%broadcast_in_dim3A_42, %parallel_loop3A_81], %parallel_loop3A_85 {add = true} : memref<1x2048xf32, #tpu.memory_space<vmem>>[vector<16xi32>, vector<16xi32>], vector<16xf32>,
      %parallel_loop3A_86 = arith.constant 0 : i32
      %parallel_loop3A_87 = vector.broadcast %parallel_loop3A_86 : i32 to vector<16xi32>
      %parallel_loop3A_88 = tpu.vector_load_idx %arg9[%parallel_loop3A_87, %parallel_loop3A_79] : memref<8x2048xf32, #tpu.memory_space<vmem>>[vector<16xi32>, vector<16xi32>], vector<16xf32>,
      %parallel_loop3A_89 = tpu.vector_load_idx %arg10[%parallel_loop3A_87, %parallel_loop3A_81] : memref<8x2048xf32, #tpu.memory_space<vmem>>[vector<16xi32>, vector<16xi32>], vector<16xf32>,
      %parallel_loop3A_90 = arith.addf %parallel_loop3A_88, %parallel_loop3A_89 : vector<16xf32>
      %parallel_loop3A_91 = arith.constant 0.000000e+00 : f32
      %parallel_loop3A_92 = vector.broadcast %parallel_loop3A_91 : f32 to vector<16xf32>
      %parallel_loop3A_93 = arith.maximumf %parallel_loop3A_90, %parallel_loop3A_92 : vector<16xf32>
      %parallel_loop3A_94 = arith.mulf %parallel_loop3A_93, %parallel_loop3A_85 : vector<16xf32>
      tpu.vector_store_idx %arg13[%parallel_loop3A_87, %parallel_loop3A_81], %parallel_loop3A_94 {add = true} : memref<8x2048xf32, #tpu.memory_space<vmem>>[vector<16xi32>, vector<16xi32>], vector<16xf32>,
      %parallel_loop3A_95 = arith.constant 1 : i32
      %parallel_loop3A_96 = vector.broadcast %parallel_loop3A_95 : i32 to vector<16xi32>
      %parallel_loop3A_97 = tpu.vector_load_idx %arg9[%parallel_loop3A_96, %parallel_loop3A_79] : memref<8x2048xf32, #tpu.memory_space<vmem>>[vector<16xi32>, vector<16xi32>], vector<16xf32>,
      %parallel_loop3A_98 = tpu.vector_load_idx %arg10[%parallel_loop3A_96, %parallel_loop3A_81] : memref<8x2048xf32, #tpu.memory_space<vmem>>[vector<16xi32>, vector<16xi32>], vector<16xf32>,
      %parallel_loop3A_99 = arith.addf %parallel_loop3A_97, %parallel_loop3A_98 : vector<16xf32>
      %parallel_loop3A_100 = arith.constant 0.000000e+00 : f32
      %parallel_loop3A_101 = vector.broadcast %parallel_loop3A_100 : f32 to vector<16xf32>
      %parallel_loop3A_102 = arith.maximumf %parallel_loop3A_99, %parallel_loop3A_101 : vector<16xf32>
      %parallel_loop3A_103 = arith.mulf %parallel_loop3A_102, %parallel_loop3A_85 : vector<16xf32>
      tpu.vector_store_idx %arg13[%parallel_loop3A_96, %parallel_loop3A_81], %parallel_loop3A_103 {add = true} : memref<8x2048xf32, #tpu.memory_space<vmem>>[vector<16xi32>, vector<16xi32>], vector<16xf32>,
      %parallel_loop3A_104 = arith.constant 2 : i32
      %parallel_loop3A_105 = vector.broadcast %parallel_loop3A_104 : i32 to vector<16xi32>
      %parallel_loop3A_106 = tpu.vector_load_idx %arg9[%parallel_loop3A_105, %parallel_loop3A_79] : memref<8x2048xf32, #tpu.memory_space<vmem>>[vector<16xi32>, vector<16xi32>], vector<16xf32>,
      %parallel_loop3A_107 = tpu.vector_load_idx %arg10[%parallel_loop3A_105, %parallel_loop3A_81] : memref<8x2048xf32, #tpu.memory_space<vmem>>[vector<16xi32>, vector<16xi32>], vector<16xf32>,
      %parallel_loop3A_108 = arith.addf %parallel_loop3A_106, %parallel_loop3A_107 : vector<16xf32>
      %parallel_loop3A_109 = arith.constant 0.000000e+00 : f32
      %parallel_loop3A_110 = vector.broadcast %parallel_loop3A_109 : f32 to vector<16xf32>
      %parallel_loop3A_111 = arith.maximumf %parallel_loop3A_108, %parallel_loop3A_110 : vector<16xf32>
      %parallel_loop3A_112 = arith.mulf %parallel_loop3A_111, %parallel_loop3A_85 : vector<16xf32>
      tpu.vector_store_idx %arg13[%parallel_loop3A_105, %parallel_loop3A_81], %parallel_loop3A_112 {add = true} : memref<8x2048xf32, #tpu.memory_space<vmem>>[vector<16xi32>, vector<16xi32>], vector<16xf32>,
      %parallel_loop3A_113 = arith.constant 3 : i32
      %parallel_loop3A_114 = vector.broadcast %parallel_loop3A_113 : i32 to vector<16xi32>
      %parallel_loop3A_115 = tpu.vector_load_idx %arg9[%parallel_loop3A_114, %parallel_loop3A_79] : memref<8x2048xf32, #tpu.memory_space<vmem>>[vector<16xi32>, vector<16xi32>], vector<16xf32>,
      %parallel_loop3A_116 = tpu.vector_load_idx %arg10[%parallel_loop3A_114, %parallel_loop3A_81] : memref<8x2048xf32, #tpu.memory_space<vmem>>[vector<16xi32>, vector<16xi32>], vector<16xf32>,
      %parallel_loop3A_117 = arith.addf %parallel_loop3A_115, %parallel_loop3A_116 : vector<16xf32>
      %parallel_loop3A_118 = arith.constant 0.000000e+00 : f32
      %parallel_loop3A_119 = vector.broadcast %parallel_loop3A_118 : f32 to vector<16xf32>
      %parallel_loop3A_120 = arith.maximumf %parallel_loop3A_117, %parallel_loop3A_119 : vector<16xf32>
      %parallel_loop3A_121 = arith.mulf %parallel_loop3A_120, %parallel_loop3A_85 : vector<16xf32>
      tpu.vector_store_idx %arg13[%parallel_loop3A_114, %parallel_loop3A_81], %parallel_loop3A_121 {add = true} : memref<8x2048xf32, #tpu.memory_space<vmem>>[vector<16xi32>, vector<16xi32>], vector<16xf32>,
      %parallel_loop3A_122 = arith.constant 4 : i32
      %parallel_loop3A_123 = vector.broadcast %parallel_loop3A_122 : i32 to vector<16xi32>
      %parallel_loop3A_124 = tpu.vector_load_idx %arg9[%parallel_loop3A_123, %parallel_loop3A_79] : memref<8x2048xf32, #tpu.memory_space<vmem>>[vector<16xi32>, vector<16xi32>], vector<16xf32>,
      %parallel_loop3A_125 = tpu.vector_load_idx %arg10[%parallel_loop3A_123, %parallel_loop3A_81] : memref<8x2048xf32, #tpu.memory_space<vmem>>[vector<16xi32>, vector<16xi32>], vector<16xf32>,
      %parallel_loop3A_126 = arith.addf %parallel_loop3A_124, %parallel_loop3A_125 : vector<16xf32>
      %parallel_loop3A_127 = arith.constant 0.000000e+00 : f32
      %parallel_loop3A_128 = vector.broadcast %parallel_loop3A_127 : f32 to vector<16xf32>
      %parallel_loop3A_129 = arith.maximumf %parallel_loop3A_126, %parallel_loop3A_128 : vector<16xf32>
      %parallel_loop3A_130 = arith.mulf %parallel_loop3A_129, %parallel_loop3A_85 : vector<16xf32>
      tpu.vector_store_idx %arg13[%parallel_loop3A_123, %parallel_loop3A_81], %parallel_loop3A_130 {add = true} : memref<8x2048xf32, #tpu.memory_space<vmem>>[vector<16xi32>, vector<16xi32>], vector<16xf32>,
      %parallel_loop3A_131 = arith.constant 5 : i32
      %parallel_loop3A_132 = vector.broadcast %parallel_loop3A_131 : i32 to vector<16xi32>
      %parallel_loop3A_133 = tpu.vector_load_idx %arg9[%parallel_loop3A_132, %parallel_loop3A_79] : memref<8x2048xf32, #tpu.memory_space<vmem>>[vector<16xi32>, vector<16xi32>], vector<16xf32>,
      %parallel_loop3A_134 = tpu.vector_load_idx %arg10[%parallel_loop3A_132, %parallel_loop3A_81] : memref<8x2048xf32, #tpu.memory_space<vmem>>[vector<16xi32>, vector<16xi32>], vector<16xf32>,
      %parallel_loop3A_135 = arith.addf %parallel_loop3A_133, %parallel_loop3A_134 : vector<16xf32>
      %parallel_loop3A_136 = arith.constant 0.000000e+00 : f32
      %parallel_loop3A_137 = vector.broadcast %parallel_loop3A_136 : f32 to vector<16xf32>
      %parallel_loop3A_138 = arith.maximumf %parallel_loop3A_135, %parallel_loop3A_137 : vector<16xf32>
      %parallel_loop3A_139 = arith.mulf %parallel_loop3A_138, %parallel_loop3A_85 : vector<16xf32>
      tpu.vector_store_idx %arg13[%parallel_loop3A_132, %parallel_loop3A_81], %parallel_loop3A_139 {add = true} : memref<8x2048xf32, #tpu.memory_space<vmem>>[vector<16xi32>, vector<16xi32>], vector<16xf32>,
      %parallel_loop3A_140 = arith.constant 6 : i32
      %parallel_loop3A_141 = vector.broadcast %parallel_loop3A_140 : i32 to vector<16xi32>
      %parallel_loop3A_142 = tpu.vector_load_idx %arg9[%parallel_loop3A_141, %parallel_loop3A_79] : memref<8x2048xf32, #tpu.memory_space<vmem>>[vector<16xi32>, vector<16xi32>], vector<16xf32>,
      %parallel_loop3A_143 = tpu.vector_load_idx %arg10[%parallel_loop3A_141, %parallel_loop3A_81] : memref<8x2048xf32, #tpu.memory_space<vmem>>[vector<16xi32>, vector<16xi32>], vector<16xf32>,
      %parallel_loop3A_144 = arith.addf %parallel_loop3A_142, %parallel_loop3A_143 : vector<16xf32>
      %parallel_loop3A_145 = arith.constant 0.000000e+00 : f32
      %parallel_loop3A_146 = vector.broadcast %parallel_loop3A_145 : f32 to vector<16xf32>
      %parallel_loop3A_147 = arith.maximumf %parallel_loop3A_144, %parallel_loop3A_146 : vector<16xf32>
      %parallel_loop3A_148 = arith.mulf %parallel_loop3A_147, %parallel_loop3A_85 : vector<16xf32>
      tpu.vector_store_idx %arg13[%parallel_loop3A_141, %parallel_loop3A_81], %parallel_loop3A_148 {add = true} : memref<8x2048xf32, #tpu.memory_space<vmem>>[vector<16xi32>, vector<16xi32>], vector<16xf32>,
      %parallel_loop3A_149 = arith.constant 7 : i32
      %parallel_loop3A_150 = vector.broadcast %parallel_loop3A_149 : i32 to vector<16xi32>
      %parallel_loop3A_151 = tpu.vector_load_idx %arg9[%parallel_loop3A_150, %parallel_loop3A_79] : memref<8x2048xf32, #tpu.memory_space<vmem>>[vector<16xi32>, vector<16xi32>], vector<16xf32>,
      %parallel_loop3A_152 = tpu.vector_load_idx %arg10[%parallel_loop3A_150, %parallel_loop3A_81] : memref<8x2048xf32, #tpu.memory_space<vmem>>[vector<16xi32>, vector<16xi32>], vector<16xf32>,
      %parallel_loop3A_153 = arith.addf %parallel_loop3A_151, %parallel_loop3A_152 : vector<16xf32>
      %parallel_loop3A_154 = arith.constant 0.000000e+00 : f32
      %parallel_loop3A_155 = vector.broadcast %parallel_loop3A_154 : f32 to vector<16xf32>
      %parallel_loop3A_156 = arith.maximumf %parallel_loop3A_153, %parallel_loop3A_155 : vector<16xf32>
      %parallel_loop3A_157 = arith.mulf %parallel_loop3A_156, %parallel_loop3A_85 : vector<16xf32>
      tpu.vector_store_idx %arg13[%parallel_loop3A_150, %parallel_loop3A_81], %parallel_loop3A_157 {add = true} : memref<8x2048xf32, #tpu.memory_space<vmem>>[vector<16xi32>, vector<16xi32>], vector<16xf32>,
    } {sc.loop_unroll_factor = 1 : i64, sc.parallel_access}
    %mul3A_67 = arith.constant 128 : i32
    %mul3A_68 = arith.muli %arg0, %mul3A_67 : i32
    %add3A_69 = arith.addi %mul3A_68, %multiple_of3A : i32
    "tpu.region"() ({
      %run_scoped3A = tpu.sem_alloc : memref<!tpu.dma_semaphore, #tpu.memory_space<semaphore_mem>>
      %dma_start3A_74 = arith.constant 0 : i32
      %dma_start3A_75 = tpu.memref_slice %arg7[%add3A_69, %dma_start3A_74] : memref<256x2048xf32, #tpu.memory_space<hbm>> -> memref<8x2048xf32, #tpu.memory_space<hbm>>
      %dma_start3A_76 = arith.constant 0 : i32
      %dma_start3A_77 = tpu.memref_slice %arg7[%add3A_69, %dma_start3A_76] : memref<256x2048xf32, #tpu.memory_space<hbm>> -> memref<8x2048xf32, #tpu.memory_space<hbm>>
      tpu.enqueue_dma source(%arg13 : memref<8x2048xf32, #tpu.memory_space<vmem>>) target(%dma_start3A_77 : memref<8x2048xf32, #tpu.memory_space<hbm>>) target_semaphore(%run_scoped3A : memref<!tpu.dma_semaphore, #tpu.memory_space<semaphore_mem>>)
      %dma_wait3A_78 = arith.constant 0 : i32
      %dma_wait3A_79 = tpu.memref_slice %arg7[%add3A_69, %dma_wait3A_78] : memref<256x2048xf32, #tpu.memory_space<hbm>> -> memref<8x2048xf32, #tpu.memory_space<hbm>>
      %dma_wait3A_80 = arith.constant 0 : i32
      %dma_wait3A_81 = tpu.memref_slice %arg7[%add3A_69, %dma_wait3A_80] : memref<256x2048xf32, #tpu.memory_space<hbm>> -> memref<8x2048xf32, #tpu.memory_space<hbm>>
      tpu.wait_dma2 semaphore(%run_scoped3A : memref<!tpu.dma_semaphore, #tpu.memory_space<semaphore_mem>>) src(%arg13 : memref<8x2048xf32, #tpu.memory_space<vmem>>) dst(%dma_wait3A_81 : memref<8x2048xf32, #tpu.memory_space<hbm>>)
      tpu.yield
    }) : () -> ()
    %eq3A = arith.constant 0 : i32
    %eq3A_70 = arith.cmpi eq, %arg1, %eq3A : i32
    %eq3A_71 = arith.constant 8 : i32
    %eq3A_72 = arith.cmpi eq, %arg1, %eq3A_71 : i32
    %or3A = arith.ori %eq3A_70, %eq3A_72 : i1
    %convert_element_type3A = arith.extui %or3A : i1 to i32
    %cond3A = arith.constant 0 : i32
    %cond3A_73 = arith.cmpi ne, %convert_element_type3A, %cond3A : i32
    scf.if %cond3A_73 {
      %mul3A_74 = arith.constant 2 : i32
      %mul3A_75 = arith.muli %arg0, %mul3A_74 : i32
      %add3A_76 = arith.addi %mul3A_75, %select_n3A : i32
      "tpu.region"() ({
        %run_scoped3A = tpu.sem_alloc : memref<!tpu.dma_semaphore, #tpu.memory_space<semaphore_mem>>
        %dma_start3A_77 = arith.constant 0 : i32
        %dma_start3A_78 = tpu.memref_slice %arg8[%add3A_76, %dma_start3A_77] : memref<4x2048xf32, #tpu.memory_space<hbm>> -> memref<1x2048xf32, #tpu.memory_space<hbm>>
        %dma_start3A_79 = arith.constant 0 : i32
        %dma_start3A_80 = tpu.memref_slice %arg8[%add3A_76, %dma_start3A_79] : memref<4x2048xf32, #tpu.memory_space<hbm>> -> memref<1x2048xf32, #tpu.memory_space<hbm>>
        tpu.enqueue_dma source(%arg14 : memref<1x2048xf32, #tpu.memory_space<vmem>>) target(%dma_start3A_80 : memref<1x2048xf32, #tpu.memory_space<hbm>>) target_semaphore(%run_scoped3A : memref<!tpu.dma_semaphore, #tpu.memory_space<semaphore_mem>>)
        %dma_wait3A_81 = arith.constant 0 : i32
        %dma_wait3A_82 = tpu.memref_slice %arg8[%add3A_76, %dma_wait3A_81] : memref<4x2048xf32, #tpu.memory_space<hbm>> -> memref<1x2048xf32, #tpu.memory_space<hbm>>
        %dma_wait3A_83 = arith.constant 0 : i32
        %dma_wait3A_84 = tpu.memref_slice %arg8[%add3A_76, %dma_wait3A_83] : memref<4x2048xf32, #tpu.memory_space<hbm>> -> memref<1x2048xf32, #tpu.memory_space<hbm>>
        tpu.wait_dma2 semaphore(%run_scoped3A : memref<!tpu.dma_semaphore, #tpu.memory_space<semaphore_mem>>) src(%arg14 : memref<1x2048xf32, #tpu.memory_space<vmem>>) dst(%dma_wait3A_84 : memref<1x2048xf32, #tpu.memory_space<hbm>>)
        tpu.yield
      }) : () -> ()
    } else {
    }
    return
  }
}

module attributes {stable_mosaic.version = 14 : i64} {
  func.func @_proj_mid_body(%arg0: memref<128x2048xf32, #tpu.memory_space<vmem>>, %arg1: memref<4x2048xf32, #tpu.memory_space<vmem>>, %arg2: memref<64x128xf32, #tpu.memory_space<vmem>>, %arg3: memref<64xf32, #tpu.memory_space<vmem>>, %arg4: memref<64x128xf32, #tpu.memory_space<vmem>>, %arg5: memref<64xf32, #tpu.memory_space<vmem>>, %arg6: memref<1x128xf32, #tpu.memory_space<vmem>>, %arg7: memref<1x128xf32, #tpu.memory_space<vmem>>, %arg8: memref<128x2048xf32, #tpu.memory_space<vmem>>, %arg9: memref<128x2048xf32, #tpu.memory_space<vmem>>, %arg10: memref<8x2048xf32, #tpu.memory_space<vmem>>) attributes {dimension_semantics = [], scalar_prefetch = 0 : i64, scratch_operands = 0 : i64, tpu.core_type = #tpu.core_type<tc>} {
    %get3A = arith.constant 0 : index
    %get3A_0 = arith.constant 0 : index
    %get3A_1 = vector.load %arg2[%get3A, %get3A_0] : memref<64x128xf32, #tpu.memory_space<vmem>>, vector<64x128xf32>
    %get3A_2 = arith.constant 0 : index
    %get3A_3 = arith.constant 0 : index
    %get3A_4 = vector.load %arg4[%get3A_2, %get3A_3] : memref<64x128xf32, #tpu.memory_space<vmem>>, vector<64x128xf32>
    %slice3A = vector.extract_strided_slice %get3A_1 {offsets = [0, 0], sizes = [64, 64], strides = [1, 1]} : vector<64x128xf32> to vector<64x64xf32>
    %slice3A_5 = vector.extract_strided_slice %get3A_4 {offsets = [0, 0], sizes = [64, 64], strides = [1, 1]} : vector<64x128xf32> to vector<64x64xf32>
    %concatenate3A = tpu.concatenate %slice3A, %slice3A_5 in 0 : vector<64x64xf32>, vector<64x64xf32> -> vector<128x64xf32>
    %slice3A_6 = vector.extract_strided_slice %get3A_1 {offsets = [0, 64], sizes = [64, 64], strides = [1, 1]} : vector<64x128xf32> to vector<64x64xf32>
    %slice3A_7 = vector.extract_strided_slice %get3A_4 {offsets = [0, 64], sizes = [64, 64], strides = [1, 1]} : vector<64x128xf32> to vector<64x64xf32>
    %concatenate3A_8 = tpu.concatenate %slice3A_6, %slice3A_7 in 0 : vector<64x64xf32>, vector<64x64xf32> -> vector<128x64xf32>
    %get3A_9 = arith.constant 0 : index
    %get3A_10 = vector.load %arg3[%get3A_9] : memref<64xf32, #tpu.memory_space<vmem>>, vector<64xf32>
    %get3A_11 = arith.constant 0 : index
    %get3A_12 = vector.load %arg5[%get3A_11] : memref<64xf32, #tpu.memory_space<vmem>>, vector<64xf32>
    %concatenate3A_13 = tpu.concatenate %get3A_10, %get3A_12 in 0 : vector<64xf32>, vector<64xf32> -> vector<128xf32>
    %get3A_14 = arith.constant 0 : index
    %get3A_15 = arith.constant 0 : index
    %get3A_16 = vector.load %arg6[%get3A_14, %get3A_15] : memref<1x128xf32, #tpu.memory_space<vmem>>, vector<1x128xf32>
    %get3A_17 = arith.constant 0 : index
    %get3A_18 = arith.constant 0 : index
    %get3A_19 = vector.load %arg7[%get3A_17, %get3A_18] : memref<1x128xf32, #tpu.memory_space<vmem>>, vector<1x128xf32>
    %slice3A_20 = vector.extract_strided_slice %get3A_16 {offsets = [0, 0], sizes = [1, 64], strides = [1, 1]} : vector<1x128xf32> to vector<1x64xf32>
    %slice3A_21 = vector.extract_strided_slice %get3A_19 {offsets = [0, 0], sizes = [1, 64], strides = [1, 1]} : vector<1x128xf32> to vector<1x64xf32>
    %slice3A_22 = vector.extract_strided_slice %get3A_16 {offsets = [0, 64], sizes = [1, 64], strides = [1, 1]} : vector<1x128xf32> to vector<1x64xf32>
    %slice3A_23 = vector.extract_strided_slice %get3A_19 {offsets = [0, 64], sizes = [1, 64], strides = [1, 1]} : vector<1x128xf32> to vector<1x64xf32>
    %concatenate3A_24 = tpu.concatenate %slice3A_20, %slice3A_21, %slice3A_22, %slice3A_23 in 0 : vector<1x64xf32>, vector<1x64xf32>, vector<1x64xf32>, vector<1x64xf32> -> vector<4x64xf32>
    %get3A_25 = arith.constant 0 : index
    %get3A_26 = arith.constant 0 : index
    %get3A_27 = vector.load %arg0[%get3A_25, %get3A_26] : memref<128x2048xf32, #tpu.memory_space<vmem>>, vector<64x2048xf32>
    %get3A_28 = arith.constant 64 : index
    %get3A_29 = arith.constant 0 : index
    %get3A_30 = vector.load %arg0[%get3A_28, %get3A_29] : memref<128x2048xf32, #tpu.memory_space<vmem>>, vector<64x2048xf32>
    %add3A = arith.addf %get3A_27, %get3A_30 : vector<64x2048xf32>
    %get3A_31 = arith.constant 0 : index
    %get3A_32 = arith.constant 0 : index
    %get3A_33 = vector.load %arg1[%get3A_31, %get3A_32] : memref<4x2048xf32, #tpu.memory_space<vmem>>, vector<2x2048xf32>
    %get3A_34 = arith.constant 2 : index
    %get3A_35 = arith.constant 0 : index
    %get3A_36 = vector.load %arg1[%get3A_34, %get3A_35] : memref<4x2048xf32, #tpu.memory_space<vmem>>, vector<2x2048xf32>
    %add3A_37 = arith.addf %get3A_33, %get3A_36 : vector<2x2048xf32>
    %slice3A_38 = vector.extract_strided_slice %add3A {offsets = [0, 0], sizes = [32, 2048], strides = [1, 1]} : vector<64x2048xf32> to vector<32x2048xf32>
    %slice3A_39 = vector.extract_strided_slice %add3A_37 {offsets = [0, 0], sizes = [1, 2048], strides = [1, 1]} : vector<2x2048xf32> to vector<1x2048xf32>
    %add3A_40 = arith.constant 9.99999997E-7 : f32
    %add3A_41 = vector.broadcast %add3A_40 : f32 to vector<1x2048xf32>
    %add3A_42 = arith.addf %slice3A_39, %add3A_41 : vector<1x2048xf32>
    %div3A = vector.broadcast %add3A_42 : vector<1x2048xf32> to vector<32x2048xf32>
    %div3A_43 = arith.divf %slice3A_38, %div3A : vector<32x2048xf32>
    %slice3A_44 = vector.extract_strided_slice %add3A {offsets = [32, 0], sizes = [32, 2048], strides = [1, 1]} : vector<64x2048xf32> to vector<32x2048xf32>
    %slice3A_45 = vector.extract_strided_slice %add3A_37 {offsets = [1, 0], sizes = [1, 2048], strides = [1, 1]} : vector<2x2048xf32> to vector<1x2048xf32>
    %add3A_46 = arith.constant 9.99999997E-7 : f32
    %add3A_47 = vector.broadcast %add3A_46 : f32 to vector<1x2048xf32>
    %add3A_48 = arith.addf %slice3A_45, %add3A_47 : vector<1x2048xf32>
    %div3A_49 = vector.broadcast %add3A_48 : vector<1x2048xf32> to vector<32x2048xf32>
    %div3A_50 = arith.divf %slice3A_44, %div3A_49 : vector<32x2048xf32>
    %concatenate3A_51 = tpu.concatenate %div3A_43, %div3A_50 in 0 : vector<32x2048xf32>, vector<32x2048xf32> -> vector<64x2048xf32>
    %dot_general3A = arith.constant dense<0.000000e+00> : vector<128x2048xf32>
    %dot_general3A_52 = tpu.matmul %concatenate3A, %concatenate3A_51, %dot_general3A {dimension_numbers = #tpu.dot_dimension_numbers<[1], [0], [0], [1], [0, 0, 1, 1], [], []>, transpose_lhs_hint = false} : vector<128x64xf32>, vector<64x2048xf32>, vector<128x2048xf32> -> vector<128x2048xf32>
    %broadcast_in_dim3A = vector.shape_cast %concatenate3A_13 : vector<128xf32> to vector<128x1xf32>
    %add3A_53 = vector.broadcast %broadcast_in_dim3A : vector<128x1xf32> to vector<128x2048xf32>
    %add3A_54 = arith.addf %dot_general3A_52, %add3A_53 : vector<128x2048xf32>
    %swap3A = arith.constant 0 : index
    %swap3A_55 = arith.constant 0 : index
    %swap3A_56 = vector.load %arg8[%swap3A, %swap3A_55] : memref<128x2048xf32, #tpu.memory_space<vmem>>, vector<128x2048xf32>
    tpu.vector_store %arg8[%swap3A, %swap3A_55], %add3A_54 {strides = array<i32>} : memref<128x2048xf32, #tpu.memory_space<vmem>>, vector<128x2048xf32>,
    %dot_general3A_57 = arith.constant dense<0.000000e+00> : vector<128x2048xf32>
    %dot_general3A_58 = tpu.matmul %concatenate3A_8, %concatenate3A_51, %dot_general3A_57 {dimension_numbers = #tpu.dot_dimension_numbers<[1], [0], [0], [1], [0, 0, 1, 1], [], []>, transpose_lhs_hint = false} : vector<128x64xf32>, vector<64x2048xf32>, vector<128x2048xf32> -> vector<128x2048xf32>
    %swap3A_59 = arith.constant 0 : index
    %swap3A_60 = arith.constant 0 : index
    %swap3A_61 = vector.load %arg9[%swap3A_59, %swap3A_60] : memref<128x2048xf32, #tpu.memory_space<vmem>>, vector<128x2048xf32>
    tpu.vector_store %arg9[%swap3A_59, %swap3A_60], %dot_general3A_58 {strides = array<i32>} : memref<128x2048xf32, #tpu.memory_space<vmem>>, vector<128x2048xf32>,
    %dot_general3A_62 = arith.constant dense<0.000000e+00> : vector<4x2048xf32>
    %dot_general3A_63 = tpu.matmul %concatenate3A_24, %concatenate3A_51, %dot_general3A_62 {dimension_numbers = #tpu.dot_dimension_numbers<[1], [0], [0], [1], [0, 0, 1, 1], [], []>, transpose_lhs_hint = false} : vector<4x64xf32>, vector<64x2048xf32>, vector<4x2048xf32> -> vector<4x2048xf32>
    %slice3A_64 = vector.extract_strided_slice %dot_general3A_63 {offsets = [0, 0], sizes = [1, 2048], strides = [1, 1]} : vector<4x2048xf32> to vector<1x2048xf32>
    %reduce_max3A = vector.shape_cast %slice3A_64 : vector<1x2048xf32> to vector<1x1x2048xf32>
    %reduce_max3A_65 = arith.constant dense<0xFF800000> : vector<1xf32>
    %reduce_max3A_66 = vector.multi_reduction <maximumf>, %reduce_max3A, %reduce_max3A_65 [1, 2] : vector<1x1x2048xf32> to vector<1xf32>
    %reduce_max3A_67 = vector.shape_cast %reduce_max3A_66 : vector<1xf32> to vector<1x1x1xf32>
    %reduce_max3A_68 = vector.extract %reduce_max3A_67[0, 0, 0] : f32 from vector<1x1x1xf32>
    %slice3A_69 = vector.extract_strided_slice %dot_general3A_63 {offsets = [2, 0], sizes = [1, 2048], strides = [1, 1]} : vector<4x2048xf32> to vector<1x2048xf32>
    %reduce_max3A_70 = vector.shape_cast %slice3A_69 : vector<1x2048xf32> to vector<1x1x2048xf32>
    %reduce_max3A_71 = arith.constant dense<0xFF800000> : vector<1xf32>
    %reduce_max3A_72 = vector.multi_reduction <maximumf>, %reduce_max3A_70, %reduce_max3A_71 [1, 2] : vector<1x1x2048xf32> to vector<1xf32>
    %reduce_max3A_73 = vector.shape_cast %reduce_max3A_72 : vector<1xf32> to vector<1x1x1xf32>
    %reduce_max3A_74 = vector.extract %reduce_max3A_73[0, 0, 0] : f32 from vector<1x1x1xf32>
    %add3A_75 = arith.addf %reduce_max3A_68, %reduce_max3A_74 : f32
    %slice3A_76 = vector.extract_strided_slice %dot_general3A_63 {offsets = [1, 0], sizes = [1, 2048], strides = [1, 1]} : vector<4x2048xf32> to vector<1x2048xf32>
    %reduce_max3A_77 = vector.shape_cast %slice3A_76 : vector<1x2048xf32> to vector<1x1x2048xf32>
    %reduce_max3A_78 = arith.constant dense<0xFF800000> : vector<1xf32>
    %reduce_max3A_79 = vector.multi_reduction <maximumf>, %reduce_max3A_77, %reduce_max3A_78 [1, 2] : vector<1x1x2048xf32> to vector<1xf32>
    %reduce_max3A_80 = vector.shape_cast %reduce_max3A_79 : vector<1xf32> to vector<1x1x1xf32>
    %reduce_max3A_81 = vector.extract %reduce_max3A_80[0, 0, 0] : f32 from vector<1x1x1xf32>
    %slice3A_82 = vector.extract_strided_slice %dot_general3A_63 {offsets = [3, 0], sizes = [1, 2048], strides = [1, 1]} : vector<4x2048xf32> to vector<1x2048xf32>
    %reduce_max3A_83 = vector.shape_cast %slice3A_82 : vector<1x2048xf32> to vector<1x1x2048xf32>
    %reduce_max3A_84 = arith.constant dense<0xFF800000> : vector<1xf32>
    %reduce_max3A_85 = vector.multi_reduction <maximumf>, %reduce_max3A_83, %reduce_max3A_84 [1, 2] : vector<1x1x2048xf32> to vector<1xf32>
    %reduce_max3A_86 = vector.shape_cast %reduce_max3A_85 : vector<1xf32> to vector<1x1x1xf32>
    %reduce_max3A_87 = vector.extract %reduce_max3A_86[0, 0, 0] : f32 from vector<1x1x1xf32>
    %add3A_88 = arith.addf %reduce_max3A_81, %reduce_max3A_87 : f32
    %slice3A_89 = vector.extract_strided_slice %dot_general3A_63 {offsets = [0, 0], sizes = [1, 2048], strides = [1, 1]} : vector<4x2048xf32> to vector<1x2048xf32>
    %sub3A = vector.broadcast %add3A_75 : f32 to vector<1x2048xf32>
    %sub3A_90 = arith.subf %slice3A_89, %sub3A : vector<1x2048xf32>
    %slice3A_91 = vector.extract_strided_slice %dot_general3A_63 {offsets = [1, 0], sizes = [1, 2048], strides = [1, 1]} : vector<4x2048xf32> to vector<1x2048xf32>
    %sub3A_92 = vector.broadcast %add3A_88 : f32 to vector<1x2048xf32>
    %sub3A_93 = arith.subf %slice3A_91, %sub3A_92 : vector<1x2048xf32>
    %slice3A_94 = vector.extract_strided_slice %dot_general3A_63 {offsets = [2, 0], sizes = [2, 2048], strides = [1, 1]} : vector<4x2048xf32> to vector<2x2048xf32>
    %broadcast_in_dim3A_95 = arith.constant 0.000000e+00 : f32
    %broadcast_in_dim3A_96 = vector.broadcast %broadcast_in_dim3A_95 : f32 to vector<4x2048xf32>
    %concatenate3A_97 = tpu.concatenate %sub3A_90, %sub3A_93, %slice3A_94, %broadcast_in_dim3A_96 in 0 : vector<1x2048xf32>, vector<1x2048xf32>, vector<2x2048xf32>, vector<4x2048xf32> -> vector<8x2048xf32>
    %swap3A_98 = arith.constant 0 : index
    %swap3A_99 = arith.constant 0 : index
    %swap3A_100 = vector.load %arg10[%swap3A_98, %swap3A_99] : memref<8x2048xf32, #tpu.memory_space<vmem>>, vector<8x2048xf32>
    tpu.vector_store %arg10[%swap3A_98, %swap3A_99], %concatenate3A_97 {strides = array<i32>} : memref<8x2048xf32, #tpu.memory_space<vmem>>, vector<8x2048xf32>,
    return
  }
}

module attributes {stable_mosaic.version = 14 : i64} {
  func.func @_proj_mid_body(%arg0: memref<256x2048xf32, #tpu.memory_space<vmem>>, %arg1: memref<4x2048xf32, #tpu.memory_space<vmem>>, %arg2: memref<64x256xf32, #tpu.memory_space<vmem>>, %arg3: memref<64xf32, #tpu.memory_space<vmem>>, %arg4: memref<64x256xf32, #tpu.memory_space<vmem>>, %arg5: memref<64xf32, #tpu.memory_space<vmem>>, %arg6: memref<1x256xf32, #tpu.memory_space<vmem>>, %arg7: memref<1x256xf32, #tpu.memory_space<vmem>>, %arg8: memref<128x2048xf32, #tpu.memory_space<vmem>>, %arg9: memref<128x2048xf32, #tpu.memory_space<vmem>>, %arg10: memref<8x2048xf32, #tpu.memory_space<vmem>>) attributes {dimension_semantics = [], scalar_prefetch = 0 : i64, scratch_operands = 0 : i64, tpu.core_type = #tpu.core_type<tc>} {
    %get3A = arith.constant 0 : index
    %get3A_0 = arith.constant 0 : index
    %get3A_1 = vector.load %arg2[%get3A, %get3A_0] : memref<64x256xf32, #tpu.memory_space<vmem>>, vector<64x256xf32>
    %get3A_2 = arith.constant 0 : index
    %get3A_3 = arith.constant 0 : index
    %get3A_4 = vector.load %arg4[%get3A_2, %get3A_3] : memref<64x256xf32, #tpu.memory_space<vmem>>, vector<64x256xf32>
    %slice3A = vector.extract_strided_slice %get3A_1 {offsets = [0, 0], sizes = [64, 128], strides = [1, 1]} : vector<64x256xf32> to vector<64x128xf32>
    %slice3A_5 = vector.extract_strided_slice %get3A_4 {offsets = [0, 0], sizes = [64, 128], strides = [1, 1]} : vector<64x256xf32> to vector<64x128xf32>
    %concatenate3A = tpu.concatenate %slice3A, %slice3A_5 in 0 : vector<64x128xf32>, vector<64x128xf32> -> vector<128x128xf32>
    %slice3A_6 = vector.extract_strided_slice %get3A_1 {offsets = [0, 128], sizes = [64, 128], strides = [1, 1]} : vector<64x256xf32> to vector<64x128xf32>
    %slice3A_7 = vector.extract_strided_slice %get3A_4 {offsets = [0, 128], sizes = [64, 128], strides = [1, 1]} : vector<64x256xf32> to vector<64x128xf32>
    %concatenate3A_8 = tpu.concatenate %slice3A_6, %slice3A_7 in 0 : vector<64x128xf32>, vector<64x128xf32> -> vector<128x128xf32>
    %get3A_9 = arith.constant 0 : index
    %get3A_10 = vector.load %arg3[%get3A_9] : memref<64xf32, #tpu.memory_space<vmem>>, vector<64xf32>
    %get3A_11 = arith.constant 0 : index
    %get3A_12 = vector.load %arg5[%get3A_11] : memref<64xf32, #tpu.memory_space<vmem>>, vector<64xf32>
    %concatenate3A_13 = tpu.concatenate %get3A_10, %get3A_12 in 0 : vector<64xf32>, vector<64xf32> -> vector<128xf32>
    %get3A_14 = arith.constant 0 : index
    %get3A_15 = arith.constant 0 : index
    %get3A_16 = vector.load %arg6[%get3A_14, %get3A_15] : memref<1x256xf32, #tpu.memory_space<vmem>>, vector<1x256xf32>
    %get3A_17 = arith.constant 0 : index
    %get3A_18 = arith.constant 0 : index
    %get3A_19 = vector.load %arg7[%get3A_17, %get3A_18] : memref<1x256xf32, #tpu.memory_space<vmem>>, vector<1x256xf32>
    %slice3A_20 = vector.extract_strided_slice %get3A_16 {offsets = [0, 0], sizes = [1, 128], strides = [1, 1]} : vector<1x256xf32> to vector<1x128xf32>
    %slice3A_21 = vector.extract_strided_slice %get3A_19 {offsets = [0, 0], sizes = [1, 128], strides = [1, 1]} : vector<1x256xf32> to vector<1x128xf32>
    %slice3A_22 = vector.extract_strided_slice %get3A_16 {offsets = [0, 128], sizes = [1, 128], strides = [1, 1]} : vector<1x256xf32> to vector<1x128xf32>
    %slice3A_23 = vector.extract_strided_slice %get3A_19 {offsets = [0, 128], sizes = [1, 128], strides = [1, 1]} : vector<1x256xf32> to vector<1x128xf32>
    %concatenate3A_24 = tpu.concatenate %slice3A_20, %slice3A_21, %slice3A_22, %slice3A_23 in 0 : vector<1x128xf32>, vector<1x128xf32>, vector<1x128xf32>, vector<1x128xf32> -> vector<4x128xf32>
    %get3A_25 = arith.constant 0 : index
    %get3A_26 = arith.constant 0 : index
    %get3A_27 = vector.load %arg0[%get3A_25, %get3A_26] : memref<256x2048xf32, #tpu.memory_space<vmem>>, vector<128x2048xf32>
    %get3A_28 = arith.constant 128 : index
    %get3A_29 = arith.constant 0 : index
    %get3A_30 = vector.load %arg0[%get3A_28, %get3A_29] : memref<256x2048xf32, #tpu.memory_space<vmem>>, vector<128x2048xf32>
    %add3A = arith.addf %get3A_27, %get3A_30 : vector<128x2048xf32>
    %get3A_31 = arith.constant 0 : index
    %get3A_32 = arith.constant 0 : index
    %get3A_33 = vector.load %arg1[%get3A_31, %get3A_32] : memref<4x2048xf32, #tpu.memory_space<vmem>>, vector<2x2048xf32>
    %get3A_34 = arith.constant 2 : index
    %get3A_35 = arith.constant 0 : index
    %get3A_36 = vector.load %arg1[%get3A_34, %get3A_35] : memref<4x2048xf32, #tpu.memory_space<vmem>>, vector<2x2048xf32>
    %add3A_37 = arith.addf %get3A_33, %get3A_36 : vector<2x2048xf32>
    %slice3A_38 = vector.extract_strided_slice %add3A {offsets = [0, 0], sizes = [64, 2048], strides = [1, 1]} : vector<128x2048xf32> to vector<64x2048xf32>
    %slice3A_39 = vector.extract_strided_slice %add3A_37 {offsets = [0, 0], sizes = [1, 2048], strides = [1, 1]} : vector<2x2048xf32> to vector<1x2048xf32>
    %add3A_40 = arith.constant 9.99999997E-7 : f32
    %add3A_41 = vector.broadcast %add3A_40 : f32 to vector<1x2048xf32>
    %add3A_42 = arith.addf %slice3A_39, %add3A_41 : vector<1x2048xf32>
    %div3A = vector.broadcast %add3A_42 : vector<1x2048xf32> to vector<64x2048xf32>
    %div3A_43 = arith.divf %slice3A_38, %div3A : vector<64x2048xf32>
    %slice3A_44 = vector.extract_strided_slice %add3A {offsets = [64, 0], sizes = [64, 2048], strides = [1, 1]} : vector<128x2048xf32> to vector<64x2048xf32>
    %slice3A_45 = vector.extract_strided_slice %add3A_37 {offsets = [1, 0], sizes = [1, 2048], strides = [1, 1]} : vector<2x2048xf32> to vector<1x2048xf32>
    %add3A_46 = arith.constant 9.99999997E-7 : f32
    %add3A_47 = vector.broadcast %add3A_46 : f32 to vector<1x2048xf32>
    %add3A_48 = arith.addf %slice3A_45, %add3A_47 : vector<1x2048xf32>
    %div3A_49 = vector.broadcast %add3A_48 : vector<1x2048xf32> to vector<64x2048xf32>
    %div3A_50 = arith.divf %slice3A_44, %div3A_49 : vector<64x2048xf32>
    %concatenate3A_51 = tpu.concatenate %div3A_43, %div3A_50 in 0 : vector<64x2048xf32>, vector<64x2048xf32> -> vector<128x2048xf32>
    %dot_general3A = arith.constant dense<0.000000e+00> : vector<128x2048xf32>
    %dot_general3A_52 = tpu.matmul %concatenate3A, %concatenate3A_51, %dot_general3A {dimension_numbers = #tpu.dot_dimension_numbers<[1], [0], [0], [1], [0, 0, 1, 1], [], []>, transpose_lhs_hint = false} : vector<128x128xf32>, vector<128x2048xf32>, vector<128x2048xf32> -> vector<128x2048xf32>
    %broadcast_in_dim3A = vector.shape_cast %concatenate3A_13 : vector<128xf32> to vector<128x1xf32>
    %add3A_53 = vector.broadcast %broadcast_in_dim3A : vector<128x1xf32> to vector<128x2048xf32>
    %add3A_54 = arith.addf %dot_general3A_52, %add3A_53 : vector<128x2048xf32>
    %swap3A = arith.constant 0 : index
    %swap3A_55 = arith.constant 0 : index
    %swap3A_56 = vector.load %arg8[%swap3A, %swap3A_55] : memref<128x2048xf32, #tpu.memory_space<vmem>>, vector<128x2048xf32>
    tpu.vector_store %arg8[%swap3A, %swap3A_55], %add3A_54 {strides = array<i32>} : memref<128x2048xf32, #tpu.memory_space<vmem>>, vector<128x2048xf32>,
    %dot_general3A_57 = arith.constant dense<0.000000e+00> : vector<128x2048xf32>
    %dot_general3A_58 = tpu.matmul %concatenate3A_8, %concatenate3A_51, %dot_general3A_57 {dimension_numbers = #tpu.dot_dimension_numbers<[1], [0], [0], [1], [0, 0, 1, 1], [], []>, transpose_lhs_hint = false} : vector<128x128xf32>, vector<128x2048xf32>, vector<128x2048xf32> -> vector<128x2048xf32>
    %swap3A_59 = arith.constant 0 : index
    %swap3A_60 = arith.constant 0 : index
    %swap3A_61 = vector.load %arg9[%swap3A_59, %swap3A_60] : memref<128x2048xf32, #tpu.memory_space<vmem>>, vector<128x2048xf32>
    tpu.vector_store %arg9[%swap3A_59, %swap3A_60], %dot_general3A_58 {strides = array<i32>} : memref<128x2048xf32, #tpu.memory_space<vmem>>, vector<128x2048xf32>,
    %dot_general3A_62 = arith.constant dense<0.000000e+00> : vector<4x2048xf32>
    %dot_general3A_63 = tpu.matmul %concatenate3A_24, %concatenate3A_51, %dot_general3A_62 {dimension_numbers = #tpu.dot_dimension_numbers<[1], [0], [0], [1], [0, 0, 1, 1], [], []>, transpose_lhs_hint = false} : vector<4x128xf32>, vector<128x2048xf32>, vector<4x2048xf32> -> vector<4x2048xf32>
    %slice3A_64 = vector.extract_strided_slice %dot_general3A_63 {offsets = [0, 0], sizes = [1, 2048], strides = [1, 1]} : vector<4x2048xf32> to vector<1x2048xf32>
    %reduce_max3A = vector.shape_cast %slice3A_64 : vector<1x2048xf32> to vector<1x1x2048xf32>
    %reduce_max3A_65 = arith.constant dense<0xFF800000> : vector<1xf32>
    %reduce_max3A_66 = vector.multi_reduction <maximumf>, %reduce_max3A, %reduce_max3A_65 [1, 2] : vector<1x1x2048xf32> to vector<1xf32>
    %reduce_max3A_67 = vector.shape_cast %reduce_max3A_66 : vector<1xf32> to vector<1x1x1xf32>
    %reduce_max3A_68 = vector.extract %reduce_max3A_67[0, 0, 0] : f32 from vector<1x1x1xf32>
    %slice3A_69 = vector.extract_strided_slice %dot_general3A_63 {offsets = [2, 0], sizes = [1, 2048], strides = [1, 1]} : vector<4x2048xf32> to vector<1x2048xf32>
    %reduce_max3A_70 = vector.shape_cast %slice3A_69 : vector<1x2048xf32> to vector<1x1x2048xf32>
    %reduce_max3A_71 = arith.constant dense<0xFF800000> : vector<1xf32>
    %reduce_max3A_72 = vector.multi_reduction <maximumf>, %reduce_max3A_70, %reduce_max3A_71 [1, 2] : vector<1x1x2048xf32> to vector<1xf32>
    %reduce_max3A_73 = vector.shape_cast %reduce_max3A_72 : vector<1xf32> to vector<1x1x1xf32>
    %reduce_max3A_74 = vector.extract %reduce_max3A_73[0, 0, 0] : f32 from vector<1x1x1xf32>
    %add3A_75 = arith.addf %reduce_max3A_68, %reduce_max3A_74 : f32
    %slice3A_76 = vector.extract_strided_slice %dot_general3A_63 {offsets = [1, 0], sizes = [1, 2048], strides = [1, 1]} : vector<4x2048xf32> to vector<1x2048xf32>
    %reduce_max3A_77 = vector.shape_cast %slice3A_76 : vector<1x2048xf32> to vector<1x1x2048xf32>
    %reduce_max3A_78 = arith.constant dense<0xFF800000> : vector<1xf32>
    %reduce_max3A_79 = vector.multi_reduction <maximumf>, %reduce_max3A_77, %reduce_max3A_78 [1, 2] : vector<1x1x2048xf32> to vector<1xf32>
    %reduce_max3A_80 = vector.shape_cast %reduce_max3A_79 : vector<1xf32> to vector<1x1x1xf32>
    %reduce_max3A_81 = vector.extract %reduce_max3A_80[0, 0, 0] : f32 from vector<1x1x1xf32>
    %slice3A_82 = vector.extract_strided_slice %dot_general3A_63 {offsets = [3, 0], sizes = [1, 2048], strides = [1, 1]} : vector<4x2048xf32> to vector<1x2048xf32>
    %reduce_max3A_83 = vector.shape_cast %slice3A_82 : vector<1x2048xf32> to vector<1x1x2048xf32>
    %reduce_max3A_84 = arith.constant dense<0xFF800000> : vector<1xf32>
    %reduce_max3A_85 = vector.multi_reduction <maximumf>, %reduce_max3A_83, %reduce_max3A_84 [1, 2] : vector<1x1x2048xf32> to vector<1xf32>
    %reduce_max3A_86 = vector.shape_cast %reduce_max3A_85 : vector<1xf32> to vector<1x1x1xf32>
    %reduce_max3A_87 = vector.extract %reduce_max3A_86[0, 0, 0] : f32 from vector<1x1x1xf32>
    %add3A_88 = arith.addf %reduce_max3A_81, %reduce_max3A_87 : f32
    %slice3A_89 = vector.extract_strided_slice %dot_general3A_63 {offsets = [0, 0], sizes = [1, 2048], strides = [1, 1]} : vector<4x2048xf32> to vector<1x2048xf32>
    %sub3A = vector.broadcast %add3A_75 : f32 to vector<1x2048xf32>
    %sub3A_90 = arith.subf %slice3A_89, %sub3A : vector<1x2048xf32>
    %slice3A_91 = vector.extract_strided_slice %dot_general3A_63 {offsets = [1, 0], sizes = [1, 2048], strides = [1, 1]} : vector<4x2048xf32> to vector<1x2048xf32>
    %sub3A_92 = vector.broadcast %add3A_88 : f32 to vector<1x2048xf32>
    %sub3A_93 = arith.subf %slice3A_91, %sub3A_92 : vector<1x2048xf32>
    %slice3A_94 = vector.extract_strided_slice %dot_general3A_63 {offsets = [2, 0], sizes = [2, 2048], strides = [1, 1]} : vector<4x2048xf32> to vector<2x2048xf32>
    %broadcast_in_dim3A_95 = arith.constant 0.000000e+00 : f32
    %broadcast_in_dim3A_96 = vector.broadcast %broadcast_in_dim3A_95 : f32 to vector<4x2048xf32>
    %concatenate3A_97 = tpu.concatenate %sub3A_90, %sub3A_93, %slice3A_94, %broadcast_in_dim3A_96 in 0 : vector<1x2048xf32>, vector<1x2048xf32>, vector<2x2048xf32>, vector<4x2048xf32> -> vector<8x2048xf32>
    %swap3A_98 = arith.constant 0 : index
    %swap3A_99 = arith.constant 0 : index
    %swap3A_100 = vector.load %arg10[%swap3A_98, %swap3A_99] : memref<8x2048xf32, #tpu.memory_space<vmem>>, vector<8x2048xf32>
    tpu.vector_store %arg10[%swap3A_98, %swap3A_99], %concatenate3A_97 {strides = array<i32>} : memref<8x2048xf32, #tpu.memory_space<vmem>>, vector<8x2048xf32>,
    return
  }
}

module attributes {stable_mosaic.version = 14 : i64} {
  func.func @_proj0_body(%arg0: memref<2048x128xf32, #tpu.memory_space<vmem>>, %arg1: memref<32x256xf32, #tpu.memory_space<vmem>>, %arg2: memref<32xf32, #tpu.memory_space<vmem>>, %arg3: memref<32x256xf32, #tpu.memory_space<vmem>>, %arg4: memref<32xf32, #tpu.memory_space<vmem>>, %arg5: memref<1x256xf32, #tpu.memory_space<vmem>>, %arg6: memref<1x256xf32, #tpu.memory_space<vmem>>, %arg7: memref<64x2048xf32, #tpu.memory_space<vmem>>, %arg8: memref<64x2048xf32, #tpu.memory_space<vmem>>, %arg9: memref<8x2048xf32, #tpu.memory_space<vmem>>) attributes {dimension_semantics = [], scalar_prefetch = 0 : i64, scratch_operands = 0 : i64, tpu.core_type = #tpu.core_type<tc>} {
    %get3A = arith.constant 0 : index
    %get3A_0 = arith.constant 0 : index
    %get3A_1 = vector.load %arg1[%get3A, %get3A_0] : memref<32x256xf32, #tpu.memory_space<vmem>>, vector<32x256xf32>
    %get3A_2 = arith.constant 0 : index
    %get3A_3 = arith.constant 0 : index
    %get3A_4 = vector.load %arg3[%get3A_2, %get3A_3] : memref<32x256xf32, #tpu.memory_space<vmem>>, vector<32x256xf32>
    %slice3A = vector.extract_strided_slice %get3A_1 {offsets = [0, 0], sizes = [32, 128], strides = [1, 1]} : vector<32x256xf32> to vector<32x128xf32>
    %slice3A_5 = vector.extract_strided_slice %get3A_4 {offsets = [0, 0], sizes = [32, 128], strides = [1, 1]} : vector<32x256xf32> to vector<32x128xf32>
    %concatenate3A = tpu.concatenate %slice3A, %slice3A_5 in 0 : vector<32x128xf32>, vector<32x128xf32> -> vector<64x128xf32>
    %slice3A_6 = vector.extract_strided_slice %get3A_1 {offsets = [0, 128], sizes = [32, 128], strides = [1, 1]} : vector<32x256xf32> to vector<32x128xf32>
    %slice3A_7 = vector.extract_strided_slice %get3A_4 {offsets = [0, 128], sizes = [32, 128], strides = [1, 1]} : vector<32x256xf32> to vector<32x128xf32>
    %concatenate3A_8 = tpu.concatenate %slice3A_6, %slice3A_7 in 0 : vector<32x128xf32>, vector<32x128xf32> -> vector<64x128xf32>
    %get3A_9 = arith.constant 0 : index
    %get3A_10 = vector.load %arg2[%get3A_9] : memref<32xf32, #tpu.memory_space<vmem>>, vector<32xf32>
    %get3A_11 = arith.constant 0 : index
    %get3A_12 = vector.load %arg4[%get3A_11] : memref<32xf32, #tpu.memory_space<vmem>>, vector<32xf32>
    %concatenate3A_13 = tpu.concatenate %get3A_10, %get3A_12 in 0 : vector<32xf32>, vector<32xf32> -> vector<64xf32>
    %get3A_14 = arith.constant 0 : index
    %get3A_15 = arith.constant 0 : index
    %get3A_16 = vector.load %arg5[%get3A_14, %get3A_15] : memref<1x256xf32, #tpu.memory_space<vmem>>, vector<1x256xf32>
    %get3A_17 = arith.constant 0 : index
    %get3A_18 = arith.constant 0 : index
    %get3A_19 = vector.load %arg6[%get3A_17, %get3A_18] : memref<1x256xf32, #tpu.memory_space<vmem>>, vector<1x256xf32>
    %slice3A_20 = vector.extract_strided_slice %get3A_16 {offsets = [0, 0], sizes = [1, 128], strides = [1, 1]} : vector<1x256xf32> to vector<1x128xf32>
    %slice3A_21 = vector.extract_strided_slice %get3A_19 {offsets = [0, 0], sizes = [1, 128], strides = [1, 1]} : vector<1x256xf32> to vector<1x128xf32>
    %slice3A_22 = vector.extract_strided_slice %get3A_16 {offsets = [0, 128], sizes = [1, 128], strides = [1, 1]} : vector<1x256xf32> to vector<1x128xf32>
    %slice3A_23 = vector.extract_strided_slice %get3A_19 {offsets = [0, 128], sizes = [1, 128], strides = [1, 1]} : vector<1x256xf32> to vector<1x128xf32>
    %concatenate3A_24 = tpu.concatenate %slice3A_20, %slice3A_21, %slice3A_22, %slice3A_23 in 0 : vector<1x128xf32>, vector<1x128xf32>, vector<1x128xf32>, vector<1x128xf32> -> vector<4x128xf32>
    %get3A_25 = arith.constant 0 : index
    %get3A_26 = arith.constant 0 : index
    %get3A_27 = vector.load %arg0[%get3A_25, %get3A_26] : memref<2048x128xf32, #tpu.memory_space<vmem>>, vector<2048x128xf32>
    %dot_general3A = arith.constant dense<0.000000e+00> : vector<64x2048xf32>
    %dot_general3A_28 = tpu.matmul %concatenate3A, %get3A_27, %dot_general3A {dimension_numbers = #tpu.dot_dimension_numbers<[1], [1], [0], [0], [0, 0, 1, 0], [], []>, transpose_lhs_hint = false} : vector<64x128xf32>, vector<2048x128xf32>, vector<64x2048xf32> -> vector<64x2048xf32>
    %broadcast_in_dim3A = vector.shape_cast %concatenate3A_13 : vector<64xf32> to vector<64x1xf32>
    %add3A = vector.broadcast %broadcast_in_dim3A : vector<64x1xf32> to vector<64x2048xf32>
    %add3A_29 = arith.addf %dot_general3A_28, %add3A : vector<64x2048xf32>
    %swap3A = arith.constant 0 : index
    %swap3A_30 = arith.constant 0 : index
    %swap3A_31 = vector.load %arg7[%swap3A, %swap3A_30] : memref<64x2048xf32, #tpu.memory_space<vmem>>, vector<64x2048xf32>
    tpu.vector_store %arg7[%swap3A, %swap3A_30], %add3A_29 {strides = array<i32>} : memref<64x2048xf32, #tpu.memory_space<vmem>>, vector<64x2048xf32>,
    %dot_general3A_32 = arith.constant dense<0.000000e+00> : vector<64x2048xf32>
    %dot_general3A_33 = tpu.matmul %concatenate3A_8, %get3A_27, %dot_general3A_32 {dimension_numbers = #tpu.dot_dimension_numbers<[1], [1], [0], [0], [0, 0, 1, 0], [], []>, transpose_lhs_hint = false} : vector<64x128xf32>, vector<2048x128xf32>, vector<64x2048xf32> -> vector<64x2048xf32>
    %swap3A_34 = arith.constant 0 : index
    %swap3A_35 = arith.constant 0 : index
    %swap3A_36 = vector.load %arg8[%swap3A_34, %swap3A_35] : memref<64x2048xf32, #tpu.memory_space<vmem>>, vector<64x2048xf32>
    tpu.vector_store %arg8[%swap3A_34, %swap3A_35], %dot_general3A_33 {strides = array<i32>} : memref<64x2048xf32, #tpu.memory_space<vmem>>, vector<64x2048xf32>,
    %dot_general3A_37 = arith.constant dense<0.000000e+00> : vector<4x2048xf32>
    %dot_general3A_38 = tpu.matmul %concatenate3A_24, %get3A_27, %dot_general3A_37 {dimension_numbers = #tpu.dot_dimension_numbers<[1], [1], [0], [0], [0, 0, 1, 0], [], []>, transpose_lhs_hint = false} : vector<4x128xf32>, vector<2048x128xf32>, vector<4x2048xf32> -> vector<4x2048xf32>
    %slice3A_39 = vector.extract_strided_slice %dot_general3A_38 {offsets = [0, 0], sizes = [1, 2048], strides = [1, 1]} : vector<4x2048xf32> to vector<1x2048xf32>
    %reduce_max3A = vector.shape_cast %slice3A_39 : vector<1x2048xf32> to vector<1x1x2048xf32>
    %reduce_max3A_40 = arith.constant dense<0xFF800000> : vector<1xf32>
    %reduce_max3A_41 = vector.multi_reduction <maximumf>, %reduce_max3A, %reduce_max3A_40 [1, 2] : vector<1x1x2048xf32> to vector<1xf32>
    %reduce_max3A_42 = vector.shape_cast %reduce_max3A_41 : vector<1xf32> to vector<1x1x1xf32>
    %reduce_max3A_43 = vector.extract %reduce_max3A_42[0, 0, 0] : f32 from vector<1x1x1xf32>
    %slice3A_44 = vector.extract_strided_slice %dot_general3A_38 {offsets = [2, 0], sizes = [1, 2048], strides = [1, 1]} : vector<4x2048xf32> to vector<1x2048xf32>
    %reduce_max3A_45 = vector.shape_cast %slice3A_44 : vector<1x2048xf32> to vector<1x1x2048xf32>
    %reduce_max3A_46 = arith.constant dense<0xFF800000> : vector<1xf32>
    %reduce_max3A_47 = vector.multi_reduction <maximumf>, %reduce_max3A_45, %reduce_max3A_46 [1, 2] : vector<1x1x2048xf32> to vector<1xf32>
    %reduce_max3A_48 = vector.shape_cast %reduce_max3A_47 : vector<1xf32> to vector<1x1x1xf32>
    %reduce_max3A_49 = vector.extract %reduce_max3A_48[0, 0, 0] : f32 from vector<1x1x1xf32>
    %add3A_50 = arith.addf %reduce_max3A_43, %reduce_max3A_49 : f32
    %slice3A_51 = vector.extract_strided_slice %dot_general3A_38 {offsets = [1, 0], sizes = [1, 2048], strides = [1, 1]} : vector<4x2048xf32> to vector<1x2048xf32>
    %reduce_max3A_52 = vector.shape_cast %slice3A_51 : vector<1x2048xf32> to vector<1x1x2048xf32>
    %reduce_max3A_53 = arith.constant dense<0xFF800000> : vector<1xf32>
    %reduce_max3A_54 = vector.multi_reduction <maximumf>, %reduce_max3A_52, %reduce_max3A_53 [1, 2] : vector<1x1x2048xf32> to vector<1xf32>
    %reduce_max3A_55 = vector.shape_cast %reduce_max3A_54 : vector<1xf32> to vector<1x1x1xf32>
    %reduce_max3A_56 = vector.extract %reduce_max3A_55[0, 0, 0] : f32 from vector<1x1x1xf32>
    %slice3A_57 = vector.extract_strided_slice %dot_general3A_38 {offsets = [3, 0], sizes = [1, 2048], strides = [1, 1]} : vector<4x2048xf32> to vector<1x2048xf32>
    %reduce_max3A_58 = vector.shape_cast %slice3A_57 : vector<1x2048xf32> to vector<1x1x2048xf32>
    %reduce_max3A_59 = arith.constant dense<0xFF800000> : vector<1xf32>
    %reduce_max3A_60 = vector.multi_reduction <maximumf>, %reduce_max3A_58, %reduce_max3A_59 [1, 2] : vector<1x1x2048xf32> to vector<1xf32>
    %reduce_max3A_61 = vector.shape_cast %reduce_max3A_60 : vector<1xf32> to vector<1x1x1xf32>
    %reduce_max3A_62 = vector.extract %reduce_max3A_61[0, 0, 0] : f32 from vector<1x1x1xf32>
    %add3A_63 = arith.addf %reduce_max3A_56, %reduce_max3A_62 : f32
    %slice3A_64 = vector.extract_strided_slice %dot_general3A_38 {offsets = [0, 0], sizes = [1, 2048], strides = [1, 1]} : vector<4x2048xf32> to vector<1x2048xf32>
    %sub3A = vector.broadcast %add3A_50 : f32 to vector<1x2048xf32>
    %sub3A_65 = arith.subf %slice3A_64, %sub3A : vector<1x2048xf32>
    %slice3A_66 = vector.extract_strided_slice %dot_general3A_38 {offsets = [1, 0], sizes = [1, 2048], strides = [1, 1]} : vector<4x2048xf32> to vector<1x2048xf32>
    %sub3A_67 = vector.broadcast %add3A_63 : f32 to vector<1x2048xf32>
    %sub3A_68 = arith.subf %slice3A_66, %sub3A_67 : vector<1x2048xf32>
    %slice3A_69 = vector.extract_strided_slice %dot_general3A_38 {offsets = [2, 0], sizes = [2, 2048], strides = [1, 1]} : vector<4x2048xf32> to vector<2x2048xf32>
    %broadcast_in_dim3A_70 = arith.constant 0.000000e+00 : f32
    %broadcast_in_dim3A_71 = vector.broadcast %broadcast_in_dim3A_70 : f32 to vector<4x2048xf32>
    %concatenate3A_72 = tpu.concatenate %sub3A_65, %sub3A_68, %slice3A_69, %broadcast_in_dim3A_71 in 0 : vector<1x2048xf32>, vector<1x2048xf32>, vector<2x2048xf32>, vector<4x2048xf32> -> vector<8x2048xf32>
    %swap3A_73 = arith.constant 0 : index
    %swap3A_74 = arith.constant 0 : index
    %swap3A_75 = vector.load %arg9[%swap3A_73, %swap3A_74] : memref<8x2048xf32, #tpu.memory_space<vmem>>, vector<8x2048xf32>
    tpu.vector_store %arg9[%swap3A_73, %swap3A_74], %concatenate3A_72 {strides = array<i32>} : memref<8x2048xf32, #tpu.memory_space<vmem>>, vector<8x2048xf32>,
    return
  }
}

module attributes {stable_mosaic.version = 14 : i64} {
  func.func @_final_body(%arg0: memref<256x2048xf32, #tpu.memory_space<vmem>>, %arg1: memref<4x2048xf32, #tpu.memory_space<vmem>>, %arg2: memref<2048x16xf32, #tpu.memory_space<vmem>>, %arg3: memref<32x128xf32, #tpu.memory_space<vmem>>, %arg4: memref<32xf32, #tpu.memory_space<vmem>>, %arg5: memref<10x32xf32, #tpu.memory_space<vmem>>, %arg6: memref<10xf32, #tpu.memory_space<vmem>>, %arg7: memref<16x10xf32, #tpu.memory_space<vmem>>) attributes {dimension_semantics = [], scalar_prefetch = 0 : i64, scratch_operands = 0 : i64, tpu.core_type = #tpu.core_type<tc>} {
    %get3A = arith.constant 0 : index
    %get3A_0 = arith.constant 0 : index
    %get3A_1 = vector.load %arg0[%get3A, %get3A_0] : memref<256x2048xf32, #tpu.memory_space<vmem>>, vector<128x2048xf32>
    %get3A_2 = arith.constant 128 : index
    %get3A_3 = arith.constant 0 : index
    %get3A_4 = vector.load %arg0[%get3A_2, %get3A_3] : memref<256x2048xf32, #tpu.memory_space<vmem>>, vector<128x2048xf32>
    %add3A = arith.addf %get3A_1, %get3A_4 : vector<128x2048xf32>
    %get3A_5 = arith.constant 0 : index
    %get3A_6 = arith.constant 0 : index
    %get3A_7 = vector.load %arg1[%get3A_5, %get3A_6] : memref<4x2048xf32, #tpu.memory_space<vmem>>, vector<2x2048xf32>
    %get3A_8 = arith.constant 2 : index
    %get3A_9 = arith.constant 0 : index
    %get3A_10 = vector.load %arg1[%get3A_8, %get3A_9] : memref<4x2048xf32, #tpu.memory_space<vmem>>, vector<2x2048xf32>
    %add3A_11 = arith.addf %get3A_7, %get3A_10 : vector<2x2048xf32>
    %slice3A = vector.extract_strided_slice %add3A {offsets = [0, 0], sizes = [64, 2048], strides = [1, 1]} : vector<128x2048xf32> to vector<64x2048xf32>
    %slice3A_12 = vector.extract_strided_slice %add3A_11 {offsets = [0, 0], sizes = [1, 2048], strides = [1, 1]} : vector<2x2048xf32> to vector<1x2048xf32>
    %add3A_13 = arith.constant 9.99999997E-7 : f32
    %add3A_14 = vector.broadcast %add3A_13 : f32 to vector<1x2048xf32>
    %add3A_15 = arith.addf %slice3A_12, %add3A_14 : vector<1x2048xf32>
    %div3A = vector.broadcast %add3A_15 : vector<1x2048xf32> to vector<64x2048xf32>
    %div3A_16 = arith.divf %slice3A, %div3A : vector<64x2048xf32>
    %slice3A_17 = vector.extract_strided_slice %add3A {offsets = [64, 0], sizes = [64, 2048], strides = [1, 1]} : vector<128x2048xf32> to vector<64x2048xf32>
    %slice3A_18 = vector.extract_strided_slice %add3A_11 {offsets = [1, 0], sizes = [1, 2048], strides = [1, 1]} : vector<2x2048xf32> to vector<1x2048xf32>
    %add3A_19 = arith.constant 9.99999997E-7 : f32
    %add3A_20 = vector.broadcast %add3A_19 : f32 to vector<1x2048xf32>
    %add3A_21 = arith.addf %slice3A_18, %add3A_20 : vector<1x2048xf32>
    %div3A_22 = vector.broadcast %add3A_21 : vector<1x2048xf32> to vector<64x2048xf32>
    %div3A_23 = arith.divf %slice3A_17, %div3A_22 : vector<64x2048xf32>
    %concatenate3A = tpu.concatenate %div3A_16, %div3A_23 in 0 : vector<64x2048xf32>, vector<64x2048xf32> -> vector<128x2048xf32>
    %get3A_24 = arith.constant 0 : index
    %get3A_25 = arith.constant 0 : index
    %get3A_26 = vector.load %arg2[%get3A_24, %get3A_25] : memref<2048x16xf32, #tpu.memory_space<vmem>>, vector<2048x16xf32>
    %dot_general3A = arith.constant dense<0.000000e+00> : vector<16x128xf32>
    %dot_general3A_27 = tpu.matmul %get3A_26, %concatenate3A, %dot_general3A {dimension_numbers = #tpu.dot_dimension_numbers<[0], [1], [1], [0], [0, 1, 1, 0], [], []>, transpose_lhs_hint = false} : vector<2048x16xf32>, vector<128x2048xf32>, vector<16x128xf32> -> vector<16x128xf32>
    %get3A_28 = arith.constant 0 : index
    %get3A_29 = arith.constant 0 : index
    %get3A_30 = vector.load %arg3[%get3A_28, %get3A_29] : memref<32x128xf32, #tpu.memory_space<vmem>>, vector<32x128xf32>
    %dot_general3A_31 = arith.constant dense<0.000000e+00> : vector<16x32xf32>
    %dot_general3A_32 = tpu.matmul %dot_general3A_27, %get3A_30, %dot_general3A_31 {dimension_numbers = #tpu.dot_dimension_numbers<[1], [1], [0], [0], [0, 0, 1, 0], [], []>, transpose_lhs_hint = false} : vector<16x128xf32>, vector<32x128xf32>, vector<16x32xf32> -> vector<16x32xf32>
    %get3A_33 = arith.constant 0 : index
    %get3A_34 = vector.load %arg4[%get3A_33] : memref<32xf32, #tpu.memory_space<vmem>>, vector<32xf32>
    %broadcast_in_dim3A = vector.shape_cast %get3A_34 : vector<32xf32> to vector<1x32xf32>
    %add3A_35 = vector.broadcast %broadcast_in_dim3A : vector<1x32xf32> to vector<16x32xf32>
    %add3A_36 = arith.addf %dot_general3A_32, %add3A_35 : vector<16x32xf32>
    %max3A = arith.constant 0.000000e+00 : f32
    %max3A_37 = vector.broadcast %max3A : f32 to vector<16x32xf32>
    %max3A_38 = arith.maximumf %add3A_36, %max3A_37 : vector<16x32xf32>
    %get3A_39 = arith.constant 0 : index
    %get3A_40 = arith.constant 0 : index
    %get3A_41 = vector.load %arg5[%get3A_39, %get3A_40] : memref<10x32xf32, #tpu.memory_space<vmem>>, vector<10x32xf32>
    %dot_general3A_42 = arith.constant dense<0.000000e+00> : vector<16x10xf32>
    %dot_general3A_43 = tpu.matmul %max3A_38, %get3A_41, %dot_general3A_42 {dimension_numbers = #tpu.dot_dimension_numbers<[1], [1], [0], [0], [0, 0, 1, 0], [], []>, transpose_lhs_hint = false} : vector<16x32xf32>, vector<10x32xf32>, vector<16x10xf32> -> vector<16x10xf32>
    %get3A_44 = arith.constant 0 : index
    %get3A_45 = vector.load %arg6[%get3A_44] : memref<10xf32, #tpu.memory_space<vmem>>, vector<10xf32>
    %broadcast_in_dim3A_46 = vector.shape_cast %get3A_45 : vector<10xf32> to vector<1x10xf32>
    %add3A_47 = vector.broadcast %broadcast_in_dim3A_46 : vector<1x10xf32> to vector<16x10xf32>
    %add3A_48 = arith.addf %dot_general3A_43, %add3A_47 : vector<16x10xf32>
    %swap3A = arith.constant 0 : index
    %swap3A_49 = arith.constant 0 : index
    %swap3A_50 = vector.load %arg7[%swap3A, %swap3A_49] : memref<16x10xf32, #tpu.memory_space<vmem>>, vector<16x10xf32>
    tpu.vector_store %arg7[%swap3A, %swap3A_49], %add3A_48 {strides = array<i32>} : memref<16x10xf32, #tpu.memory_space<vmem>>, vector<16x10xf32>,
    return
  }
}

</mosaic_0001>

<sc_bundles>
// kernel: kernel.12.cloned.1.call-start
scs
__scs_entry_jumppad:
0x0: {  	(pc) =	sbr.rel $0x88, $3  }
0x1: {  	(tag) =	ssettag $0x0;
	lr =	simm.s32 $0x1  }
0x2: {  	[smem:$0x3F87] =	sst lr;
	_ =	strace $0xD0000000  }
0x3: {  	_ = 	snop  }
0x4: {  	_ = 	snop  }
0x5: {  	_ = 	snop  }
0x6: {  	_ = 	snop  }
0x7: {  	_ = 	snop  }
__scs_overlays_trampoline_lowered:
0x8: {  	[smem:$0x3F96] =	sst s0  }
0x9: {  	[smem:$0x3F97] =	sst s1  }
0xa: {  	[smem:$0x3F98] =	sst s2  }
0xb: {  	[smem:$0x3F99] =	sst s3  }
0xc: {  	[smem:$0x3F9A] =	sst s4  }
0xd: {  	[smem:$0x3F9B] =	sst s5  }
0xe: {  	[smem:$0x3F9C] =	sst s6  }
0xf: {  	[smem:$0x3F9D] =	sst s7  }
0x10: {  	[smem:$0x3F9E] =	sst s8  }
0x11: {  	[smem:$0x3F9F] =	sst s9;
	s0 =	simm.s32 @!p0 $0x0  }
0x12: {  	s1 =	sld [smem:$0x3F85];
	s0 =	simm.s32 @p0 $0x1  }
0x13: {  	[smem:$0x3FA0] =	sst s0;
	s0 =	simm.s32 @!p1 $0x0  }
0x14: {  	s2 =	sld [smem:$0x3F84];
	s0 =	simm.s32 @p1 $0x1  }
0x15: {  	[smem:$0x3FA1] =	sst s0;
	s0 =	simm.s32 @!p2 $0x0  }
0x16: {  	s3 =	sld [smem:$0x3FDB];
	s0 =	simm.s32 @p2 $0x1  }
0x17: {  	s4 =	simm.s32 $0x1BF5;
	[smem:$0x3FA3] =	sst s0  }
0x18: {  	s0 =	sld [smem:$0x3F86];
	_ =	swait.ge [sflag:s4], $0x0  }
0x19: {  	s7 =	sld [smem:$0x3F87]  }
0x1a: {  	s8 =	sadd.s32 $0xFFFFE003, lr  }
0x1b: {  	s9 =	sadd.s32 $0xFFFFFEF7, lr;
	s5 =	simm.s32 $0xFFFFFFFF;
	p2 =	slt.u32 s8, $0xFFFFF086  }
0x1c: {  	p1 =	slt.u32 s9, $0xF7A;
	s5 =	simm.s32 @!p2 $0x0  }
0x1d: {  	s5 =	simm.s32 @p1 $0x1;
	p0 =	seq.s32 s7, s2  }
0x1e: {  	s7 =	smul.u32 @!p0 $0xF7A, s2;
	p2 =	seq.s32 @!p0 s5, $0x0  }
0x1f: {  	s9 =	smul.u32 $0xF7A, s1;
	s8 =	simm.s32 @!p0 $0x1BF5;
	p2 =	por !p2, p0  }
0x20: {  	[sflag:s8] =	ssyncset.s32 @!p0 $0xFFFFF086;
	s6 =	sadd.s32 @!p0 s3, s7;
	s7 =	simm.s32 @!p0 $0x108  }
0x21: {  	s3 =	sadd.s32 s3, s9;
	s6 =	sadd.s32 @!p0 $0x88, s6;
	s7 =	simm.s32 @p2 $0x1082  }
0x22: {  	[simem:s7], [sflag:s8] =	dma.local @!p0 [hbm:s6], $0xF7A  }
0x23: {  	s9 =	sor.u32 $0xD0000000, s2;
	s6 =	simm.s32 $0x108;
	_ =	swait.ge @!p0 [sflag:s8], $0x0  }
0x24: {  	s3 =	sadd.s32 $0x88, s3;
	s6 =	simm.s32 @!p1 $0x1082;
	[sflag:s4] =	ssyncset.s32 $0xFFFFF086  }
0x25: {  	[simem:s6], [sflag:s4] =	dma.local [hbm:s3], $0xF7A  }
0x26: {  	[smem:$0x3F87] =	sst s1;
	(tag) =	ssettag s2;
	_ =	strace s9  }
0x27: {  	s1 =	sld [smem:$0x3F97]  }
0x28: {  	s2 =	sld [smem:$0x3F98]  }
0x29: {  	s4 =	sld [smem:$0x3F9A]  }
0x2a: {  	p0 =	seq.s32 s5, $0x0;
	s5 =	sld [smem:$0x3F9B]  }
0x2b: {  	s6 =	sld [smem:$0x3F9C]  }
0x2c: {  	s7 =	sld [smem:$0x3F9D]  }
0x2d: {  	s3 =	simm.s32 $0x108;
	s8 =	sld [smem:$0x3F9E]  }
0x2e: {  	s3 =	simm.s32 @!p0 $0x1082;
	s9 =	sld [smem:$0x3F9F]  }
0x2f: {  	lr =	sadd.s32 s0, s3;
	s0 =	sld [smem:$0x3F96]  }
0x30: {  	s3 =	sld [smem:$0x3F99]  }
0x31: {  	[smem:$0x3FA2] =	sst s10  }
0x32: {  	s10 =	sld [smem:$0x3FA0];
	_ =	sdelay $0x3  }
0x33: {  	p0 =	seq.s32 s10, $0x1;
	s10 =	sld [smem:$0x3FA2];
	_ =	sdelay $0x3  }
0x34: {  	[smem:$0x3FA2] =	sst s10  }
0x35: {  	s10 =	sld [smem:$0x3FA1];
	_ =	sdelay $0x3  }
0x36: {  	p1 =	seq.s32 s10, $0x1;
	s10 =	sld [smem:$0x3FA2];
	_ =	sdelay $0x3  }
0x37: {  	[smem:$0x3FA2] =	sst s10  }
0x38: {  	s10 =	sld [smem:$0x3FA3]  }
0x39: {  	_ = 	snop;
	(pc) =	sbr.ind lr, $3  }
0x3a: {  	_ = 	snop  }
0x3b: {  	_ = 	snop  }
0x3c: {  	p2 =	seq.s32 s10, $0x1;
	s10 =	sld [smem:$0x3FA2]  }
0x3d: {  	_ =	shalt  }
0x3e: {  	_ =	shalt  }
0x3f: {  	_ =	shalt  }
0x40: {  	_ =	shalt  }
0x41: {  	_ =	shalt  }
0x42: {  	_ =	shalt  }
0x43: {  	_ =	shalt  }
0x44: {  	_ =	shalt  }
0x45: {  	_ =	shalt  }
0x46: {  	_ =	shalt  }
0x47: {  	_ =	shalt  }
0x48: {  	_ =	shalt  }
0x49: {  	_ =	shalt  }
0x4a: {  	_ =	shalt  }
0x4b: {  	_ =	shalt  }
0x4c: {  	_ =	shalt  }
0x4d: {  	_ =	shalt  }
0x4e: {  	_ =	shalt  }
0x4f: {  	_ =	shalt  }
0x50: {  	_ =	shalt  }
0x51: {  	_ =	shalt  }
0x52: {  	_ =	shalt  }
0x53: {  	_ =	shalt  }
0x54: {  	_ =	shalt  }
0x55: {  	_ =	shalt  }
0x56: {  	_ =	shalt  }
0x57: {  	_ =	shalt  }
0x58: {  	_ =	shalt  }
0x59: {  	_ =	shalt  }
0x5a: {  	_ =	shalt  }
0x5b: {  	_ =	shalt  }
0x5c: {  	_ =	shalt  }
0x5d: {  	_ =	shalt  }
0x5e: {  	_ =	shalt  }
0x5f: {  	_ =	shalt  }
0x60: {  	_ =	shalt  }
0x61: {  	_ =	shalt  }
0x62: {  	_ =	shalt  }
0x63: {  	_ =	shalt  }
0x64: {  	_ =	shalt  }
0x65: {  	_ =	shalt  }
0x66: {  	_ =	shalt  }
0x67: {  	_ =	shalt  }
0x68: {  	_ =	shalt  }
0x69: {  	_ =	shalt  }
0x6a: {  	_ =	shalt  }
0x6b: {  	_ =	shalt  }
0x6c: {  	_ =	shalt  }
0x6d: {  	_ =	shalt  }
0x6e: {  	_ =	shalt  }
0x6f: {  	_ =	shalt  }
0x70: {  	_ =	shalt  }
0x71: {  	_ =	shalt  }
0x72: {  	_ =	shalt  }
0x73: {  	_ =	shalt  }
0x74: {  	_ =	shalt  }
0x75: {  	_ =	shalt  }
0x76: {  	_ =	shalt  }
0x77: {  	_ =	shalt  }
0x78: {  	_ =	shalt  }
0x79: {  	_ =	shalt  }
0x7a: {  	_ =	shalt  }
0x7b: {  	_ =	shalt  }
0x7c: {  	_ =	shalt  }
0x7d: {  	_ =	shalt  }
0x7e: {  	_ =	shalt  }
0x7f: {  	_ =	shalt  }
0x80: {  	_ =	shalt  }
0x81: {  	_ =	shalt  }
0x82: {  	_ =	shalt  }
0x83: {  	_ =	shalt  }
0x84: {  	_ =	shalt  }
0x85: {  	_ =	shalt  }
0x86: {  	_ =	shalt  }
0x87: {  	_ =	shalt  }
.Lfunc_end0:
.L_simem_size_0:
called_computation.1_lowered:
.L_overlay_start_0:
0x88: {  	s2 =	sld [smem:$0x3FD9]  }
0x89: {  	s3 =	sld [smem:$0x3FFE];
	_ =	sdelay $0x1  }
0x8a: {  	s1 =	srdreg.scid  }
0x8b: {  	s0 =	sand.u32 $0x1, s1  }
0x8c: {  	s17 =	sshll.u32 s0, $0xA;
	s2 =	sadd.s32 s3, s2  }
0x8d: {  	s2 =	sadd.s32 s2, s17  }
0x8e: {  	[smem:$0x3FAE] =	sst s2  }
0x8f: {  	_ = 	snop  }
0x90: {  	s2 =	sld [smem:$0x3FC8]  }
0x91: {  	s18 =	sld [smem:$0x3FC7];
	(tm) =	ssettm $0x1  }
0x92: {  	s4 =	sld [smem:$0x3FFB];
	_ =	sdelay $0x3  }
0x93: {  	_ =	strace s4  }
0x94: {  	s4 =	sld [smem:$0x3FFC];
	_ =	sdelay $0x3  }
0x95: {  	_ =	strace s4  }
0x96: {  	s4 =	sld [smem:$0x3FFD];
	_ =	sdelay $0x3  }
0x97: {  	_ =	strace s4  }
0x98: {  	_ =	strace $0x8FFFFFFF  }
0x99: {  	s19 =	sld [smem:$0x3FDB];
	_ =	sdelay $0x1  }
0x9a: {  	s5 =	simm.s32 $_scs_section_size  }
0x9b: {  	s6 =	simm.s32 $_size__tile_overlayer_lowered;
	s7 =	simm.s32 $_tile_overlayer_lowered  }
0x9c: {  	s22 =	simm.s32 $0x1BFF;
	s21 =	sshll.u32 s7, $0x1;
	s4 =	sadd.s32 s5, s19  }
0x9d: {  	s8 =	simm.s32 $0x0;
	s20 =	sshll.u32 s6, $0x1;
	s6 =	sadd.s32 s21, s4  }
0x9e: {  	[timem:s8], [sflag:s22] =	dma.local [hbm:s6], s20  }
0x9f: {  	_ =	swait.ge [sflag:s22], s20  }
0xa0: {  	s5 =	ssub.s32 $0x0, s20;
	[sflag:s22] =	ssyncset.done $0x0  }
0xa1: {  	[sflag:s22] =	ssyncadd.s32 s5;
	_ =	sdelay $0x1  }
0xa2: {  	s23 =	simm.s32 $0x1B8B  }
0xa3: {  	_ =	swait.ge [sflag:s23], $0x1  }
0xa4: {  	[sflag:s23] =	ssyncset.done $0x0  }
0xa5: {  	s25 =	simm.s32 $0x1B8E;
	s24 =	sld [smem:$0x3FFE];
	[sflag:s23] =	ssyncadd.s32 $0xFFFFFFFF  }
0xa6: {  	s26 =	simm.s32 $execute0_lowered;
	[smem:$0x3FD2] =	sst s25  }
0xa7: {  	s6 =	sshll.u32 s26, $0x1;
	_ =	strace $0x80000049;
	[dreg:$0x1] =	wrdreg $0xFFFFFFFF  }
0xa8: {  	s28 =	simm.s32 $_size_execute0_lowered;
	s4 =	sadd.s32 s4, s6;
	[dreg:$0x0] =	wrdreg $0x0  }
0xa9: {  	s6 =	sshll.u32 s28, $0x1;
	[dreg:$0x2] =	wrdreg s4  }
0xaa: {  	[dreg:$0x3] =	wrdreg s6  }
0xab: {  	[dreg:$0x4] =	wrdreg $0xC0  }
0xac: {  	_ =	task [dreg:s8], $0x5FFFF  }
0xad: {  	[dreg:$0x1] =	wrdreg $0xFFFFFFFF  }
0xae: {  	[dreg:$0x0] =	wrdreg $0x60  }
0xaf: {  	[dreg:$0x2] =	wrdreg s24  }
0xb0: {  	[dreg:$0x3] =	wrdreg s2  }
0xb1: {  	[dreg:$0x4] =	wrdreg s18  }
0xb2: {  	[dreg:$0x5] =	wrdreg $0x9  }
0xb3: {  	_ =	task.clear_ibuf [dreg:s8], $0x6FFFF;
	_ =	strace $0x90000049  }
0xb4: {  	s29 =	simm.s32 $0x9;
	_ =	strace $0x8000004B  }
0xb5: {  	_ =	swait.ge [sflag:s29], $0x1  }
0xb6: {  	[sflag:s29] =	ssyncadd.s32 $0xFFFFFFFF  }
0xb7: {  	_ =	strace $0x9000004B  }
0xb8: {  	_ =	sfence  }
0xb9: {  	s30 =	sld [smem:$0x0];
	_ =	sdelay $0x2  }
0xba: {  	s31 =	sshll.u32 s1, $0xD;
	s1 =	sshrl.u32 s1, $0x2  }
0xbb: {  	s3 =	sand.u32 $0x4000, s31;
	s1 =	sadd.s32 s1, s30  }
0xbc: {  	s0 =	sor.u32 s3, s0;
	s1 =	sshll.u32 s1, $0x11  }
0xbd: {  	s0 =	sor.u32 s1, s0  }
0xbe: {  	s0 =	sadd.s32 $0x8F2B, s0  }
0xbf: {  	[sflag:s0] =	ssyncadd.remote.s32 $0x1  }
0xc0: {  	_ =	sfence.sel $0xFFFF  }
0xc1: {  	[dreg:$0x0] =	wrdreg $0xFFFFFFFF;
	(pc) =	sbr.abs _section_cstart, $3  }
0xc2: {  	[dreg:$0x1] =	wrdreg $0xFFFFFFFF  }
0xc3: {  	_ =	task.clear_ibuf [dreg:s8], $0x2FFFF;
	_ =	strace $0x9FFFFFFF  }
0xc4: {  	(tm) =	ssettm $0x7FFFFFFF  }
0xc5: {  	_ =	shalt  }
tec
execute0_lowered:
.L_overlay_start_1:
0x0: {  	(tag) =	ssettag $0x1  }
0x1: {  	s3 =	rddreg [dreg:$0x0]  }
0x2: {  	s7 =	rddreg [dreg:$0x1]  }
0x3: {  	s8 =	rddreg [dreg:$0x2]  }
0x4: {  	s0 =	rddreg [dreg:$0x3]  }
0x5: {  	s2 =	simm.s32 $0x0;
	s4 =	srdreg.scid;
	s1 =	stileid.u32  }
0x6: {  	s15 =	simm.s32 $0x8000;
	s16 =	simm.s32 $0x8800;
	s17 =	simm.s32 $0xD800  }
0x7: {  	s18 =	simm.s32 $0xF800;
	s19 =	simm.s32 $0x1;
	s20 =	simm.s32 $0xD000  }
0x8: {  	s21 =	simm.s32 $0x9000;
	s22 =	simm.s32 $0x2;
	[smem:$0x7FF] =	sst s2  }
0x9: {  	s9 =	sand.u32 $0x1, s4;
	s30 =	sshll.u32 s1, $0x1;
	s5 =	sshll.u32 s1, $0xB  }
0xa: {  	s23 =	sor.u32 $0x8, s1;
	_ =	strace $0x8000004A;
	s6 =	ssub.s32 $0x2, s9  }
0xb: {  	s4 =	sand.u32 $0x10, s30;
	s10 =	sadd.s32 s5, s3;
	s13 =	sshll.u32 s9, $0xA  }
0xc: {  	s14 =	sshll.u32 s9, $0xF;
	s9 =	sshll.u32 s9, $0x5;
	p0 =	seq.s32 s23, $0x8  }
0xd: {  	s23 =	simm.s32 $0x0;
	s31 =	sshrl.u32 s6, $0x1;
	s11 =	sadd.s32 s4, s3  }
0xe: {  	s3 =	sadd.s32 $0x6C00, s10;
	s4 =	sadd.s32 $0xEC00, s10;
	s7 =	sadd.s32 s7, s13  }
0xf: {  	s10 =	sadd.s32 s14, s10;
	s8 =	sadd.s32 s8, s13;
	s13 =	simm.s32 $0x80  }
0x10: {  	s14 =	simm.s32 $0x400;
	s12 =	ssub.s32 s6, s31;
	s5 =	sadd.s32 $0x16C00, s11  }
0x11: {  	s6 =	sadd.s32 $0x16C20, s11;
	s11 =	sadd.s32 s9, s11;
	s9 =	sadd.s32 $0x17400, s10  }
0x12: {  	v0 =	vimm.f32 $0.0e+00;
	s10 =	sadd.s32 $0x27400, s11;
	s11 =	smax.u32 s12, $0x1;
	s12 =	simm.s32 $0x4000  }
.LBB2_1:
0x13: {  	[tilespmem:s2], [sflag:$0x1] =	stream.linear.gather [hbm4b:s3+s2], $0x4000, $0x38;
	[tilespmem:$0x11800] =	vst v63  }
0x14: {  	_ = 	snop  }
0x15: {  	[tilespmem:s12], [sflag:$0x1] =	stream.linear.gather [hbm4b:s4+s2], $0x4000, $0x38;
	[tilespmem:$0x11800] =	vst v63  }
0x16: {  	_ = 	snop  }
0x17: {  	[tilespmem:s15], [sflag:$0x1] =	stream.strided.gather [hbm4b:s5+s13], $0x800, s14, s13, $0x38;
	[tilespmem:$0x11800] =	vst v63  }
0x18: {  	_ = 	snop  }
0x19: {  	[tilespmem:s16], [sflag:$0x1] =	stream.strided.gather [hbm4b:s6+s13], $0x800, s14, s13, $0x38;
	[tilespmem:$0x11800] =	vst v63  }
0x1a: {  	_ = 	snop  }
0x1b: {  	[tilespmem:s17], [sflag:$0x1] =	stream.linear.gather [hbm4b:s7+s2], $0x2000, $0x38;
	[tilespmem:$0x11800] =	vst v63  }
0x1c: {  	s24 =	simm.s32 $0x9200  }
0x1d: {  	[tilespmem:s18], [sflag:$0x1] =	stream.linear.gather [hbm4b:s8+s2], $0x2000, $0x38;
	[tilespmem:$0x11800] =	vst v63  }
0x1e: {  	[tilespmem:s24+$0xFFFFFE00] =	vst v0  }
0x1f: {  	[tilespmem:s24+$0x180] =	vst v0  }
0x20: {  	[tilespmem:s24+$0x1F0] =	vst v0  }
0x21: {  	[tilespmem:s24+$0x170] =	vst v0  }
0x22: {  	[tilespmem:s24+$0xF0] =	vst v0  }
0x23: {  	[tilespmem:s24+$0x70] =	vst v0  }
0x24: {  	[tilespmem:s24+$0xFFFFFFF0] =	vst v0  }
0x25: {  	[tilespmem:s24+$0xFFFFFF70] =	vst v0  }
0x26: {  	[tilespmem:s24+$0xFFFFFEF0] =	vst v0  }
0x27: {  	[tilespmem:s24+$0xFFFFFE70] =	vst v0  }
0x28: {  	[tilespmem:s24+$0x1E0] =	vst v0  }
0x29: {  	[tilespmem:s24+$0x160] =	vst v0  }
0x2a: {  	[tilespmem:s24+$0xE0] =	vst v0  }
0x2b: {  	[tilespmem:s24+$0x60] =	vst v0  }
0x2c: {  	[tilespmem:s24+$0xFFFFFFE0] =	vst v0  }
0x2d: {  	[tilespmem:s24+$0xFFFFFF60] =	vst v0  }
0x2e: {  	[tilespmem:s24+$0xFFFFFEE0] =	vst v0  }
0x2f: {  	[tilespmem:s24+$0xFFFFFE60] =	vst v0  }
0x30: {  	[tilespmem:s24+$0x1D0] =	vst v0  }
0x31: {  	[tilespmem:s24+$0x150] =	vst v0  }
0x32: {  	[tilespmem:s24+$0xD0] =	vst v0  }
0x33: {  	[tilespmem:s24+$0x50] =	vst v0  }
0x34: {  	[tilespmem:s24+$0xFFFFFFD0] =	vst v0  }
0x35: {  	[tilespmem:s24+$0xFFFFFF50] =	vst v0  }
0x36: {  	[tilespmem:s24+$0xFFFFFED0] =	vst v0  }
0x37: {  	[tilespmem:s24+$0xFFFFFE50] =	vst v0  }
0x38: {  	[tilespmem:s24+$0x190] =	vst v0  }
0x39: {  	[tilespmem:s24+$0x1A0] =	vst v0  }
0x3a: {  	[tilespmem:s24+$0x1B0] =	vst v0  }
0x3b: {  	[tilespmem:s24+$0x1C0] =	vst v0  }
0x3c: {  	[tilespmem:s24+$0x140] =	vst v0  }
0x3d: {  	[tilespmem:s24+$0xC0] =	vst v0  }
0x3e: {  	[tilespmem:s24+$0x40] =	vst v0  }
0x3f: {  	[tilespmem:s24+$0xFFFFFFC0] =	vst v0  }
0x40: {  	[tilespmem:s24+$0xFFFFFF40] =	vst v0  }
0x41: {  	[tilespmem:s24+$0xFFFFFEC0] =	vst v0  }
0x42: {  	[tilespmem:s24+$0xFFFFFE40] =	vst v0  }
0x43: {  	[tilespmem:s24+$0x130] =	vst v0  }
0x44: {  	[tilespmem:s24+$0xB0] =	vst v0  }
0x45: {  	[tilespmem:s24+$0x30] =	vst v0  }
0x46: {  	[tilespmem:s24+$0xFFFFFFB0] =	vst v0  }
0x47: {  	[tilespmem:s24+$0xFFFFFF30] =	vst v0  }
0x48: {  	[tilespmem:s24+$0xFFFFFEB0] =	vst v0  }
0x49: {  	[tilespmem:s24+$0xFFFFFE30] =	vst v0  }
0x4a: {  	[tilespmem:s24+$0x120] =	vst v0  }
0x4b: {  	[tilespmem:s24+$0xA0] =	vst v0  }
0x4c: {  	[tilespmem:s24+$0x20] =	vst v0  }
0x4d: {  	[tilespmem:s24+$0xFFFFFFA0] =	vst v0  }
0x4e: {  	[tilespmem:s24+$0xFFFFFF20] =	vst v0  }
0x4f: {  	[tilespmem:s24+$0xFFFFFEA0] =	vst v0  }
0x50: {  	[tilespmem:s24+$0xFFFFFE20] =	vst v0  }
0x51: {  	[tilespmem:s24+$0x110] =	vst v0  }
0x52: {  	[tilespmem:s24+$0x90] =	vst v0  }
0x53: {  	[tilespmem:s24+$0x10] =	vst v0  }
0x54: {  	[tilespmem:s24+$0xFFFFFF90] =	vst v0  }
0x55: {  	[tilespmem:s24+$0xFFFFFF10] =	vst v0  }
0x56: {  	[tilespmem:s24+$0xFFFFFE90] =	vst v0  }
0x57: {  	[tilespmem:s24+$0xFFFFFE10] =	vst v0  }
0x58: {  	[tilespmem:s24+$0x100] =	vst v0  }
0x59: {  	[tilespmem:s24+$0x80] =	vst v0  }
0x5a: {  	[tilespmem:s24+$0x0] =	vst v0  }
0x5b: {  	[tilespmem:s24+$0xFFFFFF80] =	vst v0  }
0x5c: {  	[tilespmem:s24+$0xFFFFFF00] =	vst v0  }
0x5d: {  	s25 =	simm.s32 $0xD040;
	[tilespmem:s24+$0xFFFFFE80] =	vst v0  }
0x5e: {  	[tilespmem:s25+$0x30] =	vst v0  }
0x5f: {  	[tilespmem:s25+$0x20] =	vst v0  }
0x60: {  	[tilespmem:s25+$0x10] =	vst v0  }
0x61: {  	[tilespmem:s25+$0x0] =	vst v0  }
0x62: {  	[tilespmem:s25+$0xFFFFFFF0] =	vst v0  }
0x63: {  	[tilespmem:s25+$0xFFFFFFE0] =	vst v0  }
0x64: {  	s26 =	simm.s32 $0x0;
	[tilespmem:s25+$0xFFFFFFD0] =	vst v0  }
.LBB2_2:
0x65: {  	s26 =	sadd.s32 $0x8, s26;
	[tilespmem:s25+$0xFFFFFFC0] =	vst v0;
	s24 =	sadd.s32 $0x400, s24;
	s25 =	sadd.s32 $0x80, s25  }
0x66: {  	[tilespmem:s24+$0xFFFFFE00] =	vst v0;
	p1 =	slt.u32 s26, $0x78  }
0x67: {  	[tilespmem:s24+$0x180] =	vst v0  }
0x68: {  	[tilespmem:s24+$0x1F0] =	vst v0  }
0x69: {  	[tilespmem:s24+$0x170] =	vst v0  }
0x6a: {  	[tilespmem:s24+$0xF0] =	vst v0  }
0x6b: {  	[tilespmem:s24+$0x70] =	vst v0  }
0x6c: {  	[tilespmem:s24+$0xFFFFFFF0] =	vst v0  }
0x6d: {  	[tilespmem:s24+$0xFFFFFF70] =	vst v0  }
0x6e: {  	[tilespmem:s24+$0xFFFFFEF0] =	vst v0  }
0x6f: {  	[tilespmem:s24+$0xFFFFFE70] =	vst v0  }
0x70: {  	[tilespmem:s25+$0x30] =	vst v0  }
0x71: {  	[tilespmem:s24+$0x1E0] =	vst v0  }
0x72: {  	[tilespmem:s24+$0x160] =	vst v0  }
0x73: {  	[tilespmem:s24+$0xE0] =	vst v0  }
0x74: {  	[tilespmem:s24+$0x60] =	vst v0  }
0x75: {  	[tilespmem:s24+$0xFFFFFFE0] =	vst v0  }
0x76: {  	[tilespmem:s24+$0xFFFFFF60] =	vst v0  }
0x77: {  	[tilespmem:s24+$0xFFFFFEE0] =	vst v0  }
0x78: {  	[tilespmem:s24+$0xFFFFFE60] =	vst v0  }
0x79: {  	[tilespmem:s25+$0x20] =	vst v0  }
0x7a: {  	[tilespmem:s24+$0x1D0] =	vst v0  }
0x7b: {  	[tilespmem:s24+$0x150] =	vst v0  }
0x7c: {  	[tilespmem:s24+$0xD0] =	vst v0  }
0x7d: {  	[tilespmem:s24+$0x50] =	vst v0  }
0x7e: {  	[tilespmem:s24+$0xFFFFFFD0] =	vst v0  }
0x7f: {  	[tilespmem:s24+$0xFFFFFF50] =	vst v0  }
0x80: {  	[tilespmem:s24+$0xFFFFFED0] =	vst v0  }
0x81: {  	[tilespmem:s24+$0xFFFFFE50] =	vst v0  }
0x82: {  	[tilespmem:s25+$0x10] =	vst v0  }
0x83: {  	[tilespmem:s24+$0x190] =	vst v0  }
0x84: {  	[tilespmem:s24+$0x1A0] =	vst v0  }
0x85: {  	[tilespmem:s24+$0x1B0] =	vst v0  }
0x86: {  	[tilespmem:s24+$0x1C0] =	vst v0  }
0x87: {  	[tilespmem:s24+$0x140] =	vst v0  }
0x88: {  	[tilespmem:s24+$0xC0] =	vst v0  }
0x89: {  	[tilespmem:s24+$0x40] =	vst v0  }
0x8a: {  	[tilespmem:s24+$0xFFFFFFC0] =	vst v0  }
0x8b: {  	[tilespmem:s24+$0xFFFFFF40] =	vst v0  }
0x8c: {  	[tilespmem:s24+$0xFFFFFEC0] =	vst v0  }
0x8d: {  	[tilespmem:s24+$0xFFFFFE40] =	vst v0  }
0x8e: {  	[tilespmem:s25+$0x0] =	vst v0  }
0x8f: {  	[tilespmem:s24+$0x130] =	vst v0  }
0x90: {  	[tilespmem:s24+$0xB0] =	vst v0  }
0x91: {  	[tilespmem:s24+$0x30] =	vst v0  }
0x92: {  	[tilespmem:s24+$0xFFFFFFB0] =	vst v0  }
0x93: {  	[tilespmem:s24+$0xFFFFFF30] =	vst v0  }
0x94: {  	[tilespmem:s24+$0xFFFFFEB0] =	vst v0  }
0x95: {  	[tilespmem:s24+$0xFFFFFE30] =	vst v0  }
0x96: {  	[tilespmem:s25+$0xFFFFFFF0] =	vst v0  }
0x97: {  	[tilespmem:s24+$0x120] =	vst v0  }
0x98: {  	[tilespmem:s24+$0xA0] =	vst v0  }
0x99: {  	[tilespmem:s24+$0x20] =	vst v0  }
0x9a: {  	[tilespmem:s24+$0xFFFFFFA0] =	vst v0  }
0x9b: {  	[tilespmem:s24+$0xFFFFFF20] =	vst v0  }
0x9c: {  	[tilespmem:s24+$0xFFFFFEA0] =	vst v0  }
0x9d: {  	[tilespmem:s24+$0xFFFFFE20] =	vst v0  }
0x9e: {  	[tilespmem:s25+$0xFFFFFFE0] =	vst v0  }
0x9f: {  	[tilespmem:s24+$0x110] =	vst v0  }
0xa0: {  	[tilespmem:s24+$0x90] =	vst v0  }
0xa1: {  	[tilespmem:s24+$0x10] =	vst v0  }
0xa2: {  	[tilespmem:s24+$0xFFFFFF90] =	vst v0  }
0xa3: {  	[tilespmem:s24+$0xFFFFFF10] =	vst v0  }
0xa4: {  	[tilespmem:s24+$0xFFFFFE90] =	vst v0  }
0xa5: {  	[tilespmem:s24+$0xFFFFFE10] =	vst v0  }
0xa6: {  	[tilespmem:s25+$0xFFFFFFD0] =	vst v0  }
0xa7: {  	[tilespmem:s24+$0x100] =	vst v0  }
.Ltmp0:
0xa8: {  	[tilespmem:s24+$0x80] =	vst v0;
	(pc) =	sbr.rel @p1 .LBB2_2-.Ltmp0, $4  }
0xa9: {  	[tilespmem:s24+$0x0] =	vst v0  }
0xaa: {  	[tilespmem:s24+$0xFFFFFF80] =	vst v0  }
0xab: {  	[tilespmem:s24+$0xFFFFFF00] =	vst v0  }
0xac: {  	[tilespmem:s24+$0xFFFFFE80] =	vst v0  }
0xad: {  	[tilespmem:s25+$0xFFFFFFC0] =	vst v0  }
0xae: {  	_ =	swait.ge [sflag:s19], $0x4000  }
0xaf: {  	[sflag:s19] =	ssyncset.done $0x0  }
0xb0: {  	[sflag:s19] =	ssyncadd.s32 $0xFFFFC000  }
0xb1: {  	_ =	swait.ge [sflag:s19], $0x4000  }
0xb2: {  	[sflag:s19] =	ssyncset.done $0x0  }
0xb3: {  	[sflag:s19] =	ssyncadd.s32 $0xFFFFC000  }
0xb4: {  	_ =	swait.ge [sflag:s19], $0x800  }
0xb5: {  	[sflag:s19] =	ssyncset.done $0x0  }
0xb6: {  	[sflag:s19] =	ssyncadd.s32 $0xFFFFF800  }
0xb7: {  	_ =	swait.ge [sflag:s19], $0x800  }
0xb8: {  	[sflag:s19] =	ssyncset.done $0x0  }
0xb9: {  	[sflag:s19] =	ssyncadd.s32 $0xFFFFF800  }
0xba: {  	_ =	swait.ge [sflag:s19], $0x2000  }
0xbb: {  	[sflag:s19] =	ssyncset.done $0x0  }
0xbc: {  	[sflag:s19] =	ssyncadd.s32 $0xFFFFE000  }
0xbd: {  	_ =	swait.ge [sflag:s19], $0x2000  }
0xbe: {  	[sflag:s19] =	ssyncset.done $0x0  }
0xbf: {  	s24 =	simm.s32 $0x0;
	[sflag:s19] =	ssyncadd.s32 $0xFFFFE000  }
0xc0: {  	v1 =	vld [tilespmem:s24+$0xD800]  }
0xc1: {  	v2 =	vld [tilespmem:s24+$0xF800];
	_ =	sdelay $0x6  }
0xc2: {  	v3 =	vld.idx.msk [tilespmem:v1+s15+$0x0], $0xffff  }
0xc3: {  	v4 =	vld.idx.msk [tilespmem:v2+s16+$0x0], $0xffff;
	_ =	sdelay $0x4  }
0xc4: {  	v3 =	vadd.f32 v4, v3;
	_ =	sdelay $0x1  }
0xc5: {  	v3 =	vmul.f32 $1.442695020e+00, v3  }
0xc6: {  	s26 =	simm.s32 $0x10  }
0xc7: {  	v5 =	vld [tilespmem:s26+$0xF800];
	(erf) = vpow2.f32 v3  }
0xc8: {  	v3 =	vld [tilespmem:s26+$0xD800];
	_ =	sdelay $0x2  }
0xc9: {  	v4 =	vshll.u32 v1, $0x3  }
0xca: {  	v6 =	vshll.u32 v2, $0x3;
	v1 =	vand.u32 $0x7F, v1;
	v4 =	vand.u32 $0xFFFFFC00, v4  }
0xcb: {  	v7 =	vand.u32 $0x7F, v2;
	v6 =	vand.u32 $0xFFFFFC00, v6;
	v10 =	vor.u32 v1, v4  }
0xcc: {  	v8 =	vor.u32 v7, v6  }
0xcd: {  	v4 =	vld.idx.msk [tilespmem:v5+s16+$0x0], $0xffff  }
0xce: {  	v1 =	vld.idx.msk [tilespmem:v3+s15+$0x0], $0xffff;
	v16 =	vpop (erf)  }
0xcf: {  	[tilespmem:v2+s20+$0x0] =	vst.idx.add.f32.msk $0xffff, v16  }
0xd0: {  	v2 =	vld.idx.msk [tilespmem:v10+s2+$0x0], $0xffff  }
0xd1: {  	v6 =	vld.idx.msk [tilespmem:v8+s12+$0x0], $0xffff;
	_ =	sdelay $0x1  }
0xd2: {  	v1 =	vadd.f32 v4, v1;
	_ =	sdelay $0x1  }
0xd3: {  	v1 =	vmul.f32 $1.442695020e+00, v1  }
0xd4: {  	v2 =	vadd.f32 v6, v2  }
0xd5: {  	v4 =	vor.u32 $0x80, v10;
	(erf) = vpow2.f32 v1  }
0xd6: {  	v1 =	vmax.f32 v2, $0.0e+00;
	v2 =	vor.u32 $0x80, v8  }
0xd7: {  	v1 =	vmul.f32 v1, v16;
	_ =	sdelay $0x1  }
0xd8: {  	v6 =	vshll.u32 v3, $0x3;
	[tilespmem:v8+s21+$0x0] =	vst.idx.add.f32.msk $0xffff, v1  }
0xd9: {  	v3 =	vand.u32 $0x7F, v3;
	v1 =	vshll.u32 v5, $0x3;
	v7 =	vld.idx.msk [tilespmem:v4+s2+$0x0], $0xffff;
	v4 =	vand.u32 $0xFFFFFC00, v6  }
0xda: {  	s28 =	simm.s32 $0x20;
	v9 =	vand.u32 $0x7F, v5;
	v1 =	vand.u32 $0xFFFFFC00, v1;
	v6 =	vld.idx.msk [tilespmem:v2+s12+$0x0], $0xffff;
	v13 =	vor.u32 v3, v4  }
0xdb: {  	v4 =	vor.u32 v9, v1;
	v3 =	vld [tilespmem:s28+$0xD800]  }
0xdc: {  	v9 =	vld [tilespmem:s28+$0xF800]  }
0xdd: {  	v1 =	vpop (erf)  }
0xde: {  	[tilespmem:v5+s20+$0x0] =	vst.idx.add.f32.msk $0xffff, v1  }
0xdf: {  	v5 =	vld.idx.msk [tilespmem:v13+s2+$0x0], $0xffff  }
0xe0: {  	v6 =	vadd.f32 v6, v7;
	v7 =	vld.idx.msk [tilespmem:v4+s12+$0x0], $0xffff  }
0xe1: {  	v11 =	vor.u32 $0x100, v10  }
0xe2: {  	v12 =	vor.u32 $0x100, v8;
	v6 =	vmax.f32 v6, $0.0e+00  }
0xe3: {  	v6 =	vmul.f32 v6, v16;
	v14 =	vld.idx.msk [tilespmem:v3+s15+$0x0], $0xffff  }
0xe4: {  	v15 =	vld.idx.msk [tilespmem:v9+s16+$0x0], $0xffff  }
0xe5: {  	[tilespmem:v2+s21+$0x0] =	vst.idx.add.f32.msk $0xffff, v6;
	v2 =	vadd.f32 v7, v5  }
0xe6: {  	v6 =	vor.u32 $0x80, v13;
	v5 =	vld.idx.msk [tilespmem:v11+s2+$0x0], $0xffff  }
0xe7: {  	v7 =	vld.idx.msk [tilespmem:v12+s12+$0x0], $0xffff;
	v11 =	vor.u32 $0x80, v4;
	v2 =	vmax.f32 v2, $0.0e+00  }
0xe8: {  	v2 =	vmul.f32 v2, v1  }
0xe9: {  	v14 =	vadd.f32 v15, v14  }
0xea: {  	[tilespmem:v4+s21+$0x0] =	vst.idx.add.f32.msk $0xffff, v2  }
0xeb: {  	v2 =	vld.idx.msk [tilespmem:v6+s2+$0x0], $0xffff;
	v6 =	vmul.f32 $1.442695020e+00, v14  }
0xec: {  	v5 =	vadd.f32 v7, v5;
	v7 =	vld.idx.msk [tilespmem:v11+s12+$0x0], $0xffff  }
0xed: {  	(erf) = vpow2.f32 v6  }
0xee: {  	v14 =	vor.u32 $0x180, v10;
	v5 =	vmax.f32 v5, $0.0e+00  }
0xef: {  	v15 =	vor.u32 $0x180, v8;
	v5 =	vmul.f32 v5, v16;
	_ =	sdelay $0x1  }
0xf0: {  	s29 =	simm.s32 $0x30;
	v17 =	vshll.u32 v3, $0x3;
	v6 =	vshll.u32 v9, $0x3;
	[tilespmem:v12+s21+$0x0] =	vst.idx.add.f32.msk $0xffff, v5;
	v2 =	vadd.f32 v7, v2  }
0xf1: {  	v3 =	vand.u32 $0x7F, v3;
	v5 =	vand.u32 $0xFFFFFC00, v6;
	v6 =	vand.u32 $0xFFFFFC00, v17;
	v17 =	vld [tilespmem:s29+$0xF800]  }
0xf2: {  	v7 =	vld.idx.msk [tilespmem:v14+s2+$0x0], $0xffff;
	v14 =	vand.u32 $0x7F, v9;
	v6 =	vor.u32 v3, v6;
	v2 =	vmax.f32 v2, $0.0e+00  }
0xf3: {  	v12 =	vld.idx.msk [tilespmem:v15+s12+$0x0], $0xffff;
	v3 =	vor.u32 v14, v5;
	v5 =	vmul.f32 v2, v1  }
0xf4: {  	v18 =	vor.u32 $0x100, v13;
	v14 =	vld [tilespmem:s29+$0xD800]  }
0xf5: {  	[tilespmem:v11+s21+$0x0] =	vst.idx.add.f32.msk $0xffff, v5;
	v2 =	vpop (erf)  }
0xf6: {  	v5 =	vor.u32 $0x100, v4;
	[tilespmem:v9+s20+$0x0] =	vst.idx.add.f32.msk $0xffff, v2  }
0xf7: {  	v9 =	vld.idx.msk [tilespmem:v6+s2+$0x0], $0xffff  }
0xf8: {  	v7 =	vadd.f32 v12, v7;
	v11 =	vld.idx.msk [tilespmem:v3+s12+$0x0], $0xffff  }
0xf9: {  	v12 =	vor.u32 $0x200, v10;
	v18 =	vld.idx.msk [tilespmem:v18+s2+$0x0], $0xffff  }
0xfa: {  	v19 =	vor.u32 $0x200, v8;
	v7 =	vmax.f32 v7, $0.0e+00;
	v22 =	vld.idx.msk [tilespmem:v17+s16+$0x0], $0xffff  }
0xfb: {  	v7 =	vmul.f32 v7, v16;
	v20 =	vld.idx.msk [tilespmem:v5+s12+$0x0], $0xffff  }
0xfc: {  	v21 =	vld.idx.msk [tilespmem:v14+s15+$0x0], $0xffff  }
0xfd: {  	[tilespmem:v15+s21+$0x0] =	vst.idx.add.f32.msk $0xffff, v7;
	v7 =	vadd.f32 v11, v9  }
0xfe: {  	v9 =	vld.idx.msk [tilespmem:v12+s2+$0x0], $0xffff;
	v11 =	vor.u32 $0x80, v6  }
0xff: {  	v15 =	vor.u32 $0x80, v3;
	v12 =	vld.idx.msk [tilespmem:v19+s12+$0x0], $0xffff;
	v7 =	vmax.f32 v7, $0.0e+00  }
0x100: {  	v7 =	vmul.f32 v7, v2  }
0x101: {  	v18 =	vadd.f32 v20, v18;
	v20 =	vadd.f32 v22, v21  }
0x102: {  	v21 =	vor.u32 $0x180, v13;
	[tilespmem:v3+s21+$0x0] =	vst.idx.add.f32.msk $0xffff, v7  }
0x103: {  	v20 =	vmul.f32 $1.442695020e+00, v20;
	v7 =	vmax.f32 v18, $0.0e+00;
	v18 =	vor.u32 $0x180, v4;
	v11 =	vld.idx.msk [tilespmem:v11+s2+$0x0], $0xffff  }
0x104: {  	v9 =	vadd.f32 v12, v9;
	v7 =	vmul.f32 v7, v1;
	v12 =	vld.idx.msk [tilespmem:v15+s12+$0x0], $0xffff  }
0x105: {  	v22 =	vor.u32 $0x280, v10;
	(erf) = vpow2.f32 v20  }
0x106: {  	[tilespmem:v5+s21+$0x0] =	vst.idx.add.f32.msk $0xffff, v7;
	v5 =	vmax.f32 v9, $0.0e+00  }
0x107: {  	v21 =	vld.idx.msk [tilespmem:v21+s2+$0x0], $0xffff;
	v5 =	vmul.f32 v5, v16  }
0x108: {  	v20 =	vor.u32 $0x280, v8;
	v7 =	vshll.u32 v17, $0x3;
	v23 =	vld.idx.msk [tilespmem:v18+s12+$0x0], $0xffff  }
0x109: {  	v9 =	vshll.u32 v14, $0x3;
	v7 =	vand.u32 $0xFFFFFC00, v7;
	[tilespmem:v19+s21+$0x0] =	vst.idx.add.f32.msk $0xffff, v5;
	v5 =	vadd.f32 v12, v11  }
0x10a: {  	s30 =	simm.s32 $0x40;
	v9 =	vand.u32 $0xFFFFFC00, v9;
	v12 =	vand.u32 $0x7F, v14;
	v19 =	vand.u32 $0x7F, v17;
	v11 =	vld.idx.msk [tilespmem:v22+s2+$0x0], $0xffff  }
0x10b: {  	v7 =	vor.u32 v19, v7;
	v19 =	vld [tilespmem:s30+$0xD800];
	v22 =	vor.u32 $0x100, v6;
	v5 =	vmax.f32 v5, $0.0e+00  }
0x10c: {  	v24 =	vld [tilespmem:s30+$0xF800];
	v9 =	vor.u32 v12, v9;
	v12 =	vmul.f32 v5, v2  }
0x10d: {  	v14 =	vld.idx.msk [tilespmem:v20+s12+$0x0], $0xffff  }
0x10e: {  	v5 =	vpop (erf);
	[tilespmem:v15+s21+$0x0] =	vst.idx.add.f32.msk $0xffff, v12  }
0x10f: {  	v12 =	vor.u32 $0x100, v3;
	[tilespmem:v17+s20+$0x0] =	vst.idx.add.f32.msk $0xffff, v5  }
0x110: {  	v15 =	vadd.f32 v23, v21;
	v22 =	vld.idx.msk [tilespmem:v22+s2+$0x0], $0xffff  }
0x111: {  	v21 =	vor.u32 $0x200, v13;
	v17 =	vld.idx.msk [tilespmem:v9+s2+$0x0], $0xffff  }
0x112: {  	v23 =	vor.u32 $0x200, v4;
	v25 =	vld.idx.msk [tilespmem:v7+s12+$0x0], $0xffff;
	v15 =	vmax.f32 v15, $0.0e+00  }
0x113: {  	v11 =	vadd.f32 v14, v11;
	v15 =	vmul.f32 v15, v1;
	v27 =	vld.idx.msk [tilespmem:v19+s15+$0x0], $0xffff  }
0x114: {  	v26 =	vld.idx.msk [tilespmem:v12+s12+$0x0], $0xffff  }
0x115: {  	v11 =	vmax.f32 v11, $0.0e+00;
	[tilespmem:v18+s21+$0x0] =	vst.idx.add.f32.msk $0xffff, v15;
	v15 =	vor.u32 $0x300, v10  }
0x116: {  	v11 =	vmul.f32 v11, v16;
	v14 =	vld.idx.msk [tilespmem:v21+s2+$0x0], $0xffff;
	v21 =	vor.u32 $0x300, v8  }
0x117: {  	v18 =	vld.idx.msk [tilespmem:v23+s12+$0x0], $0xffff;
	v17 =	vadd.f32 v25, v17  }
0x118: {  	v28 =	vor.u32 $0x80, v9;
	[tilespmem:v20+s21+$0x0] =	vst.idx.add.f32.msk $0xffff, v11  }
0x119: {  	v29 =	vor.u32 $0x80, v7;
	v25 =	vld.idx.msk [tilespmem:v24+s16+$0x0], $0xffff;
	v17 =	vmax.f32 v17, $0.0e+00  }
0x11a: {  	v11 =	vadd.f32 v26, v22;
	v17 =	vmul.f32 v17, v5;
	v15 =	vld.idx.msk [tilespmem:v15+s2+$0x0], $0xffff  }
0x11b: {  	v20 =	vor.u32 $0x180, v6;
	v22 =	vld.idx.msk [tilespmem:v21+s12+$0x0], $0xffff  }
0x11c: {  	v11 =	vmax.f32 v11, $0.0e+00;
	[tilespmem:v7+s21+$0x0] =	vst.idx.add.f32.msk $0xffff, v17;
	v17 =	vor.u32 $0x180, v3  }
0x11d: {  	v14 =	vadd.f32 v18, v14;
	v11 =	vmul.f32 v11, v2;
	v18 =	vld.idx.msk [tilespmem:v28+s2+$0x0], $0xffff  }
0x11e: {  	v25 =	vadd.f32 v25, v27;
	v27 =	vor.u32 $0x280, v13;
	v26 =	vld.idx.msk [tilespmem:v29+s12+$0x0], $0xffff  }
0x11f: {  	[tilespmem:v12+s21+$0x0] =	vst.idx.add.f32.msk $0xffff, v11;
	v11 =	vmax.f32 v14, $0.0e+00;
	v14 =	vor.u32 $0x280, v4  }
0x120: {  	v12 =	vmul.f32 $1.442695020e+00, v25;
	v20 =	vld.idx.msk [tilespmem:v20+s2+$0x0], $0xffff;
	v11 =	vmul.f32 v11, v1;
	v15 =	vadd.f32 v22, v15  }
0x121: {  	v25 =	vld.idx.msk [tilespmem:v17+s12+$0x0], $0xffff  }
0x122: {  	v10 =	vor.u32 $0x380, v10;
	(erf) = vpow2.f32 v12;
	[tilespmem:v23+s21+$0x0] =	vst.idx.add.f32.msk $0xffff, v11;
	v11 =	vmax.f32 v15, $0.0e+00  }
0x123: {  	v8 =	vor.u32 $0x380, v8;
	v15 =	vld.idx.msk [tilespmem:v27+s2+$0x0], $0xffff;
	v11 =	vmul.f32 v11, v16  }
0x124: {  	v22 =	vshll.u32 v19, $0x3;
	v23 =	vld.idx.msk [tilespmem:v14+s12+$0x0], $0xffff  }
0x125: {  	s31 =	simm.s32 $0x50;
	v12 =	vshll.u32 v24, $0x3;
	v18 =	vadd.f32 v26, v18;
	v26 =	vor.u32 $0x100, v9;
	[tilespmem:v21+s21+$0x0] =	vst.idx.add.f32.msk $0xffff, v11  }
0x126: {  	v11 =	vand.u32 $0xFFFFFC00, v12;
	v12 =	vand.u32 $0x7F, v19;
	v19 =	vand.u32 $0xFFFFFC00, v22;
	v22 =	vld [tilespmem:s31+$0xD800]  }
0x127: {  	v18 =	vmax.f32 v18, $0.0e+00;
	v27 =	vld.idx.msk [tilespmem:v10+s2+$0x0], $0xffff  }
0x128: {  	v18 =	vmul.f32 v18, v5;
	v10 =	vand.u32 $0x7F, v24;
	v12 =	vor.u32 v12, v19;
	v28 =	vld.idx.msk [tilespmem:v8+s12+$0x0], $0xffff  }
0x129: {  	v19 =	vld [tilespmem:s31+$0xF800];
	v11 =	vor.u32 v10, v11  }
0x12a: {  	v20 =	vadd.f32 v25, v20;
	[tilespmem:v29+s21+$0x0] =	vst.idx.add.f32.msk $0xffff, v18  }
0x12b: {  	v18 =	vor.u32 $0x100, v7;
	v30 =	vld.idx.msk [tilespmem:v26+s2+$0x0], $0xffff;
	v10 =	vpop (erf)  }
0x12c: {  	v25 =	vor.u32 $0x200, v6;
	v20 =	vmax.f32 v20, $0.0e+00;
	[tilespmem:v24+s20+$0x0] =	vst.idx.add.f32.msk $0xffff, v10  }
0x12d: {  	v21 =	vor.u32 $0x200, v3;
	v20 =	vmul.f32 v20, v2;
	v24 =	vld.idx.msk [tilespmem:v12+s2+$0x0], $0xffff  }
0x12e: {  	v29 =	vld.idx.msk [tilespmem:v11+s12+$0x0], $0xffff  }
0x12f: {  	v15 =	vadd.f32 v23, v15;
	[tilespmem:v17+s21+$0x0] =	vst.idx.add.f32.msk $0xffff, v20  }
0x130: {  	v31 =	vld.idx.msk [tilespmem:v18+s12+$0x0], $0xffff  }
0x131: {  	v23 =	vor.u32 $0x300, v13;
	v15 =	vmax.f32 v15, $0.0e+00;
	v33 =	vld.idx.msk [tilespmem:v25+s2+$0x0], $0xffff  }
0x132: {  	v20 =	vor.u32 $0x300, v4;
	v34 =	vld.idx.msk [tilespmem:v21+s12+$0x0], $0xffff;
	v15 =	vmul.f32 v15, v1  }
0x133: {  	v35 =	vld.idx.msk [tilespmem:v22+s15+$0x0], $0xffff;
	v17 =	vadd.f32 v29, v24  }
0x134: {  	[tilespmem:v14+s21+$0x0] =	vst.idx.add.f32.msk $0xffff, v15;
	v24 =	vor.u32 $0x80, v12  }
0x135: {  	v26 =	vor.u32 $0x80, v11;
	v27 =	vadd.f32 v28, v27;
	v29 =	vld.idx.msk [tilespmem:v19+s16+$0x0], $0xffff;
	v25 =	vmax.f32 v17, $0.0e+00  }
0x136: {  	v36 =	vld.idx.msk [tilespmem:v23+s2+$0x0], $0xffff;
	v17 =	vor.u32 $0x380, v13;
	v13 =	vadd.f32 v31, v30;
	v25 =	vmul.f32 v25, v10  }
0x137: {  	v27 =	vmax.f32 v27, $0.0e+00;
	v37 =	vld.idx.msk [tilespmem:v20+s12+$0x0], $0xffff;
	v30 =	vor.u32 $0x180, v9  }
0x138: {  	v16 =	vmul.f32 v27, v16;
	v23 =	vor.u32 $0x180, v7;
	v28 =	vmax.f32 v13, $0.0e+00;
	[tilespmem:v11+s21+$0x0] =	vst.idx.add.f32.msk $0xffff, v25  }
0x139: {  	v34 =	vadd.f32 v34, v33;
	v31 =	vshll.u32 v19, $0x3;
	v28 =	vmul.f32 v28, v5;
	v32 =	vld.idx.msk [tilespmem:v24+s2+$0x0], $0xffff  }
0x13a: {  	v27 =	vor.u32 $0x280, v6;
	v33 =	vld.idx.msk [tilespmem:v26+s12+$0x0], $0xffff;
	v24 =	vand.u32 $0xFFFFFC00, v31;
	v31 =	vadd.f32 v29, v35  }
0x13b: {  	v15 =	vor.u32 $0x380, v6;
	[tilespmem:v18+s21+$0x0] =	vst.idx.add.f32.msk $0xffff, v28;
	v28 =	vmax.f32 v34, $0.0e+00;
	v18 =	vor.u32 $0x280, v3  }
0x13c: {  	v14 =	vor.u32 $0x380, v9;
	v29 =	vld.idx.msk [tilespmem:v30+s2+$0x0], $0xffff;
	v34 =	vmul.f32 $1.442695020e+00, v31;
	v31 =	vmul.f32 v28, v2  }
0x13d: {  	s24 =	simm.s32 $0x180;
	v13 =	vor.u32 $0x380, v12;
	v25 =	vshll.u32 v22, $0x3;
	v30 =	vld.idx.msk [tilespmem:v23+s12+$0x0], $0xffff;
	v28 =	vadd.f32 v37, v36  }
.LBB2_4:
0x13e: {  	s25 =	sshra.s32 s24, $0x2;
	p1 =	sne.s32 s24, $0x7FC0;
	s24 =	sadd.s32 $0x40, s24;
	(erf) = vpow2.f32 v34;
	[tilespmem:v21+s21+$0x0] =	vst.idx.add.f32.msk $0xffff, v31  }
0x13f: {  	v21 =	vld.idx.msk [tilespmem:v27+s2+$0x0], $0xffff;
	v27 =	vmax.f32 v28, $0.0e+00;
	v28 =	vor.u32 $0x380, v4;
	v4 =	vmovc v3;
	v3 =	vmovc v7;
	v7 =	vmov v11  }
0x140: {  	v11 =	vadd.f32 v33, v32;
	v31 =	vld.idx.msk [tilespmem:v18+s12+$0x0], $0xffff;
	v27 =	vmul.f32 v27, v1  }
0x141: {  	[tilespmem:v8+s21+$0x0] =	vst.idx.add.f32.msk $0xffff, v16;
	v8 =	vmov v28  }
0x142: {  	[tilespmem:v20+s21+$0x0] =	vst.idx.add.f32.msk $0xffff, v27  }
0x143: {  	v16 =	vand.u32 $0x7F, v22;
	v20 =	vand.u32 $0xFFFFFC00, v25;
	v25 =	vadd.f32 v30, v29;
	v27 =	vld.idx.msk [tilespmem:v17+s2+$0x0], $0xffff;
	v17 =	vmovc v15;
	v15 =	vmovc v14  }
0x144: {  	v22 =	vand.u32 $0x7F, v19;
	v20 =	vor.u32 v16, v20;
	v16 =	vmax.f32 v11, $0.0e+00;
	v14 =	vmovc v13;
	v28 =	vld.idx.msk [tilespmem:v28+s12+$0x0], $0xffff  }
0x145: {  	v11 =	vor.u32 v22, v24;
	v13 =	vor.u32 $0x380, v20;
	v16 =	vmul.f32 v16, v10;
	v29 =	vld [tilespmem:s25+$0xF800]  }
0x146: {  	v30 =	vor.u32 $0x100, v12;
	v21 =	vadd.f32 v31, v21;
	v22 =	vld [tilespmem:s25+$0xD800]  }
0x147: {  	v34 =	vor.u32 $0x100, v7;
	v31 =	vpop (erf);
	[tilespmem:v26+s21+$0x0] =	vst.idx.add.f32.msk $0xffff, v16  }
0x148: {  	v16 =	vmax.f32 v21, $0.0e+00;
	[tilespmem:v19+s20+$0x0] =	vst.idx.add.f32.msk $0xffff, v31  }
0x149: {  	v32 =	vor.u32 $0x200, v9;
	v21 =	vor.u32 $0x200, v3;
	v33 =	vmul.f32 v16, v2;
	v26 =	vld.idx.msk [tilespmem:v20+s2+$0x0], $0xffff  }
0x14a: {  	v36 =	vmax.f32 v25, $0.0e+00;
	v27 =	vadd.f32 v28, v27;
	v16 =	vshll.u32 v29, $0x3;
	v35 =	vld.idx.msk [tilespmem:v11+s12+$0x0], $0xffff;
	v19 =	vmovc v29  }
0x14b: {  	v25 =	vshll.u32 v22, $0x3;
	v24 =	vand.u32 $0xFFFFFC00, v16;
	v28 =	vld.idx.msk [tilespmem:v30+s2+$0x0], $0xffff;
	v16 =	vmul.f32 v36, v5  }
0x14c: {  	v27 =	vmax.f32 v27, $0.0e+00;
	v29 =	vld.idx.msk [tilespmem:v34+s12+$0x0], $0xffff  }
0x14d: {  	[tilespmem:v23+s21+$0x0] =	vst.idx.add.f32.msk $0xffff, v16;
	v16 =	vmul.f32 v27, v1;
	v1 =	vmovc v2;
	v2 =	vmov v5;
	v5 =	vmov v10  }
0x14e: {  	v23 =	vor.u32 $0x300, v6;
	v6 =	vmovc v9;
	v9 =	vmovc v12;
	v12 =	vmov v20;
	v10 =	vmov v31;
	v27 =	vld.idx.msk [tilespmem:v32+s2+$0x0], $0xffff  }
0x14f: {  	v20 =	vor.u32 $0x300, v4;
	v30 =	vld.idx.msk [tilespmem:v21+s12+$0x0], $0xffff  }
0x150: {  	v26 =	vadd.f32 v35, v26;
	v31 =	vld.idx.msk [tilespmem:v22+s15+$0x0], $0xffff  }
0x151: {  	v32 =	vor.u32 $0x80, v12;
	v35 =	vld.idx.msk [tilespmem:v19+s16+$0x0], $0xffff  }
0x152: {  	v36 =	vmax.f32 v26, $0.0e+00;
	v26 =	vor.u32 $0x80, v11;
	v28 =	vadd.f32 v29, v28;
	[tilespmem:v18+s21+$0x0] =	vst.idx.add.f32.msk $0xffff, v33  }
0x153: {  	v18 =	vmul.f32 v36, v10;
	v36 =	vld.idx.msk [tilespmem:v23+s2+$0x0], $0xffff  }
0x154: {  	v23 =	vmax.f32 v28, $0.0e+00;
	v28 =	vor.u32 $0x180, v9;
	v37 =	vld.idx.msk [tilespmem:v20+s12+$0x0], $0xffff  }
0x155: {  	v29 =	vadd.f32 v30, v27;
	[tilespmem:v11+s21+$0x0] =	vst.idx.add.f32.msk $0xffff, v18;
	v18 =	vmul.f32 v23, v5;
	v23 =	vor.u32 $0x180, v7  }
.Ltmp1:
0x156: {  	v32 =	vld.idx.msk [tilespmem:v32+s2+$0x0], $0xffff;
	(pc) =	sbr.rel @p1 .LBB2_4-.Ltmp1, $4  }
0x157: {  	v27 =	vor.u32 $0x280, v6;
	v30 =	vadd.f32 v35, v31;
	v33 =	vld.idx.msk [tilespmem:v26+s12+$0x0], $0xffff  }
0x158: {  	v31 =	vmax.f32 v29, $0.0e+00;
	[tilespmem:v34+s21+$0x0] =	vst.idx.add.f32.msk $0xffff, v18;
	v18 =	vor.u32 $0x280, v3  }
0x159: {  	v31 =	vmul.f32 v31, v2;
	v34 =	vmul.f32 $1.442695020e+00, v30;
	v29 =	vld.idx.msk [tilespmem:v28+s2+$0x0], $0xffff  }
0x15a: {  	v28 =	vadd.f32 v37, v36;
	v30 =	vld.idx.msk [tilespmem:v23+s12+$0x0], $0xffff  }
0x15b: {  	(erf) = vpow2.f32 v34;
	_ =	sdelay $0x4  }
0x15c: {  	v22 =	vand.u32 $0x7F, v22;
	v25 =	vand.u32 $0xFFFFFC00, v25  }
0x15d: {  	v48 =	vand.u32 $0x7F, v19;
	v25 =	vor.u32 v22, v25  }
0x15e: {  	v24 =	vor.u32 v48, v24;
	_ =	sdelay $0x1  }
0x15f: {  	v22 =	vpop (erf)  }
0x160: {  	[tilespmem:v19+s20+$0x0] =	vst.idx.add.f32.msk $0xffff, v22  }
0x161: {  	v19 =	vld.idx.msk [tilespmem:v25+s2+$0x0], $0xffff  }
0x162: {  	v34 =	vld.idx.msk [tilespmem:v24+s12+$0x0], $0xffff;
	_ =	sdelay $0x4  }
0x163: {  	v19 =	vadd.f32 v34, v19  }
0x164: {  	v49 =	vor.u32 $0x80, v25  }
0x165: {  	v35 =	vor.u32 $0x80, v24;
	v19 =	vmax.f32 v19, $0.0e+00  }
0x166: {  	v19 =	vmul.f32 v19, v22;
	_ =	sdelay $0x1  }
0x167: {  	[tilespmem:v24+s21+$0x0] =	vst.idx.add.f32.msk $0xffff, v19  }
0x168: {  	v19 =	vld.idx.msk [tilespmem:v49+s2+$0x0], $0xffff  }
0x169: {  	v50 =	vld.idx.msk [tilespmem:v35+s12+$0x0], $0xffff;
	_ =	sdelay $0x1  }
0x16a: {  	v32 =	vadd.f32 v33, v32  }
0x16b: {  	v51 =	vor.u32 $0x100, v12  }
0x16c: {  	v36 =	vor.u32 $0x100, v11;
	v32 =	vmax.f32 v32, $0.0e+00  }
0x16d: {  	v32 =	vmul.f32 v32, v10;
	v19 =	vadd.f32 v50, v19  }
0x16e: {  	v52 =	vor.u32 $0x100, v25  }
0x16f: {  	v53 =	vor.u32 $0x100, v24;
	[tilespmem:v26+s21+$0x0] =	vst.idx.add.f32.msk $0xffff, v32;
	v19 =	vmax.f32 v19, $0.0e+00  }
0x170: {  	v32 =	vld.idx.msk [tilespmem:v51+s2+$0x0], $0xffff;
	v19 =	vmul.f32 v19, v22  }
0x171: {  	v54 =	vld.idx.msk [tilespmem:v36+s12+$0x0], $0xffff  }
0x172: {  	[tilespmem:v35+s21+$0x0] =	vst.idx.add.f32.msk $0xffff, v19  }
0x173: {  	v19 =	vld.idx.msk [tilespmem:v52+s2+$0x0], $0xffff  }
0x174: {  	v55 =	vld.idx.msk [tilespmem:v53+s12+$0x0], $0xffff;
	_ =	sdelay $0x1  }
0x175: {  	v32 =	vadd.f32 v54, v32  }
0x176: {  	v56 =	vor.u32 $0x180, v12  }
0x177: {  	v57 =	vor.u32 $0x180, v11;
	v32 =	vmax.f32 v32, $0.0e+00  }
0x178: {  	v32 =	vmul.f32 v32, v10;
	v19 =	vadd.f32 v55, v19  }
0x179: {  	v58 =	vor.u32 $0x180, v25  }
0x17a: {  	v59 =	vor.u32 $0x180, v24;
	[tilespmem:v36+s21+$0x0] =	vst.idx.add.f32.msk $0xffff, v32;
	v19 =	vmax.f32 v19, $0.0e+00  }
0x17b: {  	v33 =	vld.idx.msk [tilespmem:v56+s2+$0x0], $0xffff;
	v19 =	vmul.f32 v19, v22  }
0x17c: {  	v36 =	vld.idx.msk [tilespmem:v57+s12+$0x0], $0xffff  }
0x17d: {  	[tilespmem:v53+s21+$0x0] =	vst.idx.add.f32.msk $0xffff, v19  }
0x17e: {  	v60 =	vadd.f32 v30, v29;
	v26 =	vld.idx.msk [tilespmem:v58+s2+$0x0], $0xffff  }
0x17f: {  	v61 =	vor.u32 $0x200, v9;
	v62 =	vld.idx.msk [tilespmem:v59+s12+$0x0], $0xffff  }
0x180: {  	v63 =	vor.u32 $0x200, v7;
	[tilespmem:v21+s21+$0x0] =	vst.idx.add.f32.msk $0xffff, v31;
	v19 =	vmax.f32 v60, $0.0e+00  }
0x181: {  	v27 =	vld.idx.msk [tilespmem:v27+s2+$0x0], $0xffff;
	v37 =	vadd.f32 v36, v33;
	v19 =	vmul.f32 v19, v5  }
0x182: {  	v38 =	vor.u32 $0x200, v12;
	v46 =	vld.idx.msk [tilespmem:v18+s12+$0x0], $0xffff  }
0x183: {  	v39 =	vor.u32 $0x200, v11;
	v21 =	vmax.f32 v37, $0.0e+00;
	[tilespmem:v23+s21+$0x0] =	vst.idx.add.f32.msk $0xffff, v19  }
0x184: {  	v21 =	vmul.f32 v21, v10;
	v23 =	vld.idx.msk [tilespmem:v61+s2+$0x0], $0xffff;
	v26 =	vadd.f32 v62, v26  }
0x185: {  	v41 =	vor.u32 $0x200, v25;
	v40 =	vld.idx.msk [tilespmem:v63+s12+$0x0], $0xffff  }
0x186: {  	v43 =	vor.u32 $0x200, v24;
	[tilespmem:v57+s21+$0x0] =	vst.idx.add.f32.msk $0xffff, v21;
	v26 =	vmax.f32 v26, $0.0e+00  }
0x187: {  	v42 =	vld.idx.msk [tilespmem:v38+s2+$0x0], $0xffff;
	v26 =	vmul.f32 v26, v22  }
0x188: {  	v44 =	vld.idx.msk [tilespmem:v39+s12+$0x0], $0xffff  }
0x189: {  	v4 =	vor.u32 $0x380, v4;
	v45 =	vmax.f32 v28, $0.0e+00;
	[tilespmem:v59+s21+$0x0] =	vst.idx.add.f32.msk $0xffff, v26  }
0x18a: {  	v23 =	vadd.f32 v40, v23;
	v26 =	vmul.f32 v45, v1;
	v21 =	vld.idx.msk [tilespmem:v41+s2+$0x0], $0xffff  }
0x18b: {  	v47 =	vor.u32 $0x280, v9;
	v32 =	vld.idx.msk [tilespmem:v43+s12+$0x0], $0xffff  }
0x18c: {  	v49 =	vor.u32 $0x280, v7;
	v48 =	vmax.f32 v23, $0.0e+00;
	[tilespmem:v20+s21+$0x0] =	vst.idx.add.f32.msk $0xffff, v26  }
0x18d: {  	v50 =	vadd.f32 v44, v42;
	v20 =	vmul.f32 v48, v5;
	v17 =	vld.idx.msk [tilespmem:v17+s2+$0x0], $0xffff  }
0x18e: {  	v51 =	vor.u32 $0x280, v12;
	v30 =	vld.idx.msk [tilespmem:v4+s12+$0x0], $0xffff  }
0x18f: {  	v52 =	vmax.f32 v50, $0.0e+00;
	v53 =	vor.u32 $0x280, v11;
	[tilespmem:v63+s21+$0x0] =	vst.idx.add.f32.msk $0xffff, v20  }
0x190: {  	v20 =	vmul.f32 v52, v10;
	v29 =	vld.idx.msk [tilespmem:v47+s2+$0x0], $0xffff;
	v21 =	vadd.f32 v32, v21  }
0x191: {  	v55 =	vor.u32 $0x280, v25;
	v54 =	vld.idx.msk [tilespmem:v49+s12+$0x0], $0xffff  }
0x192: {  	v57 =	vor.u32 $0x280, v24;
	[tilespmem:v39+s21+$0x0] =	vst.idx.add.f32.msk $0xffff, v20;
	v56 =	vmax.f32 v21, $0.0e+00  }
0x193: {  	v58 =	vadd.f32 v46, v27;
	v59 =	vld.idx.msk [tilespmem:v51+s2+$0x0], $0xffff;
	v19 =	vmul.f32 v56, v22  }
0x194: {  	v6 =	vor.u32 $0x300, v6;
	v60 =	vld.idx.msk [tilespmem:v53+s12+$0x0], $0xffff  }
0x195: {  	v61 =	vor.u32 $0x300, v3;
	v21 =	vmax.f32 v58, $0.0e+00;
	[tilespmem:v43+s21+$0x0] =	vst.idx.add.f32.msk $0xffff, v19  }
0x196: {  	v62 =	vmul.f32 v21, v2;
	v63 =	vadd.f32 v54, v29;
	v34 =	vld.idx.msk [tilespmem:v55+s2+$0x0], $0xffff  }
0x197: {  	v35 =	vor.u32 $0x300, v9;
	v31 =	vld.idx.msk [tilespmem:v57+s12+$0x0], $0xffff  }
0x198: {  	v37 =	vor.u32 $0x300, v7;
	[tilespmem:v18+s21+$0x0] =	vst.idx.add.f32.msk $0xffff, v62;
	v36 =	vmax.f32 v63, $0.0e+00  }
0x199: {  	v6 =	vld.idx.msk [tilespmem:v6+s2+$0x0], $0xffff;
	v38 =	vadd.f32 v60, v59;
	v18 =	vmul.f32 v36, v5  }
0x19a: {  	v40 =	vor.u32 $0x300, v12;
	v39 =	vld.idx.msk [tilespmem:v61+s12+$0x0], $0xffff  }
0x19b: {  	v42 =	vor.u32 $0x300, v11;
	v41 =	vmax.f32 v38, $0.0e+00;
	[tilespmem:v49+s21+$0x0] =	vst.idx.add.f32.msk $0xffff, v18  }
0x19c: {  	v18 =	vmul.f32 v41, v10;
	v9 =	vld.idx.msk [tilespmem:v35+s2+$0x0], $0xffff;
	v43 =	vadd.f32 v31, v34  }
0x19d: {  	v45 =	vor.u32 $0x300, v25;
	v44 =	vld.idx.msk [tilespmem:v37+s12+$0x0], $0xffff  }
0x19e: {  	v47 =	vor.u32 $0x300, v24;
	[tilespmem:v53+s21+$0x0] =	vst.idx.add.f32.msk $0xffff, v18;
	v46 =	vmax.f32 v43, $0.0e+00  }
0x19f: {  	v6 =	vadd.f32 v39, v6;
	v12 =	vld.idx.msk [tilespmem:v40+s2+$0x0], $0xffff;
	v18 =	vmul.f32 v46, v22  }
0x1a0: {  	v26 =	vld.idx.msk [tilespmem:v42+s12+$0x0], $0xffff  }
0x1a1: {  	v3 =	vor.u32 $0x380, v3;
	v6 =	vmax.f32 v6, $0.0e+00;
	[tilespmem:v57+s21+$0x0] =	vst.idx.add.f32.msk $0xffff, v18  }
0x1a2: {  	v6 =	vmul.f32 v6, v2;
	v9 =	vadd.f32 v44, v9;
	v18 =	vld.idx.msk [tilespmem:v45+s2+$0x0], $0xffff  }
0x1a3: {  	v20 =	vld.idx.msk [tilespmem:v47+s12+$0x0], $0xffff  }
0x1a4: {  	v49 =	vor.u32 $0x380, v7;
	[tilespmem:v61+s21+$0x0] =	vst.idx.add.f32.msk $0xffff, v6;
	v48 =	vmax.f32 v9, $0.0e+00  }
0x1a5: {  	v50 =	vld.idx.msk [tilespmem:v15+s2+$0x0], $0xffff;
	v12 =	vadd.f32 v26, v12;
	v6 =	vmul.f32 v48, v5  }
0x1a6: {  	v51 =	vld.idx.msk [tilespmem:v3+s12+$0x0], $0xffff  }
0x1a7: {  	v53 =	vor.u32 $0x380, v11;
	v52 =	vmax.f32 v12, $0.0e+00;
	[tilespmem:v37+s21+$0x0] =	vst.idx.add.f32.msk $0xffff, v6  }
0x1a8: {  	v6 =	vmul.f32 v52, v10;
	v54 =	vld.idx.msk [tilespmem:v14+s2+$0x0], $0xffff;
	v55 =	vadd.f32 v20, v18  }
0x1a9: {  	v56 =	vor.u32 $0x380, v25;
	v19 =	vld.idx.msk [tilespmem:v49+s12+$0x0], $0xffff  }
0x1aa: {  	v58 =	vor.u32 $0x380, v24;
	[tilespmem:v42+s21+$0x0] =	vst.idx.add.f32.msk $0xffff, v6;
	v57 =	vmax.f32 v55, $0.0e+00  }
0x1ab: {  	v13 =	vld.idx.msk [tilespmem:v13+s2+$0x0], $0xffff;
	v6 =	vmul.f32 v57, v22  }
0x1ac: {  	v59 =	vld.idx.msk [tilespmem:v53+s12+$0x0], $0xffff  }
0x1ad: {  	[tilespmem:v47+s21+$0x0] =	vst.idx.add.f32.msk $0xffff, v6  }
0x1ae: {  	v6 =	vld.idx.msk [tilespmem:v56+s2+$0x0], $0xffff  }
0x1af: {  	v60 =	vld.idx.msk [tilespmem:v58+s12+$0x0], $0xffff  }
0x1b0: {  	v17 =	vadd.f32 v30, v17  }
0x1b1: {  	v9 =	vadd.f32 v51, v50  }
0x1b2: {  	v61 =	vmax.f32 v17, $0.0e+00;
	v12 =	vadd.f32 v19, v54  }
0x1b3: {  	v1 =	vmul.f32 v61, v1;
	v9 =	vmax.f32 v9, $0.0e+00;
	v13 =	vadd.f32 v59, v13  }
0x1b4: {  	[tilespmem:v8+s21+$0x0] =	vst.idx.add.f32.msk $0xffff, v16;
	v2 =	vmul.f32 v9, v2;
	v62 =	vmax.f32 v12, $0.0e+00;
	v6 =	vadd.f32 v60, v6  }
0x1b5: {  	[tilespmem:v4+s21+$0x0] =	vst.idx.add.f32.msk $0xffff, v1;
	v1 =	vmul.f32 v62, v5;
	v63 =	vmax.f32 v13, $0.0e+00  }
0x1b6: {  	[tilespmem:v3+s21+$0x0] =	vst.idx.add.f32.msk $0xffff, v2;
	v2 =	vmul.f32 v63, v10;
	v3 =	vmax.f32 v6, $0.0e+00  }
0x1b7: {  	[tilespmem:v49+s21+$0x0] =	vst.idx.add.f32.msk $0xffff, v1;
	v1 =	vmul.f32 v3, v22  }
0x1b8: {  	[tilespmem:v53+s21+$0x0] =	vst.idx.add.f32.msk $0xffff, v2  }
0x1b9: {  	[tilespmem:v58+s21+$0x0] =	vst.idx.add.f32.msk $0xffff, v1  }
0x1ba: {  	[hbm4b:s9+s2] =	stream.linear.scatter [tilespmem:s21], [sflag:$0x2], $0x4000, $0x38;
	[tilespmem:$0x11800] =	vst v63  }
0x1bb: {  	s24 =	simm.s32 @p0 $0x80;
	_ =	swait.ge [sflag:s22], $0x4000  }
0x1bc: {  	s25 =	simm.s32 @p0 $0x200;
	s23 =	sadd.s32 $0x1, s23;
	[sflag:s22] =	ssyncset.done $0x0  }
0x1bd: {  	s26 =	simm.s32 @p0 $0xD000;
	p1 =	sne.s32 s23, s11;
	[sflag:s22] =	ssyncadd.s32 $0xFFFFC000  }
0x1be: {  	[hbm4b:s10+s24] =	stream.strided.scatter @p0 [tilespmem:s26], [sflag:$0x2], $0x800, s25, s24, $0x38;
	[tilespmem:$0x11800] =	vst v63  }
.Ltmp2:
0x1bf: {  	_ = 	snop;
	(pc) =	sbr.rel @p1 .LBB2_1-.Ltmp2, $4  }
0x1c0: {  	s24 =	simm.s32 @p0 $0x2  }
0x1c1: {  	_ =	swait.ge @p0 [sflag:s24], $0x800  }
0x1c2: {  	[sflag:s24] =	ssyncset.done @p0 $0x0  }
0x1c3: {  	[sflag:s24] =	ssyncadd.s32 @p0 $0xFFFFF800  }
0x1c4: {  	_ =	sfence.sel $0x180000  }
0x1c5: {  	[bflag:$0x0] =	sbarrier.arrive $0xFFFF  }
0x1c6: {  	p0 =	sne.s32 s1, $0x0;
	_ =	strace $0x9000004A  }
0x1c7: {  	s0 =	sadd.s32 @!p0 $0x100000, s0;
	[bflag:$0x2] =	sbarrier.arrive $0xFFFF  }
0x1c8: {  	[sflag:s0] =	ssyncadd.tile.s32 @!p0 $0x1;
	_ =	shalt  }
.Lfunc_end2:
_tile_overlayer_lowered:
.L_overlay_start_2:
0x1c9: {  	(tag) =	ssettag $0x2  }
0x1ca: {  	s0 =	rddreg [dreg:$0x0];
	s2 =	stileid.u32  }
0x1cb: {  	s1 =	rddreg [dreg:$0x1];
	p0 =	sne.s32 s2, $0x0  }
0x1cc: {  	s3 =	rddreg [dreg:$0x2];
	[bflag:$0x3] =	sbarrier.arrive $0xFFFF;
	s2 =	simm.s32 @!p0 $0x1C02  }
0x1cd: {  	[timem:s3], [sflag:s2] =	dma.local @!p0 [hbm:s0], s1  }
0x1ce: {  	s0 =	simm.s32 @!p0 $0x2  }
0x1cf: {  	_ =	swait.ge @!p0 [sflag:s0], s1  }
0x1d0: {  	s1 =	ssub.s32 @!p0 $0x0, s1;
	[sflag:s0] =	ssyncset.done @!p0 $0x0  }
0x1d1: {  	[sflag:s0] =	ssyncadd.s32 @!p0 s1  }
0x1d2: {  	[bflag:$0x3] =	sbarrier.arrive $0xFFFF  }
0x1d3: {  	_ =	shalt  }

// kernel: kernel.15.cloned.1.call-start
scs
__scs_entry_jumppad:
0x0: {  	(pc) =	sbr.rel $0x88, $3  }
0x1: {  	(tag) =	ssettag $0x0;
	lr =	simm.s32 $0x1  }
0x2: {  	[smem:$0x3F87] =	sst lr;
	_ =	strace $0xD0000000  }
0x3: {  	_ = 	snop  }
0x4: {  	_ = 	snop  }
0x5: {  	_ = 	snop  }
0x6: {  	_ = 	snop  }
0x7: {  	_ = 	snop  }
__scs_overlays_trampoline_lowered:
0x8: {  	[smem:$0x3F96] =	sst s0  }
0x9: {  	[smem:$0x3F97] =	sst s1  }
0xa: {  	[smem:$0x3F98] =	sst s2  }
0xb: {  	[smem:$0x3F99] =	sst s3  }
0xc: {  	[smem:$0x3F9A] =	sst s4  }
0xd: {  	[smem:$0x3F9B] =	sst s5  }
0xe: {  	[smem:$0x3F9C] =	sst s6  }
0xf: {  	[smem:$0x3F9D] =	sst s7  }
0x10: {  	[smem:$0x3F9E] =	sst s8  }
0x11: {  	[smem:$0x3F9F] =	sst s9;
	s0 =	simm.s32 @!p0 $0x0  }
0x12: {  	s1 =	sld [smem:$0x3F85];
	s0 =	simm.s32 @p0 $0x1  }
0x13: {  	[smem:$0x3FA0] =	sst s0;
	s0 =	simm.s32 @!p1 $0x0  }
0x14: {  	s2 =	sld [smem:$0x3F84];
	s0 =	simm.s32 @p1 $0x1  }
0x15: {  	[smem:$0x3FA1] =	sst s0;
	s0 =	simm.s32 @!p2 $0x0  }
0x16: {  	s3 =	sld [smem:$0x3FDB];
	s0 =	simm.s32 @p2 $0x1  }
0x17: {  	s4 =	simm.s32 $0x1BF5;
	[smem:$0x3FA3] =	sst s0  }
0x18: {  	s0 =	sld [smem:$0x3F86];
	_ =	swait.ge [sflag:s4], $0x0  }
0x19: {  	s7 =	sld [smem:$0x3F87]  }
0x1a: {  	s8 =	sadd.s32 $0xFFFFE003, lr  }
0x1b: {  	s9 =	sadd.s32 $0xFFFFFEF7, lr;
	s5 =	simm.s32 $0xFFFFFFFF;
	p2 =	slt.u32 s8, $0xFFFFF086  }
0x1c: {  	p1 =	slt.u32 s9, $0xF7A;
	s5 =	simm.s32 @!p2 $0x0  }
0x1d: {  	s5 =	simm.s32 @p1 $0x1;
	p0 =	seq.s32 s7, s2  }
0x1e: {  	s7 =	smul.u32 @!p0 $0xF7A, s2;
	p2 =	seq.s32 @!p0 s5, $0x0  }
0x1f: {  	s9 =	smul.u32 $0xF7A, s1;
	s8 =	simm.s32 @!p0 $0x1BF5;
	p2 =	por !p2, p0  }
0x20: {  	[sflag:s8] =	ssyncset.s32 @!p0 $0xFFFFF086;
	s6 =	sadd.s32 @!p0 s3, s7;
	s7 =	simm.s32 @!p0 $0x108  }
0x21: {  	s3 =	sadd.s32 s3, s9;
	s6 =	sadd.s32 @!p0 $0x88, s6;
	s7 =	simm.s32 @p2 $0x1082  }
0x22: {  	[simem:s7], [sflag:s8] =	dma.local @!p0 [hbm:s6], $0xF7A  }
0x23: {  	s9 =	sor.u32 $0xD0000000, s2;
	s6 =	simm.s32 $0x108;
	_ =	swait.ge @!p0 [sflag:s8], $0x0  }
0x24: {  	s3 =	sadd.s32 $0x88, s3;
	s6 =	simm.s32 @!p1 $0x1082;
	[sflag:s4] =	ssyncset.s32 $0xFFFFF086  }
0x25: {  	[simem:s6], [sflag:s4] =	dma.local [hbm:s3], $0xF7A  }
0x26: {  	[smem:$0x3F87] =	sst s1;
	(tag) =	ssettag s2;
	_ =	strace s9  }
0x27: {  	s1 =	sld [smem:$0x3F97]  }
0x28: {  	s2 =	sld [smem:$0x3F98]  }
0x29: {  	s4 =	sld [smem:$0x3F9A]  }
0x2a: {  	p0 =	seq.s32 s5, $0x0;
	s5 =	sld [smem:$0x3F9B]  }
0x2b: {  	s6 =	sld [smem:$0x3F9C]  }
0x2c: {  	s7 =	sld [smem:$0x3F9D]  }
0x2d: {  	s3 =	simm.s32 $0x108;
	s8 =	sld [smem:$0x3F9E]  }
0x2e: {  	s3 =	simm.s32 @!p0 $0x1082;
	s9 =	sld [smem:$0x3F9F]  }
0x2f: {  	lr =	sadd.s32 s0, s3;
	s0 =	sld [smem:$0x3F96]  }
0x30: {  	s3 =	sld [smem:$0x3F99]  }
0x31: {  	[smem:$0x3FA2] =	sst s10  }
0x32: {  	s10 =	sld [smem:$0x3FA0];
	_ =	sdelay $0x3  }
0x33: {  	p0 =	seq.s32 s10, $0x1;
	s10 =	sld [smem:$0x3FA2];
	_ =	sdelay $0x3  }
0x34: {  	[smem:$0x3FA2] =	sst s10  }
0x35: {  	s10 =	sld [smem:$0x3FA1];
	_ =	sdelay $0x3  }
0x36: {  	p1 =	seq.s32 s10, $0x1;
	s10 =	sld [smem:$0x3FA2];
	_ =	sdelay $0x3  }
0x37: {  	[smem:$0x3FA2] =	sst s10  }
0x38: {  	s10 =	sld [smem:$0x3FA3]  }
0x39: {  	_ = 	snop;
	(pc) =	sbr.ind lr, $3  }
0x3a: {  	_ = 	snop  }
0x3b: {  	_ = 	snop  }
0x3c: {  	p2 =	seq.s32 s10, $0x1;
	s10 =	sld [smem:$0x3FA2]  }
0x3d: {  	_ =	shalt  }
0x3e: {  	_ =	shalt  }
0x3f: {  	_ =	shalt  }
0x40: {  	_ =	shalt  }
0x41: {  	_ =	shalt  }
0x42: {  	_ =	shalt  }
0x43: {  	_ =	shalt  }
0x44: {  	_ =	shalt  }
0x45: {  	_ =	shalt  }
0x46: {  	_ =	shalt  }
0x47: {  	_ =	shalt  }
0x48: {  	_ =	shalt  }
0x49: {  	_ =	shalt  }
0x4a: {  	_ =	shalt  }
0x4b: {  	_ =	shalt  }
0x4c: {  	_ =	shalt  }
0x4d: {  	_ =	shalt  }
0x4e: {  	_ =	shalt  }
0x4f: {  	_ =	shalt  }
0x50: {  	_ =	shalt  }
0x51: {  	_ =	shalt  }
0x52: {  	_ =	shalt  }
0x53: {  	_ =	shalt  }
0x54: {  	_ =	shalt  }
0x55: {  	_ =	shalt  }
0x56: {  	_ =	shalt  }
0x57: {  	_ =	shalt  }
0x58: {  	_ =	shalt  }
0x59: {  	_ =	shalt  }
0x5a: {  	_ =	shalt  }
0x5b: {  	_ =	shalt  }
0x5c: {  	_ =	shalt  }
0x5d: {  	_ =	shalt  }
0x5e: {  	_ =	shalt  }
0x5f: {  	_ =	shalt  }
0x60: {  	_ =	shalt  }
0x61: {  	_ =	shalt  }
0x62: {  	_ =	shalt  }
0x63: {  	_ =	shalt  }
0x64: {  	_ =	shalt  }
0x65: {  	_ =	shalt  }
0x66: {  	_ =	shalt  }
0x67: {  	_ =	shalt  }
0x68: {  	_ =	shalt  }
0x69: {  	_ =	shalt  }
0x6a: {  	_ =	shalt  }
0x6b: {  	_ =	shalt  }
0x6c: {  	_ =	shalt  }
0x6d: {  	_ =	shalt  }
0x6e: {  	_ =	shalt  }
0x6f: {  	_ =	shalt  }
0x70: {  	_ =	shalt  }
0x71: {  	_ =	shalt  }
0x72: {  	_ =	shalt  }
0x73: {  	_ =	shalt  }
0x74: {  	_ =	shalt  }
0x75: {  	_ =	shalt  }
0x76: {  	_ =	shalt  }
0x77: {  	_ =	shalt  }
0x78: {  	_ =	shalt  }
0x79: {  	_ =	shalt  }
0x7a: {  	_ =	shalt  }
0x7b: {  	_ =	shalt  }
0x7c: {  	_ =	shalt  }
0x7d: {  	_ =	shalt  }
0x7e: {  	_ =	shalt  }
0x7f: {  	_ =	shalt  }
0x80: {  	_ =	shalt  }
0x81: {  	_ =	shalt  }
0x82: {  	_ =	shalt  }
0x83: {  	_ =	shalt  }
0x84: {  	_ =	shalt  }
0x85: {  	_ =	shalt  }
0x86: {  	_ =	shalt  }
0x87: {  	_ =	shalt  }
.Lfunc_end0:
.L_simem_size_0:
called_computation.2_lowered:
.L_overlay_start_0:
0x88: {  	s2 =	sld [smem:$0x3FD9]  }
0x89: {  	s3 =	sld [smem:$0x3FFE];
	_ =	sdelay $0x1  }
0x8a: {  	s1 =	srdreg.scid  }
0x8b: {  	s0 =	sand.u32 $0x1, s1  }
0x8c: {  	s17 =	sshll.u32 s0, $0xA;
	s2 =	sadd.s32 s3, s2  }
0x8d: {  	s2 =	sadd.s32 s2, s17  }
0x8e: {  	[smem:$0x3FAE] =	sst s2  }
0x8f: {  	_ = 	snop  }
0x90: {  	s2 =	sld [smem:$0x3FC8]  }
0x91: {  	s18 =	sld [smem:$0x3FC7];
	(tm) =	ssettm $0x1  }
0x92: {  	s4 =	sld [smem:$0x3FFB];
	_ =	sdelay $0x3  }
0x93: {  	_ =	strace s4  }
0x94: {  	s4 =	sld [smem:$0x3FFC];
	_ =	sdelay $0x3  }
0x95: {  	_ =	strace s4  }
0x96: {  	s4 =	sld [smem:$0x3FFD];
	_ =	sdelay $0x3  }
0x97: {  	_ =	strace s4  }
0x98: {  	_ =	strace $0x8FFFFFFF  }
0x99: {  	s19 =	sld [smem:$0x3FDB];
	_ =	sdelay $0x1  }
0x9a: {  	s5 =	simm.s32 $_scs_section_size  }
0x9b: {  	s6 =	simm.s32 $_size__tile_overlayer_lowered;
	s7 =	simm.s32 $_tile_overlayer_lowered  }
0x9c: {  	s22 =	simm.s32 $0x1BFF;
	s21 =	sshll.u32 s7, $0x1;
	s4 =	sadd.s32 s5, s19  }
0x9d: {  	s8 =	simm.s32 $0x0;
	s20 =	sshll.u32 s6, $0x1;
	s6 =	sadd.s32 s21, s4  }
0x9e: {  	[timem:s8], [sflag:s22] =	dma.local [hbm:s6], s20  }
0x9f: {  	_ =	swait.ge [sflag:s22], s20  }
0xa0: {  	s5 =	ssub.s32 $0x0, s20;
	[sflag:s22] =	ssyncset.done $0x0  }
0xa1: {  	[sflag:s22] =	ssyncadd.s32 s5;
	_ =	sdelay $0x1  }
0xa2: {  	s23 =	simm.s32 $0x1B8B  }
0xa3: {  	_ =	swait.ge [sflag:s23], $0x1  }
0xa4: {  	[sflag:s23] =	ssyncset.done $0x0  }
0xa5: {  	s25 =	simm.s32 $0x1B8E;
	s24 =	sld [smem:$0x3FFE];
	[sflag:s23] =	ssyncadd.s32 $0xFFFFFFFF  }
0xa6: {  	s26 =	simm.s32 $execute0_lowered;
	[smem:$0x3FD2] =	sst s25  }
0xa7: {  	s6 =	sshll.u32 s26, $0x1;
	_ =	strace $0x8000004C;
	[dreg:$0x1] =	wrdreg $0xFFFFFFFF  }
0xa8: {  	s28 =	simm.s32 $_size_execute0_lowered;
	s4 =	sadd.s32 s4, s6;
	[dreg:$0x0] =	wrdreg $0x0  }
0xa9: {  	s6 =	sshll.u32 s28, $0x1;
	[dreg:$0x2] =	wrdreg s4  }
0xaa: {  	[dreg:$0x3] =	wrdreg s6  }
0xab: {  	[dreg:$0x4] =	wrdreg $0xC0  }
0xac: {  	_ =	task [dreg:s8], $0x5FFFF  }
0xad: {  	[dreg:$0x1] =	wrdreg $0xFFFFFFFF  }
0xae: {  	[dreg:$0x0] =	wrdreg $0x60  }
0xaf: {  	[dreg:$0x2] =	wrdreg s24  }
0xb0: {  	[dreg:$0x3] =	wrdreg s2  }
0xb1: {  	[dreg:$0x4] =	wrdreg s18  }
0xb2: {  	[dreg:$0x5] =	wrdreg $0x9  }
0xb3: {  	_ =	task.clear_ibuf [dreg:s8], $0x6FFFF;
	_ =	strace $0x9000004C  }
0xb4: {  	s29 =	simm.s32 $0x9;
	_ =	strace $0x8000004E  }
0xb5: {  	_ =	swait.ge [sflag:s29], $0x1  }
0xb6: {  	[sflag:s29] =	ssyncadd.s32 $0xFFFFFFFF  }
0xb7: {  	_ =	strace $0x9000004E  }
0xb8: {  	_ =	sfence  }
0xb9: {  	s30 =	sld [smem:$0x0];
	_ =	sdelay $0x2  }
0xba: {  	s31 =	sshll.u32 s1, $0xD;
	s1 =	sshrl.u32 s1, $0x2  }
0xbb: {  	s3 =	sand.u32 $0x4000, s31;
	s1 =	sadd.s32 s1, s30  }
0xbc: {  	s0 =	sor.u32 s3, s0;
	s1 =	sshll.u32 s1, $0x11  }
0xbd: {  	s0 =	sor.u32 s1, s0  }
0xbe: {  	s0 =	sadd.s32 $0x8F2B, s0  }
0xbf: {  	[sflag:s0] =	ssyncadd.remote.s32 $0x1  }
0xc0: {  	_ =	sfence.sel $0xFFFF  }
0xc1: {  	[dreg:$0x0] =	wrdreg $0xFFFFFFFF;
	(pc) =	sbr.abs _section_cstart, $3  }
0xc2: {  	[dreg:$0x1] =	wrdreg $0xFFFFFFFF  }
0xc3: {  	_ =	task.clear_ibuf [dreg:s8], $0x2FFFF;
	_ =	strace $0x9FFFFFFF  }
0xc4: {  	(tm) =	ssettm $0x7FFFFFFF  }
0xc5: {  	_ =	shalt  }
tec
execute0_lowered:
.L_overlay_start_1:
0x0: {  	(tag) =	ssettag $0x1  }
0x1: {  	s3 =	rddreg [dreg:$0x0]  }
0x2: {  	s7 =	rddreg [dreg:$0x1]  }
0x3: {  	s8 =	rddreg [dreg:$0x2]  }
0x4: {  	s0 =	rddreg [dreg:$0x3]  }
0x5: {  	s2 =	simm.s32 $0x0;
	s4 =	srdreg.scid;
	s1 =	stileid.u32  }
0x6: {  	s15 =	simm.s32 $0x8000;
	s16 =	simm.s32 $0x8800;
	s17 =	simm.s32 $0xD800  }
0x7: {  	s18 =	simm.s32 $0xF800;
	s19 =	simm.s32 $0x1;
	s20 =	simm.s32 $0xD000  }
0x8: {  	s21 =	simm.s32 $0x9000;
	s22 =	simm.s32 $0x2;
	[smem:$0x7FF] =	sst s2  }
0x9: {  	s9 =	sand.u32 $0x1, s4;
	s30 =	sshll.u32 s1, $0x1;
	s5 =	sshll.u32 s1, $0xB  }
0xa: {  	s23 =	sor.u32 $0x8, s1;
	_ =	strace $0x8000004D;
	s6 =	ssub.s32 $0x2, s9  }
0xb: {  	s4 =	sand.u32 $0x10, s30;
	s10 =	sadd.s32 s5, s3;
	s13 =	sshll.u32 s9, $0xA  }
0xc: {  	s14 =	sshll.u32 s9, $0xF;
	s9 =	sshll.u32 s9, $0x5;
	p0 =	seq.s32 s23, $0x8  }
0xd: {  	s23 =	simm.s32 $0x0;
	s31 =	sshrl.u32 s6, $0x1;
	s11 =	sadd.s32 s4, s3  }
0xe: {  	s3 =	sadd.s32 $0x6C00, s10;
	s4 =	sadd.s32 $0xEC00, s10;
	s7 =	sadd.s32 s7, s13  }
0xf: {  	s10 =	sadd.s32 s14, s10;
	s8 =	sadd.s32 s8, s13;
	s13 =	simm.s32 $0x80  }
0x10: {  	s14 =	simm.s32 $0x400;
	s12 =	ssub.s32 s6, s31;
	s5 =	sadd.s32 $0x16C00, s11  }
0x11: {  	s6 =	sadd.s32 $0x16C20, s11;
	s11 =	sadd.s32 s9, s11;
	s9 =	sadd.s32 $0x17400, s10  }
0x12: {  	v0 =	vimm.f32 $0.0e+00;
	s10 =	sadd.s32 $0x27400, s11;
	s11 =	smax.u32 s12, $0x1;
	s12 =	simm.s32 $0x4000  }
.LBB2_1:
0x13: {  	[tilespmem:s2], [sflag:$0x1] =	stream.linear.gather [hbm4b:s3+s2], $0x4000, $0x38;
	[tilespmem:$0x11800] =	vst v63  }
0x14: {  	_ = 	snop  }
0x15: {  	[tilespmem:s12], [sflag:$0x1] =	stream.linear.gather [hbm4b:s4+s2], $0x4000, $0x38;
	[tilespmem:$0x11800] =	vst v63  }
0x16: {  	_ = 	snop  }
0x17: {  	[tilespmem:s15], [sflag:$0x1] =	stream.strided.gather [hbm4b:s5+s13], $0x800, s14, s13, $0x38;
	[tilespmem:$0x11800] =	vst v63  }
0x18: {  	_ = 	snop  }
0x19: {  	[tilespmem:s16], [sflag:$0x1] =	stream.strided.gather [hbm4b:s6+s13], $0x800, s14, s13, $0x38;
	[tilespmem:$0x11800] =	vst v63  }
0x1a: {  	_ = 	snop  }
0x1b: {  	[tilespmem:s17], [sflag:$0x1] =	stream.linear.gather [hbm4b:s7+s2], $0x2000, $0x38;
	[tilespmem:$0x11800] =	vst v63  }
0x1c: {  	s24 =	simm.s32 $0x9200  }
0x1d: {  	[tilespmem:s18], [sflag:$0x1] =	stream.linear.gather [hbm4b:s8+s2], $0x2000, $0x38;
	[tilespmem:$0x11800] =	vst v63  }
0x1e: {  	[tilespmem:s24+$0xFFFFFE00] =	vst v0  }
0x1f: {  	[tilespmem:s24+$0x180] =	vst v0  }
0x20: {  	[tilespmem:s24+$0x1F0] =	vst v0  }
0x21: {  	[tilespmem:s24+$0x170] =	vst v0  }
0x22: {  	[tilespmem:s24+$0xF0] =	vst v0  }
0x23: {  	[tilespmem:s24+$0x70] =	vst v0  }
0x24: {  	[tilespmem:s24+$0xFFFFFFF0] =	vst v0  }
0x25: {  	[tilespmem:s24+$0xFFFFFF70] =	vst v0  }
0x26: {  	[tilespmem:s24+$0xFFFFFEF0] =	vst v0  }
0x27: {  	[tilespmem:s24+$0xFFFFFE70] =	vst v0  }
0x28: {  	[tilespmem:s24+$0x1E0] =	vst v0  }
0x29: {  	[tilespmem:s24+$0x160] =	vst v0  }
0x2a: {  	[tilespmem:s24+$0xE0] =	vst v0  }
0x2b: {  	[tilespmem:s24+$0x60] =	vst v0  }
0x2c: {  	[tilespmem:s24+$0xFFFFFFE0] =	vst v0  }
0x2d: {  	[tilespmem:s24+$0xFFFFFF60] =	vst v0  }
0x2e: {  	[tilespmem:s24+$0xFFFFFEE0] =	vst v0  }
0x2f: {  	[tilespmem:s24+$0xFFFFFE60] =	vst v0  }
0x30: {  	[tilespmem:s24+$0x1D0] =	vst v0  }
0x31: {  	[tilespmem:s24+$0x150] =	vst v0  }
0x32: {  	[tilespmem:s24+$0xD0] =	vst v0  }
0x33: {  	[tilespmem:s24+$0x50] =	vst v0  }
0x34: {  	[tilespmem:s24+$0xFFFFFFD0] =	vst v0  }
0x35: {  	[tilespmem:s24+$0xFFFFFF50] =	vst v0  }
0x36: {  	[tilespmem:s24+$0xFFFFFED0] =	vst v0  }
0x37: {  	[tilespmem:s24+$0xFFFFFE50] =	vst v0  }
0x38: {  	[tilespmem:s24+$0x190] =	vst v0  }
0x39: {  	[tilespmem:s24+$0x1A0] =	vst v0  }
0x3a: {  	[tilespmem:s24+$0x1B0] =	vst v0  }
0x3b: {  	[tilespmem:s24+$0x1C0] =	vst v0  }
0x3c: {  	[tilespmem:s24+$0x140] =	vst v0  }
0x3d: {  	[tilespmem:s24+$0xC0] =	vst v0  }
0x3e: {  	[tilespmem:s24+$0x40] =	vst v0  }
0x3f: {  	[tilespmem:s24+$0xFFFFFFC0] =	vst v0  }
0x40: {  	[tilespmem:s24+$0xFFFFFF40] =	vst v0  }
0x41: {  	[tilespmem:s24+$0xFFFFFEC0] =	vst v0  }
0x42: {  	[tilespmem:s24+$0xFFFFFE40] =	vst v0  }
0x43: {  	[tilespmem:s24+$0x130] =	vst v0  }
0x44: {  	[tilespmem:s24+$0xB0] =	vst v0  }
0x45: {  	[tilespmem:s24+$0x30] =	vst v0  }
0x46: {  	[tilespmem:s24+$0xFFFFFFB0] =	vst v0  }
0x47: {  	[tilespmem:s24+$0xFFFFFF30] =	vst v0  }
0x48: {  	[tilespmem:s24+$0xFFFFFEB0] =	vst v0  }
0x49: {  	[tilespmem:s24+$0xFFFFFE30] =	vst v0  }
0x4a: {  	[tilespmem:s24+$0x120] =	vst v0  }
0x4b: {  	[tilespmem:s24+$0xA0] =	vst v0  }
0x4c: {  	[tilespmem:s24+$0x20] =	vst v0  }
0x4d: {  	[tilespmem:s24+$0xFFFFFFA0] =	vst v0  }
0x4e: {  	[tilespmem:s24+$0xFFFFFF20] =	vst v0  }
0x4f: {  	[tilespmem:s24+$0xFFFFFEA0] =	vst v0  }
0x50: {  	[tilespmem:s24+$0xFFFFFE20] =	vst v0  }
0x51: {  	[tilespmem:s24+$0x110] =	vst v0  }
0x52: {  	[tilespmem:s24+$0x90] =	vst v0  }
0x53: {  	[tilespmem:s24+$0x10] =	vst v0  }
0x54: {  	[tilespmem:s24+$0xFFFFFF90] =	vst v0  }
0x55: {  	[tilespmem:s24+$0xFFFFFF10] =	vst v0  }
0x56: {  	[tilespmem:s24+$0xFFFFFE90] =	vst v0  }
0x57: {  	[tilespmem:s24+$0xFFFFFE10] =	vst v0  }
0x58: {  	[tilespmem:s24+$0x100] =	vst v0  }
0x59: {  	[tilespmem:s24+$0x80] =	vst v0  }
0x5a: {  	[tilespmem:s24+$0x0] =	vst v0  }
0x5b: {  	[tilespmem:s24+$0xFFFFFF80] =	vst v0  }
0x5c: {  	[tilespmem:s24+$0xFFFFFF00] =	vst v0  }
0x5d: {  	s25 =	simm.s32 $0xD040;
	[tilespmem:s24+$0xFFFFFE80] =	vst v0  }
0x5e: {  	[tilespmem:s25+$0x30] =	vst v0  }
0x5f: {  	[tilespmem:s25+$0x20] =	vst v0  }
0x60: {  	[tilespmem:s25+$0x10] =	vst v0  }
0x61: {  	[tilespmem:s25+$0x0] =	vst v0  }
0x62: {  	[tilespmem:s25+$0xFFFFFFF0] =	vst v0  }
0x63: {  	[tilespmem:s25+$0xFFFFFFE0] =	vst v0  }
0x64: {  	s26 =	simm.s32 $0x0;
	[tilespmem:s25+$0xFFFFFFD0] =	vst v0  }
.LBB2_2:
0x65: {  	s26 =	sadd.s32 $0x8, s26;
	[tilespmem:s25+$0xFFFFFFC0] =	vst v0;
	s24 =	sadd.s32 $0x400, s24;
	s25 =	sadd.s32 $0x80, s25  }
0x66: {  	[tilespmem:s24+$0xFFFFFE00] =	vst v0;
	p1 =	slt.u32 s26, $0x78  }
0x67: {  	[tilespmem:s24+$0x180] =	vst v0  }
0x68: {  	[tilespmem:s24+$0x1F0] =	vst v0  }
0x69: {  	[tilespmem:s24+$0x170] =	vst v0  }
0x6a: {  	[tilespmem:s24+$0xF0] =	vst v0  }
0x6b: {  	[tilespmem:s24+$0x70] =	vst v0  }
0x6c: {  	[tilespmem:s24+$0xFFFFFFF0] =	vst v0  }
0x6d: {  	[tilespmem:s24+$0xFFFFFF70] =	vst v0  }
0x6e: {  	[tilespmem:s24+$0xFFFFFEF0] =	vst v0  }
0x6f: {  	[tilespmem:s24+$0xFFFFFE70] =	vst v0  }
0x70: {  	[tilespmem:s25+$0x30] =	vst v0  }
0x71: {  	[tilespmem:s24+$0x1E0] =	vst v0  }
0x72: {  	[tilespmem:s24+$0x160] =	vst v0  }
0x73: {  	[tilespmem:s24+$0xE0] =	vst v0  }
0x74: {  	[tilespmem:s24+$0x60] =	vst v0  }
0x75: {  	[tilespmem:s24+$0xFFFFFFE0] =	vst v0  }
0x76: {  	[tilespmem:s24+$0xFFFFFF60] =	vst v0  }
0x77: {  	[tilespmem:s24+$0xFFFFFEE0] =	vst v0  }
0x78: {  	[tilespmem:s24+$0xFFFFFE60] =	vst v0  }
0x79: {  	[tilespmem:s25+$0x20] =	vst v0  }
0x7a: {  	[tilespmem:s24+$0x1D0] =	vst v0  }
0x7b: {  	[tilespmem:s24+$0x150] =	vst v0  }
0x7c: {  	[tilespmem:s24+$0xD0] =	vst v0  }
0x7d: {  	[tilespmem:s24+$0x50] =	vst v0  }
0x7e: {  	[tilespmem:s24+$0xFFFFFFD0] =	vst v0  }
0x7f: {  	[tilespmem:s24+$0xFFFFFF50] =	vst v0  }
0x80: {  	[tilespmem:s24+$0xFFFFFED0] =	vst v0  }
0x81: {  	[tilespmem:s24+$0xFFFFFE50] =	vst v0  }
0x82: {  	[tilespmem:s25+$0x10] =	vst v0  }
0x83: {  	[tilespmem:s24+$0x190] =	vst v0  }
0x84: {  	[tilespmem:s24+$0x1A0] =	vst v0  }
0x85: {  	[tilespmem:s24+$0x1B0] =	vst v0  }
0x86: {  	[tilespmem:s24+$0x1C0] =	vst v0  }
0x87: {  	[tilespmem:s24+$0x140] =	vst v0  }
0x88: {  	[tilespmem:s24+$0xC0] =	vst v0  }
0x89: {  	[tilespmem:s24+$0x40] =	vst v0  }
0x8a: {  	[tilespmem:s24+$0xFFFFFFC0] =	vst v0  }
0x8b: {  	[tilespmem:s24+$0xFFFFFF40] =	vst v0  }
0x8c: {  	[tilespmem:s24+$0xFFFFFEC0] =	vst v0  }
0x8d: {  	[tilespmem:s24+$0xFFFFFE40] =	vst v0  }
0x8e: {  	[tilespmem:s25+$0x0] =	vst v0  }
0x8f: {  	[tilespmem:s24+$0x130] =	vst v0  }
0x90: {  	[tilespmem:s24+$0xB0] =	vst v0  }
0x91: {  	[tilespmem:s24+$0x30] =	vst v0  }
0x92: {  	[tilespmem:s24+$0xFFFFFFB0] =	vst v0  }
0x93: {  	[tilespmem:s24+$0xFFFFFF30] =	vst v0  }
0x94: {  	[tilespmem:s24+$0xFFFFFEB0] =	vst v0  }
0x95: {  	[tilespmem:s24+$0xFFFFFE30] =	vst v0  }
0x96: {  	[tilespmem:s25+$0xFFFFFFF0] =	vst v0  }
0x97: {  	[tilespmem:s24+$0x120] =	vst v0  }
0x98: {  	[tilespmem:s24+$0xA0] =	vst v0  }
0x99: {  	[tilespmem:s24+$0x20] =	vst v0  }
0x9a: {  	[tilespmem:s24+$0xFFFFFFA0] =	vst v0  }
0x9b: {  	[tilespmem:s24+$0xFFFFFF20] =	vst v0  }
0x9c: {  	[tilespmem:s24+$0xFFFFFEA0] =	vst v0  }
0x9d: {  	[tilespmem:s24+$0xFFFFFE20] =	vst v0  }
0x9e: {  	[tilespmem:s25+$0xFFFFFFE0] =	vst v0  }
0x9f: {  	[tilespmem:s24+$0x110] =	vst v0  }
0xa0: {  	[tilespmem:s24+$0x90] =	vst v0  }
0xa1: {  	[tilespmem:s24+$0x10] =	vst v0  }
0xa2: {  	[tilespmem:s24+$0xFFFFFF90] =	vst v0  }
0xa3: {  	[tilespmem:s24+$0xFFFFFF10] =	vst v0  }
0xa4: {  	[tilespmem:s24+$0xFFFFFE90] =	vst v0  }
0xa5: {  	[tilespmem:s24+$0xFFFFFE10] =	vst v0  }
0xa6: {  	[tilespmem:s25+$0xFFFFFFD0] =	vst v0  }
0xa7: {  	[tilespmem:s24+$0x100] =	vst v0  }
.Ltmp0:
0xa8: {  	[tilespmem:s24+$0x80] =	vst v0;
	(pc) =	sbr.rel @p1 .LBB2_2-.Ltmp0, $4  }
0xa9: {  	[tilespmem:s24+$0x0] =	vst v0  }
0xaa: {  	[tilespmem:s24+$0xFFFFFF80] =	vst v0  }
0xab: {  	[tilespmem:s24+$0xFFFFFF00] =	vst v0  }
0xac: {  	[tilespmem:s24+$0xFFFFFE80] =	vst v0  }
0xad: {  	[tilespmem:s25+$0xFFFFFFC0] =	vst v0  }
0xae: {  	_ =	swait.ge [sflag:s19], $0x4000  }
0xaf: {  	[sflag:s19] =	ssyncset.done $0x0  }
0xb0: {  	[sflag:s19] =	ssyncadd.s32 $0xFFFFC000  }
0xb1: {  	_ =	swait.ge [sflag:s19], $0x4000  }
0xb2: {  	[sflag:s19] =	ssyncset.done $0x0  }
0xb3: {  	[sflag:s19] =	ssyncadd.s32 $0xFFFFC000  }
0xb4: {  	_ =	swait.ge [sflag:s19], $0x800  }
0xb5: {  	[sflag:s19] =	ssyncset.done $0x0  }
0xb6: {  	[sflag:s19] =	ssyncadd.s32 $0xFFFFF800  }
0xb7: {  	_ =	swait.ge [sflag:s19], $0x800  }
0xb8: {  	[sflag:s19] =	ssyncset.done $0x0  }
0xb9: {  	[sflag:s19] =	ssyncadd.s32 $0xFFFFF800  }
0xba: {  	_ =	swait.ge [sflag:s19], $0x2000  }
0xbb: {  	[sflag:s19] =	ssyncset.done $0x0  }
0xbc: {  	[sflag:s19] =	ssyncadd.s32 $0xFFFFE000  }
0xbd: {  	_ =	swait.ge [sflag:s19], $0x2000  }
0xbe: {  	[sflag:s19] =	ssyncset.done $0x0  }
0xbf: {  	s24 =	simm.s32 $0x0;
	[sflag:s19] =	ssyncadd.s32 $0xFFFFE000  }
0xc0: {  	v1 =	vld [tilespmem:s24+$0xD800]  }
0xc1: {  	v2 =	vld [tilespmem:s24+$0xF800];
	_ =	sdelay $0x6  }
0xc2: {  	v3 =	vld.idx.msk [tilespmem:v1+s15+$0x0], $0xffff  }
0xc3: {  	v4 =	vld.idx.msk [tilespmem:v2+s16+$0x0], $0xffff;
	_ =	sdelay $0x4  }
0xc4: {  	v3 =	vadd.f32 v4, v3;
	_ =	sdelay $0x1  }
0xc5: {  	v3 =	vmul.f32 $1.442695020e+00, v3  }
0xc6: {  	s26 =	simm.s32 $0x10  }
0xc7: {  	v5 =	vld [tilespmem:s26+$0xF800];
	(erf) = vpow2.f32 v3  }
0xc8: {  	v3 =	vld [tilespmem:s26+$0xD800];
	_ =	sdelay $0x2  }
0xc9: {  	v4 =	vshll.u32 v1, $0x3  }
0xca: {  	v6 =	vshll.u32 v2, $0x3;
	v1 =	vand.u32 $0x7F, v1;
	v4 =	vand.u32 $0xFFFFFC00, v4  }
0xcb: {  	v7 =	vand.u32 $0x7F, v2;
	v6 =	vand.u32 $0xFFFFFC00, v6;
	v10 =	vor.u32 v1, v4  }
0xcc: {  	v8 =	vor.u32 v7, v6  }
0xcd: {  	v4 =	vld.idx.msk [tilespmem:v5+s16+$0x0], $0xffff  }
0xce: {  	v1 =	vld.idx.msk [tilespmem:v3+s15+$0x0], $0xffff;
	v16 =	vpop (erf)  }
0xcf: {  	[tilespmem:v2+s20+$0x0] =	vst.idx.add.f32.msk $0xffff, v16  }
0xd0: {  	v2 =	vld.idx.msk [tilespmem:v10+s2+$0x0], $0xffff  }
0xd1: {  	v6 =	vld.idx.msk [tilespmem:v8+s12+$0x0], $0xffff;
	_ =	sdelay $0x1  }
0xd2: {  	v1 =	vadd.f32 v4, v1;
	_ =	sdelay $0x1  }
0xd3: {  	v1 =	vmul.f32 $1.442695020e+00, v1  }
0xd4: {  	v2 =	vadd.f32 v6, v2  }
0xd5: {  	v4 =	vor.u32 $0x80, v10;
	(erf) = vpow2.f32 v1  }
0xd6: {  	v1 =	vmax.f32 v2, $0.0e+00;
	v2 =	vor.u32 $0x80, v8  }
0xd7: {  	v1 =	vmul.f32 v1, v16;
	_ =	sdelay $0x1  }
0xd8: {  	v6 =	vshll.u32 v3, $0x3;
	[tilespmem:v8+s21+$0x0] =	vst.idx.add.f32.msk $0xffff, v1  }
0xd9: {  	v3 =	vand.u32 $0x7F, v3;
	v1 =	vshll.u32 v5, $0x3;
	v7 =	vld.idx.msk [tilespmem:v4+s2+$0x0], $0xffff;
	v4 =	vand.u32 $0xFFFFFC00, v6  }
0xda: {  	s28 =	simm.s32 $0x20;
	v9 =	vand.u32 $0x7F, v5;
	v1 =	vand.u32 $0xFFFFFC00, v1;
	v6 =	vld.idx.msk [tilespmem:v2+s12+$0x0], $0xffff;
	v13 =	vor.u32 v3, v4  }
0xdb: {  	v4 =	vor.u32 v9, v1;
	v3 =	vld [tilespmem:s28+$0xD800]  }
0xdc: {  	v9 =	vld [tilespmem:s28+$0xF800]  }
0xdd: {  	v1 =	vpop (erf)  }
0xde: {  	[tilespmem:v5+s20+$0x0] =	vst.idx.add.f32.msk $0xffff, v1  }
0xdf: {  	v5 =	vld.idx.msk [tilespmem:v13+s2+$0x0], $0xffff  }
0xe0: {  	v6 =	vadd.f32 v6, v7;
	v7 =	vld.idx.msk [tilespmem:v4+s12+$0x0], $0xffff  }
0xe1: {  	v11 =	vor.u32 $0x100, v10  }
0xe2: {  	v12 =	vor.u32 $0x100, v8;
	v6 =	vmax.f32 v6, $0.0e+00  }
0xe3: {  	v6 =	vmul.f32 v6, v16;
	v14 =	vld.idx.msk [tilespmem:v3+s15+$0x0], $0xffff  }
0xe4: {  	v15 =	vld.idx.msk [tilespmem:v9+s16+$0x0], $0xffff  }
0xe5: {  	[tilespmem:v2+s21+$0x0] =	vst.idx.add.f32.msk $0xffff, v6;
	v2 =	vadd.f32 v7, v5  }
0xe6: {  	v6 =	vor.u32 $0x80, v13;
	v5 =	vld.idx.msk [tilespmem:v11+s2+$0x0], $0xffff  }
0xe7: {  	v7 =	vld.idx.msk [tilespmem:v12+s12+$0x0], $0xffff;
	v11 =	vor.u32 $0x80, v4;
	v2 =	vmax.f32 v2, $0.0e+00  }
0xe8: {  	v2 =	vmul.f32 v2, v1  }
0xe9: {  	v14 =	vadd.f32 v15, v14  }
0xea: {  	[tilespmem:v4+s21+$0x0] =	vst.idx.add.f32.msk $0xffff, v2  }
0xeb: {  	v2 =	vld.idx.msk [tilespmem:v6+s2+$0x0], $0xffff;
	v6 =	vmul.f32 $1.442695020e+00, v14  }
0xec: {  	v5 =	vadd.f32 v7, v5;
	v7 =	vld.idx.msk [tilespmem:v11+s12+$0x0], $0xffff  }
0xed: {  	(erf) = vpow2.f32 v6  }
0xee: {  	v14 =	vor.u32 $0x180, v10;
	v5 =	vmax.f32 v5, $0.0e+00  }
0xef: {  	v15 =	vor.u32 $0x180, v8;
	v5 =	vmul.f32 v5, v16;
	_ =	sdelay $0x1  }
0xf0: {  	s29 =	simm.s32 $0x30;
	v17 =	vshll.u32 v3, $0x3;
	v6 =	vshll.u32 v9, $0x3;
	[tilespmem:v12+s21+$0x0] =	vst.idx.add.f32.msk $0xffff, v5;
	v2 =	vadd.f32 v7, v2  }
0xf1: {  	v3 =	vand.u32 $0x7F, v3;
	v5 =	vand.u32 $0xFFFFFC00, v6;
	v6 =	vand.u32 $0xFFFFFC00, v17;
	v17 =	vld [tilespmem:s29+$0xF800]  }
0xf2: {  	v7 =	vld.idx.msk [tilespmem:v14+s2+$0x0], $0xffff;
	v14 =	vand.u32 $0x7F, v9;
	v6 =	vor.u32 v3, v6;
	v2 =	vmax.f32 v2, $0.0e+00  }
0xf3: {  	v12 =	vld.idx.msk [tilespmem:v15+s12+$0x0], $0xffff;
	v3 =	vor.u32 v14, v5;
	v5 =	vmul.f32 v2, v1  }
0xf4: {  	v18 =	vor.u32 $0x100, v13;
	v14 =	vld [tilespmem:s29+$0xD800]  }
0xf5: {  	[tilespmem:v11+s21+$0x0] =	vst.idx.add.f32.msk $0xffff, v5;
	v2 =	vpop (erf)  }
0xf6: {  	v5 =	vor.u32 $0x100, v4;
	[tilespmem:v9+s20+$0x0] =	vst.idx.add.f32.msk $0xffff, v2  }
0xf7: {  	v9 =	vld.idx.msk [tilespmem:v6+s2+$0x0], $0xffff  }
0xf8: {  	v7 =	vadd.f32 v12, v7;
	v11 =	vld.idx.msk [tilespmem:v3+s12+$0x0], $0xffff  }
0xf9: {  	v12 =	vor.u32 $0x200, v10;
	v18 =	vld.idx.msk [tilespmem:v18+s2+$0x0], $0xffff  }
0xfa: {  	v19 =	vor.u32 $0x200, v8;
	v7 =	vmax.f32 v7, $0.0e+00;
	v22 =	vld.idx.msk [tilespmem:v17+s16+$0x0], $0xffff  }
0xfb: {  	v7 =	vmul.f32 v7, v16;
	v20 =	vld.idx.msk [tilespmem:v5+s12+$0x0], $0xffff  }
0xfc: {  	v21 =	vld.idx.msk [tilespmem:v14+s15+$0x0], $0xffff  }
0xfd: {  	[tilespmem:v15+s21+$0x0] =	vst.idx.add.f32.msk $0xffff, v7;
	v7 =	vadd.f32 v11, v9  }
0xfe: {  	v9 =	vld.idx.msk [tilespmem:v12+s2+$0x0], $0xffff;
	v11 =	vor.u32 $0x80, v6  }
0xff: {  	v15 =	vor.u32 $0x80, v3;
	v12 =	vld.idx.msk [tilespmem:v19+s12+$0x0], $0xffff;
	v7 =	vmax.f32 v7, $0.0e+00  }
0x100: {  	v7 =	vmul.f32 v7, v2  }
0x101: {  	v18 =	vadd.f32 v20, v18;
	v20 =	vadd.f32 v22, v21  }
0x102: {  	v21 =	vor.u32 $0x180, v13;
	[tilespmem:v3+s21+$0x0] =	vst.idx.add.f32.msk $0xffff, v7  }
0x103: {  	v20 =	vmul.f32 $1.442695020e+00, v20;
	v7 =	vmax.f32 v18, $0.0e+00;
	v18 =	vor.u32 $0x180, v4;
	v11 =	vld.idx.msk [tilespmem:v11+s2+$0x0], $0xffff  }
0x104: {  	v9 =	vadd.f32 v12, v9;
	v7 =	vmul.f32 v7, v1;
	v12 =	vld.idx.msk [tilespmem:v15+s12+$0x0], $0xffff  }
0x105: {  	v22 =	vor.u32 $0x280, v10;
	(erf) = vpow2.f32 v20  }
0x106: {  	[tilespmem:v5+s21+$0x0] =	vst.idx.add.f32.msk $0xffff, v7;
	v5 =	vmax.f32 v9, $0.0e+00  }
0x107: {  	v21 =	vld.idx.msk [tilespmem:v21+s2+$0x0], $0xffff;
	v5 =	vmul.f32 v5, v16  }
0x108: {  	v20 =	vor.u32 $0x280, v8;
	v7 =	vshll.u32 v17, $0x3;
	v23 =	vld.idx.msk [tilespmem:v18+s12+$0x0], $0xffff  }
0x109: {  	v9 =	vshll.u32 v14, $0x3;
	v7 =	vand.u32 $0xFFFFFC00, v7;
	[tilespmem:v19+s21+$0x0] =	vst.idx.add.f32.msk $0xffff, v5;
	v5 =	vadd.f32 v12, v11  }
0x10a: {  	s30 =	simm.s32 $0x40;
	v9 =	vand.u32 $0xFFFFFC00, v9;
	v12 =	vand.u32 $0x7F, v14;
	v19 =	vand.u32 $0x7F, v17;
	v11 =	vld.idx.msk [tilespmem:v22+s2+$0x0], $0xffff  }
0x10b: {  	v7 =	vor.u32 v19, v7;
	v19 =	vld [tilespmem:s30+$0xD800];
	v22 =	vor.u32 $0x100, v6;
	v5 =	vmax.f32 v5, $0.0e+00  }
0x10c: {  	v24 =	vld [tilespmem:s30+$0xF800];
	v9 =	vor.u32 v12, v9;
	v12 =	vmul.f32 v5, v2  }
0x10d: {  	v14 =	vld.idx.msk [tilespmem:v20+s12+$0x0], $0xffff  }
0x10e: {  	v5 =	vpop (erf);
	[tilespmem:v15+s21+$0x0] =	vst.idx.add.f32.msk $0xffff, v12  }
0x10f: {  	v12 =	vor.u32 $0x100, v3;
	[tilespmem:v17+s20+$0x0] =	vst.idx.add.f32.msk $0xffff, v5  }
0x110: {  	v15 =	vadd.f32 v23, v21;
	v22 =	vld.idx.msk [tilespmem:v22+s2+$0x0], $0xffff  }
0x111: {  	v21 =	vor.u32 $0x200, v13;
	v17 =	vld.idx.msk [tilespmem:v9+s2+$0x0], $0xffff  }
0x112: {  	v23 =	vor.u32 $0x200, v4;
	v25 =	vld.idx.msk [tilespmem:v7+s12+$0x0], $0xffff;
	v15 =	vmax.f32 v15, $0.0e+00  }
0x113: {  	v11 =	vadd.f32 v14, v11;
	v15 =	vmul.f32 v15, v1;
	v27 =	vld.idx.msk [tilespmem:v19+s15+$0x0], $0xffff  }
0x114: {  	v26 =	vld.idx.msk [tilespmem:v12+s12+$0x0], $0xffff  }
0x115: {  	v11 =	vmax.f32 v11, $0.0e+00;
	[tilespmem:v18+s21+$0x0] =	vst.idx.add.f32.msk $0xffff, v15;
	v15 =	vor.u32 $0x300, v10  }
0x116: {  	v11 =	vmul.f32 v11, v16;
	v14 =	vld.idx.msk [tilespmem:v21+s2+$0x0], $0xffff;
	v21 =	vor.u32 $0x300, v8  }
0x117: {  	v18 =	vld.idx.msk [tilespmem:v23+s12+$0x0], $0xffff;
	v17 =	vadd.f32 v25, v17  }
0x118: {  	v28 =	vor.u32 $0x80, v9;
	[tilespmem:v20+s21+$0x0] =	vst.idx.add.f32.msk $0xffff, v11  }
0x119: {  	v29 =	vor.u32 $0x80, v7;
	v25 =	vld.idx.msk [tilespmem:v24+s16+$0x0], $0xffff;
	v17 =	vmax.f32 v17, $0.0e+00  }
0x11a: {  	v11 =	vadd.f32 v26, v22;
	v17 =	vmul.f32 v17, v5;
	v15 =	vld.idx.msk [tilespmem:v15+s2+$0x0], $0xffff  }
0x11b: {  	v20 =	vor.u32 $0x180, v6;
	v22 =	vld.idx.msk [tilespmem:v21+s12+$0x0], $0xffff  }
0x11c: {  	v11 =	vmax.f32 v11, $0.0e+00;
	[tilespmem:v7+s21+$0x0] =	vst.idx.add.f32.msk $0xffff, v17;
	v17 =	vor.u32 $0x180, v3  }
0x11d: {  	v14 =	vadd.f32 v18, v14;
	v11 =	vmul.f32 v11, v2;
	v18 =	vld.idx.msk [tilespmem:v28+s2+$0x0], $0xffff  }
0x11e: {  	v25 =	vadd.f32 v25, v27;
	v27 =	vor.u32 $0x280, v13;
	v26 =	vld.idx.msk [tilespmem:v29+s12+$0x0], $0xffff  }
0x11f: {  	[tilespmem:v12+s21+$0x0] =	vst.idx.add.f32.msk $0xffff, v11;
	v11 =	vmax.f32 v14, $0.0e+00;
	v14 =	vor.u32 $0x280, v4  }
0x120: {  	v12 =	vmul.f32 $1.442695020e+00, v25;
	v20 =	vld.idx.msk [tilespmem:v20+s2+$0x0], $0xffff;
	v11 =	vmul.f32 v11, v1;
	v15 =	vadd.f32 v22, v15  }
0x121: {  	v25 =	vld.idx.msk [tilespmem:v17+s12+$0x0], $0xffff  }
0x122: {  	v10 =	vor.u32 $0x380, v10;
	(erf) = vpow2.f32 v12;
	[tilespmem:v23+s21+$0x0] =	vst.idx.add.f32.msk $0xffff, v11;
	v11 =	vmax.f32 v15, $0.0e+00  }
0x123: {  	v8 =	vor.u32 $0x380, v8;
	v15 =	vld.idx.msk [tilespmem:v27+s2+$0x0], $0xffff;
	v11 =	vmul.f32 v11, v16  }
0x124: {  	v22 =	vshll.u32 v19, $0x3;
	v23 =	vld.idx.msk [tilespmem:v14+s12+$0x0], $0xffff  }
0x125: {  	s31 =	simm.s32 $0x50;
	v12 =	vshll.u32 v24, $0x3;
	v18 =	vadd.f32 v26, v18;
	v26 =	vor.u32 $0x100, v9;
	[tilespmem:v21+s21+$0x0] =	vst.idx.add.f32.msk $0xffff, v11  }
0x126: {  	v11 =	vand.u32 $0xFFFFFC00, v12;
	v12 =	vand.u32 $0x7F, v19;
	v19 =	vand.u32 $0xFFFFFC00, v22;
	v22 =	vld [tilespmem:s31+$0xD800]  }
0x127: {  	v18 =	vmax.f32 v18, $0.0e+00;
	v27 =	vld.idx.msk [tilespmem:v10+s2+$0x0], $0xffff  }
0x128: {  	v18 =	vmul.f32 v18, v5;
	v10 =	vand.u32 $0x7F, v24;
	v12 =	vor.u32 v12, v19;
	v28 =	vld.idx.msk [tilespmem:v8+s12+$0x0], $0xffff  }
0x129: {  	v19 =	vld [tilespmem:s31+$0xF800];
	v11 =	vor.u32 v10, v11  }
0x12a: {  	v20 =	vadd.f32 v25, v20;
	[tilespmem:v29+s21+$0x0] =	vst.idx.add.f32.msk $0xffff, v18  }
0x12b: {  	v18 =	vor.u32 $0x100, v7;
	v30 =	vld.idx.msk [tilespmem:v26+s2+$0x0], $0xffff;
	v10 =	vpop (erf)  }
0x12c: {  	v25 =	vor.u32 $0x200, v6;
	v20 =	vmax.f32 v20, $0.0e+00;
	[tilespmem:v24+s20+$0x0] =	vst.idx.add.f32.msk $0xffff, v10  }
0x12d: {  	v21 =	vor.u32 $0x200, v3;
	v20 =	vmul.f32 v20, v2;
	v24 =	vld.idx.msk [tilespmem:v12+s2+$0x0], $0xffff  }
0x12e: {  	v29 =	vld.idx.msk [tilespmem:v11+s12+$0x0], $0xffff  }
0x12f: {  	v15 =	vadd.f32 v23, v15;
	[tilespmem:v17+s21+$0x0] =	vst.idx.add.f32.msk $0xffff, v20  }
0x130: {  	v31 =	vld.idx.msk [tilespmem:v18+s12+$0x0], $0xffff  }
0x131: {  	v23 =	vor.u32 $0x300, v13;
	v15 =	vmax.f32 v15, $0.0e+00;
	v33 =	vld.idx.msk [tilespmem:v25+s2+$0x0], $0xffff  }
0x132: {  	v20 =	vor.u32 $0x300, v4;
	v34 =	vld.idx.msk [tilespmem:v21+s12+$0x0], $0xffff;
	v15 =	vmul.f32 v15, v1  }
0x133: {  	v35 =	vld.idx.msk [tilespmem:v22+s15+$0x0], $0xffff;
	v17 =	vadd.f32 v29, v24  }
0x134: {  	[tilespmem:v14+s21+$0x0] =	vst.idx.add.f32.msk $0xffff, v15;
	v24 =	vor.u32 $0x80, v12  }
0x135: {  	v26 =	vor.u32 $0x80, v11;
	v27 =	vadd.f32 v28, v27;
	v29 =	vld.idx.msk [tilespmem:v19+s16+$0x0], $0xffff;
	v25 =	vmax.f32 v17, $0.0e+00  }
0x136: {  	v36 =	vld.idx.msk [tilespmem:v23+s2+$0x0], $0xffff;
	v17 =	vor.u32 $0x380, v13;
	v13 =	vadd.f32 v31, v30;
	v25 =	vmul.f32 v25, v10  }
0x137: {  	v27 =	vmax.f32 v27, $0.0e+00;
	v37 =	vld.idx.msk [tilespmem:v20+s12+$0x0], $0xffff;
	v30 =	vor.u32 $0x180, v9  }
0x138: {  	v16 =	vmul.f32 v27, v16;
	v23 =	vor.u32 $0x180, v7;
	v28 =	vmax.f32 v13, $0.0e+00;
	[tilespmem:v11+s21+$0x0] =	vst.idx.add.f32.msk $0xffff, v25  }
0x139: {  	v34 =	vadd.f32 v34, v33;
	v31 =	vshll.u32 v19, $0x3;
	v28 =	vmul.f32 v28, v5;
	v32 =	vld.idx.msk [tilespmem:v24+s2+$0x0], $0xffff  }
0x13a: {  	v27 =	vor.u32 $0x280, v6;
	v33 =	vld.idx.msk [tilespmem:v26+s12+$0x0], $0xffff;
	v24 =	vand.u32 $0xFFFFFC00, v31;
	v31 =	vadd.f32 v29, v35  }
0x13b: {  	v15 =	vor.u32 $0x380, v6;
	[tilespmem:v18+s21+$0x0] =	vst.idx.add.f32.msk $0xffff, v28;
	v28 =	vmax.f32 v34, $0.0e+00;
	v18 =	vor.u32 $0x280, v3  }
0x13c: {  	v14 =	vor.u32 $0x380, v9;
	v29 =	vld.idx.msk [tilespmem:v30+s2+$0x0], $0xffff;
	v34 =	vmul.f32 $1.442695020e+00, v31;
	v31 =	vmul.f32 v28, v2  }
0x13d: {  	s24 =	simm.s32 $0x180;
	v13 =	vor.u32 $0x380, v12;
	v25 =	vshll.u32 v22, $0x3;
	v30 =	vld.idx.msk [tilespmem:v23+s12+$0x0], $0xffff;
	v28 =	vadd.f32 v37, v36  }
.LBB2_4:
0x13e: {  	s25 =	sshra.s32 s24, $0x2;
	p1 =	sne.s32 s24, $0x7FC0;
	s24 =	sadd.s32 $0x40, s24;
	(erf) = vpow2.f32 v34;
	[tilespmem:v21+s21+$0x0] =	vst.idx.add.f32.msk $0xffff, v31  }
0x13f: {  	v21 =	vld.idx.msk [tilespmem:v27+s2+$0x0], $0xffff;
	v27 =	vmax.f32 v28, $0.0e+00;
	v28 =	vor.u32 $0x380, v4;
	v4 =	vmovc v3;
	v3 =	vmovc v7;
	v7 =	vmov v11  }
0x140: {  	v11 =	vadd.f32 v33, v32;
	v31 =	vld.idx.msk [tilespmem:v18+s12+$0x0], $0xffff;
	v27 =	vmul.f32 v27, v1  }
0x141: {  	[tilespmem:v8+s21+$0x0] =	vst.idx.add.f32.msk $0xffff, v16;
	v8 =	vmov v28  }
0x142: {  	[tilespmem:v20+s21+$0x0] =	vst.idx.add.f32.msk $0xffff, v27  }
0x143: {  	v16 =	vand.u32 $0x7F, v22;
	v20 =	vand.u32 $0xFFFFFC00, v25;
	v25 =	vadd.f32 v30, v29;
	v27 =	vld.idx.msk [tilespmem:v17+s2+$0x0], $0xffff;
	v17 =	vmovc v15;
	v15 =	vmovc v14  }
0x144: {  	v22 =	vand.u32 $0x7F, v19;
	v20 =	vor.u32 v16, v20;
	v16 =	vmax.f32 v11, $0.0e+00;
	v14 =	vmovc v13;
	v28 =	vld.idx.msk [tilespmem:v28+s12+$0x0], $0xffff  }
0x145: {  	v11 =	vor.u32 v22, v24;
	v13 =	vor.u32 $0x380, v20;
	v16 =	vmul.f32 v16, v10;
	v29 =	vld [tilespmem:s25+$0xF800]  }
0x146: {  	v30 =	vor.u32 $0x100, v12;
	v21 =	vadd.f32 v31, v21;
	v22 =	vld [tilespmem:s25+$0xD800]  }
0x147: {  	v34 =	vor.u32 $0x100, v7;
	v31 =	vpop (erf);
	[tilespmem:v26+s21+$0x0] =	vst.idx.add.f32.msk $0xffff, v16  }
0x148: {  	v16 =	vmax.f32 v21, $0.0e+00;
	[tilespmem:v19+s20+$0x0] =	vst.idx.add.f32.msk $0xffff, v31  }
0x149: {  	v32 =	vor.u32 $0x200, v9;
	v21 =	vor.u32 $0x200, v3;
	v33 =	vmul.f32 v16, v2;
	v26 =	vld.idx.msk [tilespmem:v20+s2+$0x0], $0xffff  }
0x14a: {  	v36 =	vmax.f32 v25, $0.0e+00;
	v27 =	vadd.f32 v28, v27;
	v16 =	vshll.u32 v29, $0x3;
	v35 =	vld.idx.msk [tilespmem:v11+s12+$0x0], $0xffff;
	v19 =	vmovc v29  }
0x14b: {  	v25 =	vshll.u32 v22, $0x3;
	v24 =	vand.u32 $0xFFFFFC00, v16;
	v28 =	vld.idx.msk [tilespmem:v30+s2+$0x0], $0xffff;
	v16 =	vmul.f32 v36, v5  }
0x14c: {  	v27 =	vmax.f32 v27, $0.0e+00;
	v29 =	vld.idx.msk [tilespmem:v34+s12+$0x0], $0xffff  }
0x14d: {  	[tilespmem:v23+s21+$0x0] =	vst.idx.add.f32.msk $0xffff, v16;
	v16 =	vmul.f32 v27, v1;
	v1 =	vmovc v2;
	v2 =	vmov v5;
	v5 =	vmov v10  }
0x14e: {  	v23 =	vor.u32 $0x300, v6;
	v6 =	vmovc v9;
	v9 =	vmovc v12;
	v12 =	vmov v20;
	v10 =	vmov v31;
	v27 =	vld.idx.msk [tilespmem:v32+s2+$0x0], $0xffff  }
0x14f: {  	v20 =	vor.u32 $0x300, v4;
	v30 =	vld.idx.msk [tilespmem:v21+s12+$0x0], $0xffff  }
0x150: {  	v26 =	vadd.f32 v35, v26;
	v31 =	vld.idx.msk [tilespmem:v22+s15+$0x0], $0xffff  }
0x151: {  	v32 =	vor.u32 $0x80, v12;
	v35 =	vld.idx.msk [tilespmem:v19+s16+$0x0], $0xffff  }
0x152: {  	v36 =	vmax.f32 v26, $0.0e+00;
	v26 =	vor.u32 $0x80, v11;
	v28 =	vadd.f32 v29, v28;
	[tilespmem:v18+s21+$0x0] =	vst.idx.add.f32.msk $0xffff, v33  }
0x153: {  	v18 =	vmul.f32 v36, v10;
	v36 =	vld.idx.msk [tilespmem:v23+s2+$0x0], $0xffff  }
0x154: {  	v23 =	vmax.f32 v28, $0.0e+00;
	v28 =	vor.u32 $0x180, v9;
	v37 =	vld.idx.msk [tilespmem:v20+s12+$0x0], $0xffff  }
0x155: {  	v29 =	vadd.f32 v30, v27;
	[tilespmem:v11+s21+$0x0] =	vst.idx.add.f32.msk $0xffff, v18;
	v18 =	vmul.f32 v23, v5;
	v23 =	vor.u32 $0x180, v7  }
.Ltmp1:
0x156: {  	v32 =	vld.idx.msk [tilespmem:v32+s2+$0x0], $0xffff;
	(pc) =	sbr.rel @p1 .LBB2_4-.Ltmp1, $4  }
0x157: {  	v27 =	vor.u32 $0x280, v6;
	v30 =	vadd.f32 v35, v31;
	v33 =	vld.idx.msk [tilespmem:v26+s12+$0x0], $0xffff  }
0x158: {  	v31 =	vmax.f32 v29, $0.0e+00;
	[tilespmem:v34+s21+$0x0] =	vst.idx.add.f32.msk $0xffff, v18;
	v18 =	vor.u32 $0x280, v3  }
0x159: {  	v31 =	vmul.f32 v31, v2;
	v34 =	vmul.f32 $1.442695020e+00, v30;
	v29 =	vld.idx.msk [tilespmem:v28+s2+$0x0], $0xffff  }
0x15a: {  	v28 =	vadd.f32 v37, v36;
	v30 =	vld.idx.msk [tilespmem:v23+s12+$0x0], $0xffff  }
0x15b: {  	(erf) = vpow2.f32 v34;
	_ =	sdelay $0x4  }
0x15c: {  	v22 =	vand.u32 $0x7F, v22;
	v25 =	vand.u32 $0xFFFFFC00, v25  }
0x15d: {  	v48 =	vand.u32 $0x7F, v19;
	v25 =	vor.u32 v22, v25  }
0x15e: {  	v24 =	vor.u32 v48, v24;
	_ =	sdelay $0x1  }
0x15f: {  	v22 =	vpop (erf)  }
0x160: {  	[tilespmem:v19+s20+$0x0] =	vst.idx.add.f32.msk $0xffff, v22  }
0x161: {  	v19 =	vld.idx.msk [tilespmem:v25+s2+$0x0], $0xffff  }
0x162: {  	v34 =	vld.idx.msk [tilespmem:v24+s12+$0x0], $0xffff;
	_ =	sdelay $0x4  }
0x163: {  	v19 =	vadd.f32 v34, v19  }
0x164: {  	v49 =	vor.u32 $0x80, v25  }
0x165: {  	v35 =	vor.u32 $0x80, v24;
	v19 =	vmax.f32 v19, $0.0e+00  }
0x166: {  	v19 =	vmul.f32 v19, v22;
	_ =	sdelay $0x1  }
0x167: {  	[tilespmem:v24+s21+$0x0] =	vst.idx.add.f32.msk $0xffff, v19  }
0x168: {  	v19 =	vld.idx.msk [tilespmem:v49+s2+$0x0], $0xffff  }
0x169: {  	v50 =	vld.idx.msk [tilespmem:v35+s12+$0x0], $0xffff;
	_ =	sdelay $0x1  }
0x16a: {  	v32 =	vadd.f32 v33, v32  }
0x16b: {  	v51 =	vor.u32 $0x100, v12  }
0x16c: {  	v36 =	vor.u32 $0x100, v11;
	v32 =	vmax.f32 v32, $0.0e+00  }
0x16d: {  	v32 =	vmul.f32 v32, v10;
	v19 =	vadd.f32 v50, v19  }
0x16e: {  	v52 =	vor.u32 $0x100, v25  }
0x16f: {  	v53 =	vor.u32 $0x100, v24;
	[tilespmem:v26+s21+$0x0] =	vst.idx.add.f32.msk $0xffff, v32;
	v19 =	vmax.f32 v19, $0.0e+00  }
0x170: {  	v32 =	vld.idx.msk [tilespmem:v51+s2+$0x0], $0xffff;
	v19 =	vmul.f32 v19, v22  }
0x171: {  	v54 =	vld.idx.msk [tilespmem:v36+s12+$0x0], $0xffff  }
0x172: {  	[tilespmem:v35+s21+$0x0] =	vst.idx.add.f32.msk $0xffff, v19  }
0x173: {  	v19 =	vld.idx.msk [tilespmem:v52+s2+$0x0], $0xffff  }
0x174: {  	v55 =	vld.idx.msk [tilespmem:v53+s12+$0x0], $0xffff;
	_ =	sdelay $0x1  }
0x175: {  	v32 =	vadd.f32 v54, v32  }
0x176: {  	v56 =	vor.u32 $0x180, v12  }
0x177: {  	v57 =	vor.u32 $0x180, v11;
	v32 =	vmax.f32 v32, $0.0e+00  }
0x178: {  	v32 =	vmul.f32 v32, v10;
	v19 =	vadd.f32 v55, v19  }
0x179: {  	v58 =	vor.u32 $0x180, v25  }
0x17a: {  	v59 =	vor.u32 $0x180, v24;
	[tilespmem:v36+s21+$0x0] =	vst.idx.add.f32.msk $0xffff, v32;
	v19 =	vmax.f32 v19, $0.0e+00  }
0x17b: {  	v33 =	vld.idx.msk [tilespmem:v56+s2+$0x0], $0xffff;
	v19 =	vmul.f32 v19, v22  }
0x17c: {  	v36 =	vld.idx.msk [tilespmem:v57+s12+$0x0], $0xffff  }
0x17d: {  	[tilespmem:v53+s21+$0x0] =	vst.idx.add.f32.msk $0xffff, v19  }
0x17e: {  	v60 =	vadd.f32 v30, v29;
	v26 =	vld.idx.msk [tilespmem:v58+s2+$0x0], $0xffff  }
0x17f: {  	v61 =	vor.u32 $0x200, v9;
	v62 =	vld.idx.msk [tilespmem:v59+s12+$0x0], $0xffff  }
0x180: {  	v63 =	vor.u32 $0x200, v7;
	[tilespmem:v21+s21+$0x0] =	vst.idx.add.f32.msk $0xffff, v31;
	v19 =	vmax.f32 v60, $0.0e+00  }
0x181: {  	v27 =	vld.idx.msk [tilespmem:v27+s2+$0x0], $0xffff;
	v37 =	vadd.f32 v36, v33;
	v19 =	vmul.f32 v19, v5  }
0x182: {  	v38 =	vor.u32 $0x200, v12;
	v46 =	vld.idx.msk [tilespmem:v18+s12+$0x0], $0xffff  }
0x183: {  	v39 =	vor.u32 $0x200, v11;
	v21 =	vmax.f32 v37, $0.0e+00;
	[tilespmem:v23+s21+$0x0] =	vst.idx.add.f32.msk $0xffff, v19  }
0x184: {  	v21 =	vmul.f32 v21, v10;
	v23 =	vld.idx.msk [tilespmem:v61+s2+$0x0], $0xffff;
	v26 =	vadd.f32 v62, v26  }
0x185: {  	v41 =	vor.u32 $0x200, v25;
	v40 =	vld.idx.msk [tilespmem:v63+s12+$0x0], $0xffff  }
0x186: {  	v43 =	vor.u32 $0x200, v24;
	[tilespmem:v57+s21+$0x0] =	vst.idx.add.f32.msk $0xffff, v21;
	v26 =	vmax.f32 v26, $0.0e+00  }
0x187: {  	v42 =	vld.idx.msk [tilespmem:v38+s2+$0x0], $0xffff;
	v26 =	vmul.f32 v26, v22  }
0x188: {  	v44 =	vld.idx.msk [tilespmem:v39+s12+$0x0], $0xffff  }
0x189: {  	v4 =	vor.u32 $0x380, v4;
	v45 =	vmax.f32 v28, $0.0e+00;
	[tilespmem:v59+s21+$0x0] =	vst.idx.add.f32.msk $0xffff, v26  }
0x18a: {  	v23 =	vadd.f32 v40, v23;
	v26 =	vmul.f32 v45, v1;
	v21 =	vld.idx.msk [tilespmem:v41+s2+$0x0], $0xffff  }
0x18b: {  	v47 =	vor.u32 $0x280, v9;
	v32 =	vld.idx.msk [tilespmem:v43+s12+$0x0], $0xffff  }
0x18c: {  	v49 =	vor.u32 $0x280, v7;
	v48 =	vmax.f32 v23, $0.0e+00;
	[tilespmem:v20+s21+$0x0] =	vst.idx.add.f32.msk $0xffff, v26  }
0x18d: {  	v50 =	vadd.f32 v44, v42;
	v20 =	vmul.f32 v48, v5;
	v17 =	vld.idx.msk [tilespmem:v17+s2+$0x0], $0xffff  }
0x18e: {  	v51 =	vor.u32 $0x280, v12;
	v30 =	vld.idx.msk [tilespmem:v4+s12+$0x0], $0xffff  }
0x18f: {  	v52 =	vmax.f32 v50, $0.0e+00;
	v53 =	vor.u32 $0x280, v11;
	[tilespmem:v63+s21+$0x0] =	vst.idx.add.f32.msk $0xffff, v20  }
0x190: {  	v20 =	vmul.f32 v52, v10;
	v29 =	vld.idx.msk [tilespmem:v47+s2+$0x0], $0xffff;
	v21 =	vadd.f32 v32, v21  }
0x191: {  	v55 =	vor.u32 $0x280, v25;
	v54 =	vld.idx.msk [tilespmem:v49+s12+$0x0], $0xffff  }
0x192: {  	v57 =	vor.u32 $0x280, v24;
	[tilespmem:v39+s21+$0x0] =	vst.idx.add.f32.msk $0xffff, v20;
	v56 =	vmax.f32 v21, $0.0e+00  }
0x193: {  	v58 =	vadd.f32 v46, v27;
	v59 =	vld.idx.msk [tilespmem:v51+s2+$0x0], $0xffff;
	v19 =	vmul.f32 v56, v22  }
0x194: {  	v6 =	vor.u32 $0x300, v6;
	v60 =	vld.idx.msk [tilespmem:v53+s12+$0x0], $0xffff  }
0x195: {  	v61 =	vor.u32 $0x300, v3;
	v21 =	vmax.f32 v58, $0.0e+00;
	[tilespmem:v43+s21+$0x0] =	vst.idx.add.f32.msk $0xffff, v19  }
0x196: {  	v62 =	vmul.f32 v21, v2;
	v63 =	vadd.f32 v54, v29;
	v34 =	vld.idx.msk [tilespmem:v55+s2+$0x0], $0xffff  }
0x197: {  	v35 =	vor.u32 $0x300, v9;
	v31 =	vld.idx.msk [tilespmem:v57+s12+$0x0], $0xffff  }
0x198: {  	v37 =	vor.u32 $0x300, v7;
	[tilespmem:v18+s21+$0x0] =	vst.idx.add.f32.msk $0xffff, v62;
	v36 =	vmax.f32 v63, $0.0e+00  }
0x199: {  	v6 =	vld.idx.msk [tilespmem:v6+s2+$0x0], $0xffff;
	v38 =	vadd.f32 v60, v59;
	v18 =	vmul.f32 v36, v5  }
0x19a: {  	v40 =	vor.u32 $0x300, v12;
	v39 =	vld.idx.msk [tilespmem:v61+s12+$0x0], $0xffff  }
0x19b: {  	v42 =	vor.u32 $0x300, v11;
	v41 =	vmax.f32 v38, $0.0e+00;
	[tilespmem:v49+s21+$0x0] =	vst.idx.add.f32.msk $0xffff, v18  }
0x19c: {  	v18 =	vmul.f32 v41, v10;
	v9 =	vld.idx.msk [tilespmem:v35+s2+$0x0], $0xffff;
	v43 =	vadd.f32 v31, v34  }
0x19d: {  	v45 =	vor.u32 $0x300, v25;
	v44 =	vld.idx.msk [tilespmem:v37+s12+$0x0], $0xffff  }
0x19e: {  	v47 =	vor.u32 $0x300, v24;
	[tilespmem:v53+s21+$0x0] =	vst.idx.add.f32.msk $0xffff, v18;
	v46 =	vmax.f32 v43, $0.0e+00  }
0x19f: {  	v6 =	vadd.f32 v39, v6;
	v12 =	vld.idx.msk [tilespmem:v40+s2+$0x0], $0xffff;
	v18 =	vmul.f32 v46, v22  }
0x1a0: {  	v26 =	vld.idx.msk [tilespmem:v42+s12+$0x0], $0xffff  }
0x1a1: {  	v3 =	vor.u32 $0x380, v3;
	v6 =	vmax.f32 v6, $0.0e+00;
	[tilespmem:v57+s21+$0x0] =	vst.idx.add.f32.msk $0xffff, v18  }
0x1a2: {  	v6 =	vmul.f32 v6, v2;
	v9 =	vadd.f32 v44, v9;
	v18 =	vld.idx.msk [tilespmem:v45+s2+$0x0], $0xffff  }
0x1a3: {  	v20 =	vld.idx.msk [tilespmem:v47+s12+$0x0], $0xffff  }
0x1a4: {  	v49 =	vor.u32 $0x380, v7;
	[tilespmem:v61+s21+$0x0] =	vst.idx.add.f32.msk $0xffff, v6;
	v48 =	vmax.f32 v9, $0.0e+00  }
0x1a5: {  	v50 =	vld.idx.msk [tilespmem:v15+s2+$0x0], $0xffff;
	v12 =	vadd.f32 v26, v12;
	v6 =	vmul.f32 v48, v5  }
0x1a6: {  	v51 =	vld.idx.msk [tilespmem:v3+s12+$0x0], $0xffff  }
0x1a7: {  	v53 =	vor.u32 $0x380, v11;
	v52 =	vmax.f32 v12, $0.0e+00;
	[tilespmem:v37+s21+$0x0] =	vst.idx.add.f32.msk $0xffff, v6  }
0x1a8: {  	v6 =	vmul.f32 v52, v10;
	v54 =	vld.idx.msk [tilespmem:v14+s2+$0x0], $0xffff;
	v55 =	vadd.f32 v20, v18  }
0x1a9: {  	v56 =	vor.u32 $0x380, v25;
	v19 =	vld.idx.msk [tilespmem:v49+s12+$0x0], $0xffff  }
0x1aa: {  	v58 =	vor.u32 $0x380, v24;
	[tilespmem:v42+s21+$0x0] =	vst.idx.add.f32.msk $0xffff, v6;
	v57 =	vmax.f32 v55, $0.0e+00  }
0x1ab: {  	v13 =	vld.idx.msk [tilespmem:v13+s2+$0x0], $0xffff;
	v6 =	vmul.f32 v57, v22  }
0x1ac: {  	v59 =	vld.idx.msk [tilespmem:v53+s12+$0x0], $0xffff  }
0x1ad: {  	[tilespmem:v47+s21+$0x0] =	vst.idx.add.f32.msk $0xffff, v6  }
0x1ae: {  	v6 =	vld.idx.msk [tilespmem:v56+s2+$0x0], $0xffff  }
0x1af: {  	v60 =	vld.idx.msk [tilespmem:v58+s12+$0x0], $0xffff  }
0x1b0: {  	v17 =	vadd.f32 v30, v17  }
0x1b1: {  	v9 =	vadd.f32 v51, v50  }
0x1b2: {  	v61 =	vmax.f32 v17, $0.0e+00;
	v12 =	vadd.f32 v19, v54  }
0x1b3: {  	v1 =	vmul.f32 v61, v1;
	v9 =	vmax.f32 v9, $0.0e+00;
	v13 =	vadd.f32 v59, v13  }
0x1b4: {  	[tilespmem:v8+s21+$0x0] =	vst.idx.add.f32.msk $0xffff, v16;
	v2 =	vmul.f32 v9, v2;
	v62 =	vmax.f32 v12, $0.0e+00;
	v6 =	vadd.f32 v60, v6  }
0x1b5: {  	[tilespmem:v4+s21+$0x0] =	vst.idx.add.f32.msk $0xffff, v1;
	v1 =	vmul.f32 v62, v5;
	v63 =	vmax.f32 v13, $0.0e+00  }
0x1b6: {  	[tilespmem:v3+s21+$0x0] =	vst.idx.add.f32.msk $0xffff, v2;
	v2 =	vmul.f32 v63, v10;
	v3 =	vmax.f32 v6, $0.0e+00  }
0x1b7: {  	[tilespmem:v49+s21+$0x0] =	vst.idx.add.f32.msk $0xffff, v1;
	v1 =	vmul.f32 v3, v22  }
0x1b8: {  	[tilespmem:v53+s21+$0x0] =	vst.idx.add.f32.msk $0xffff, v2  }
0x1b9: {  	[tilespmem:v58+s21+$0x0] =	vst.idx.add.f32.msk $0xffff, v1  }
0x1ba: {  	[hbm4b:s9+s2] =	stream.linear.scatter [tilespmem:s21], [sflag:$0x2], $0x4000, $0x38;
	[tilespmem:$0x11800] =	vst v63  }
0x1bb: {  	s24 =	simm.s32 @p0 $0x80;
	_ =	swait.ge [sflag:s22], $0x4000  }
0x1bc: {  	s25 =	simm.s32 @p0 $0x200;
	s23 =	sadd.s32 $0x1, s23;
	[sflag:s22] =	ssyncset.done $0x0  }
0x1bd: {  	s26 =	simm.s32 @p0 $0xD000;
	p1 =	sne.s32 s23, s11;
	[sflag:s22] =	ssyncadd.s32 $0xFFFFC000  }
0x1be: {  	[hbm4b:s10+s24] =	stream.strided.scatter @p0 [tilespmem:s26], [sflag:$0x2], $0x800, s25, s24, $0x38;
	[tilespmem:$0x11800] =	vst v63  }
.Ltmp2:
0x1bf: {  	_ = 	snop;
	(pc) =	sbr.rel @p1 .LBB2_1-.Ltmp2, $4  }
0x1c0: {  	s24 =	simm.s32 @p0 $0x2  }
0x1c1: {  	_ =	swait.ge @p0 [sflag:s24], $0x800  }
0x1c2: {  	[sflag:s24] =	ssyncset.done @p0 $0x0  }
0x1c3: {  	[sflag:s24] =	ssyncadd.s32 @p0 $0xFFFFF800  }
0x1c4: {  	_ =	sfence.sel $0x180000  }
0x1c5: {  	[bflag:$0x0] =	sbarrier.arrive $0xFFFF  }
0x1c6: {  	p0 =	sne.s32 s1, $0x0;
	_ =	strace $0x9000004D  }
0x1c7: {  	s0 =	sadd.s32 @!p0 $0x100000, s0;
	[bflag:$0x2] =	sbarrier.arrive $0xFFFF  }
0x1c8: {  	[sflag:s0] =	ssyncadd.tile.s32 @!p0 $0x1;
	_ =	shalt  }
.Lfunc_end2:
_tile_overlayer_lowered:
.L_overlay_start_2:
0x1c9: {  	(tag) =	ssettag $0x2  }
0x1ca: {  	s0 =	rddreg [dreg:$0x0];
	s2 =	stileid.u32  }
0x1cb: {  	s1 =	rddreg [dreg:$0x1];
	p0 =	sne.s32 s2, $0x0  }
0x1cc: {  	s3 =	rddreg [dreg:$0x2];
	[bflag:$0x3] =	sbarrier.arrive $0xFFFF;
	s2 =	simm.s32 @!p0 $0x1C02  }
0x1cd: {  	[timem:s3], [sflag:s2] =	dma.local @!p0 [hbm:s0], s1  }
0x1ce: {  	s0 =	simm.s32 @!p0 $0x2  }
0x1cf: {  	_ =	swait.ge @!p0 [sflag:s0], s1  }
0x1d0: {  	s1 =	ssub.s32 @!p0 $0x0, s1;
	[sflag:s0] =	ssyncset.done @!p0 $0x0  }
0x1d1: {  	[sflag:s0] =	ssyncadd.s32 @!p0 s1  }
0x1d2: {  	[bflag:$0x3] =	sbarrier.arrive $0xFFFF  }
0x1d3: {  	_ =	shalt  }

// kernel: kernel.9.cloned.1.call-start
scs
__scs_entry_jumppad:
0x0: {  	(pc) =	sbr.rel $0x88, $3  }
0x1: {  	(tag) =	ssettag $0x0;
	lr =	simm.s32 $0x1  }
0x2: {  	[smem:$0x3F87] =	sst lr;
	_ =	strace $0xD0000000  }
0x3: {  	_ = 	snop  }
0x4: {  	_ = 	snop  }
0x5: {  	_ = 	snop  }
0x6: {  	_ = 	snop  }
0x7: {  	_ = 	snop  }
__scs_overlays_trampoline_lowered:
0x8: {  	[smem:$0x3F96] =	sst s0  }
0x9: {  	[smem:$0x3F97] =	sst s1  }
0xa: {  	[smem:$0x3F98] =	sst s2  }
0xb: {  	[smem:$0x3F99] =	sst s3  }
0xc: {  	[smem:$0x3F9A] =	sst s4  }
0xd: {  	[smem:$0x3F9B] =	sst s5  }
0xe: {  	[smem:$0x3F9C] =	sst s6  }
0xf: {  	[smem:$0x3F9D] =	sst s7  }
0x10: {  	[smem:$0x3F9E] =	sst s8  }
0x11: {  	[smem:$0x3F9F] =	sst s9;
	s0 =	simm.s32 @!p0 $0x0  }
0x12: {  	s1 =	sld [smem:$0x3F85];
	s0 =	simm.s32 @p0 $0x1  }
0x13: {  	[smem:$0x3FA0] =	sst s0;
	s0 =	simm.s32 @!p1 $0x0  }
0x14: {  	s2 =	sld [smem:$0x3F84];
	s0 =	simm.s32 @p1 $0x1  }
0x15: {  	[smem:$0x3FA1] =	sst s0;
	s0 =	simm.s32 @!p2 $0x0  }
0x16: {  	s3 =	sld [smem:$0x3FDB];
	s0 =	simm.s32 @p2 $0x1  }
0x17: {  	s4 =	simm.s32 $0x1BF5;
	[smem:$0x3FA3] =	sst s0  }
0x18: {  	s0 =	sld [smem:$0x3F86];
	_ =	swait.ge [sflag:s4], $0x0  }
0x19: {  	s7 =	sld [smem:$0x3F87]  }
0x1a: {  	s8 =	sadd.s32 $0xFFFFE003, lr  }
0x1b: {  	s9 =	sadd.s32 $0xFFFFFEF7, lr;
	s5 =	simm.s32 $0xFFFFFFFF;
	p2 =	slt.u32 s8, $0xFFFFF086  }
0x1c: {  	p1 =	slt.u32 s9, $0xF7A;
	s5 =	simm.s32 @!p2 $0x0  }
0x1d: {  	s5 =	simm.s32 @p1 $0x1;
	p0 =	seq.s32 s7, s2  }
0x1e: {  	s7 =	smul.u32 @!p0 $0xF7A, s2;
	p2 =	seq.s32 @!p0 s5, $0x0  }
0x1f: {  	s9 =	smul.u32 $0xF7A, s1;
	s8 =	simm.s32 @!p0 $0x1BF5;
	p2 =	por !p2, p0  }
0x20: {  	[sflag:s8] =	ssyncset.s32 @!p0 $0xFFFFF086;
	s6 =	sadd.s32 @!p0 s3, s7;
	s7 =	simm.s32 @!p0 $0x108  }
0x21: {  	s3 =	sadd.s32 s3, s9;
	s6 =	sadd.s32 @!p0 $0x88, s6;
	s7 =	simm.s32 @p2 $0x1082  }
0x22: {  	[simem:s7], [sflag:s8] =	dma.local @!p0 [hbm:s6], $0xF7A  }
0x23: {  	s9 =	sor.u32 $0xD0000000, s2;
	s6 =	simm.s32 $0x108;
	_ =	swait.ge @!p0 [sflag:s8], $0x0  }
0x24: {  	s3 =	sadd.s32 $0x88, s3;
	s6 =	simm.s32 @!p1 $0x1082;
	[sflag:s4] =	ssyncset.s32 $0xFFFFF086  }
0x25: {  	[simem:s6], [sflag:s4] =	dma.local [hbm:s3], $0xF7A  }
0x26: {  	[smem:$0x3F87] =	sst s1;
	(tag) =	ssettag s2;
	_ =	strace s9  }
0x27: {  	s1 =	sld [smem:$0x3F97]  }
0x28: {  	s2 =	sld [smem:$0x3F98]  }
0x29: {  	s4 =	sld [smem:$0x3F9A]  }
0x2a: {  	p0 =	seq.s32 s5, $0x0;
	s5 =	sld [smem:$0x3F9B]  }
0x2b: {  	s6 =	sld [smem:$0x3F9C]  }
0x2c: {  	s7 =	sld [smem:$0x3F9D]  }
0x2d: {  	s3 =	simm.s32 $0x108;
	s8 =	sld [smem:$0x3F9E]  }
0x2e: {  	s3 =	simm.s32 @!p0 $0x1082;
	s9 =	sld [smem:$0x3F9F]  }
0x2f: {  	lr =	sadd.s32 s0, s3;
	s0 =	sld [smem:$0x3F96]  }
0x30: {  	s3 =	sld [smem:$0x3F99]  }
0x31: {  	[smem:$0x3FA2] =	sst s10  }
0x32: {  	s10 =	sld [smem:$0x3FA0];
	_ =	sdelay $0x3  }
0x33: {  	p0 =	seq.s32 s10, $0x1;
	s10 =	sld [smem:$0x3FA2];
	_ =	sdelay $0x3  }
0x34: {  	[smem:$0x3FA2] =	sst s10  }
0x35: {  	s10 =	sld [smem:$0x3FA1];
	_ =	sdelay $0x3  }
0x36: {  	p1 =	seq.s32 s10, $0x1;
	s10 =	sld [smem:$0x3FA2];
	_ =	sdelay $0x3  }
0x37: {  	[smem:$0x3FA2] =	sst s10  }
0x38: {  	s10 =	sld [smem:$0x3FA3]  }
0x39: {  	_ = 	snop;
	(pc) =	sbr.ind lr, $3  }
0x3a: {  	_ = 	snop  }
0x3b: {  	_ = 	snop  }
0x3c: {  	p2 =	seq.s32 s10, $0x1;
	s10 =	sld [smem:$0x3FA2]  }
0x3d: {  	_ =	shalt  }
0x3e: {  	_ =	shalt  }
0x3f: {  	_ =	shalt  }
0x40: {  	_ =	shalt  }
0x41: {  	_ =	shalt  }
0x42: {  	_ =	shalt  }
0x43: {  	_ =	shalt  }
0x44: {  	_ =	shalt  }
0x45: {  	_ =	shalt  }
0x46: {  	_ =	shalt  }
0x47: {  	_ =	shalt  }
0x48: {  	_ =	shalt  }
0x49: {  	_ =	shalt  }
0x4a: {  	_ =	shalt  }
0x4b: {  	_ =	shalt  }
0x4c: {  	_ =	shalt  }
0x4d: {  	_ =	shalt  }
0x4e: {  	_ =	shalt  }
0x4f: {  	_ =	shalt  }
0x50: {  	_ =	shalt  }
0x51: {  	_ =	shalt  }
0x52: {  	_ =	shalt  }
0x53: {  	_ =	shalt  }
0x54: {  	_ =	shalt  }
0x55: {  	_ =	shalt  }
0x56: {  	_ =	shalt  }
0x57: {  	_ =	shalt  }
0x58: {  	_ =	shalt  }
0x59: {  	_ =	shalt  }
0x5a: {  	_ =	shalt  }
0x5b: {  	_ =	shalt  }
0x5c: {  	_ =	shalt  }
0x5d: {  	_ =	shalt  }
0x5e: {  	_ =	shalt  }
0x5f: {  	_ =	shalt  }
0x60: {  	_ =	shalt  }
0x61: {  	_ =	shalt  }
0x62: {  	_ =	shalt  }
0x63: {  	_ =	shalt  }
0x64: {  	_ =	shalt  }
0x65: {  	_ =	shalt  }
0x66: {  	_ =	shalt  }
0x67: {  	_ =	shalt  }
0x68: {  	_ =	shalt  }
0x69: {  	_ =	shalt  }
0x6a: {  	_ =	shalt  }
0x6b: {  	_ =	shalt  }
0x6c: {  	_ =	shalt  }
0x6d: {  	_ =	shalt  }
0x6e: {  	_ =	shalt  }
0x6f: {  	_ =	shalt  }
0x70: {  	_ =	shalt  }
0x71: {  	_ =	shalt  }
0x72: {  	_ =	shalt  }
0x73: {  	_ =	shalt  }
0x74: {  	_ =	shalt  }
0x75: {  	_ =	shalt  }
0x76: {  	_ =	shalt  }
0x77: {  	_ =	shalt  }
0x78: {  	_ =	shalt  }
0x79: {  	_ =	shalt  }
0x7a: {  	_ =	shalt  }
0x7b: {  	_ =	shalt  }
0x7c: {  	_ =	shalt  }
0x7d: {  	_ =	shalt  }
0x7e: {  	_ =	shalt  }
0x7f: {  	_ =	shalt  }
0x80: {  	_ =	shalt  }
0x81: {  	_ =	shalt  }
0x82: {  	_ =	shalt  }
0x83: {  	_ =	shalt  }
0x84: {  	_ =	shalt  }
0x85: {  	_ =	shalt  }
0x86: {  	_ =	shalt  }
0x87: {  	_ =	shalt  }
.Lfunc_end0:
.L_simem_size_0:
called_computation_lowered:
.L_overlay_start_0:
0x88: {  	s2 =	sld [smem:$0x3FD9]  }
0x89: {  	s3 =	sld [smem:$0x3FFE];
	_ =	sdelay $0x1  }
0x8a: {  	s1 =	srdreg.scid  }
0x8b: {  	s0 =	sand.u32 $0x1, s1  }
0x8c: {  	s17 =	sshll.u32 s0, $0xA;
	s2 =	sadd.s32 s3, s2  }
0x8d: {  	s2 =	sadd.s32 s2, s17  }
0x8e: {  	[smem:$0x3FAE] =	sst s2  }
0x8f: {  	_ = 	snop  }
0x90: {  	s2 =	sld [smem:$0x3FC8]  }
0x91: {  	s18 =	sld [smem:$0x3FC7];
	(tm) =	ssettm $0x1  }
0x92: {  	s4 =	sld [smem:$0x3FFB];
	_ =	sdelay $0x3  }
0x93: {  	_ =	strace s4  }
0x94: {  	s4 =	sld [smem:$0x3FFC];
	_ =	sdelay $0x3  }
0x95: {  	_ =	strace s4  }
0x96: {  	s4 =	sld [smem:$0x3FFD];
	_ =	sdelay $0x3  }
0x97: {  	_ =	strace s4  }
0x98: {  	_ =	strace $0x8FFFFFFF  }
0x99: {  	s19 =	sld [smem:$0x3FDB];
	_ =	sdelay $0x1  }
0x9a: {  	s5 =	simm.s32 $_scs_section_size  }
0x9b: {  	s6 =	simm.s32 $_size__tile_overlayer_lowered;
	s7 =	simm.s32 $_tile_overlayer_lowered  }
0x9c: {  	s22 =	simm.s32 $0x1BFF;
	s21 =	sshll.u32 s7, $0x1;
	s4 =	sadd.s32 s5, s19  }
0x9d: {  	s8 =	simm.s32 $0x0;
	s20 =	sshll.u32 s6, $0x1;
	s6 =	sadd.s32 s21, s4  }
0x9e: {  	[timem:s8], [sflag:s22] =	dma.local [hbm:s6], s20  }
0x9f: {  	_ =	swait.ge [sflag:s22], s20  }
0xa0: {  	s5 =	ssub.s32 $0x0, s20;
	[sflag:s22] =	ssyncset.done $0x0  }
0xa1: {  	[sflag:s22] =	ssyncadd.s32 s5;
	_ =	sdelay $0x1  }
0xa2: {  	s23 =	simm.s32 $0x1B8B  }
0xa3: {  	_ =	swait.ge [sflag:s23], $0x1  }
0xa4: {  	[sflag:s23] =	ssyncset.done $0x0  }
0xa5: {  	s25 =	simm.s32 $0x1B8E;
	s24 =	sld [smem:$0x3FFE];
	[sflag:s23] =	ssyncadd.s32 $0xFFFFFFFF  }
0xa6: {  	s26 =	simm.s32 $execute0_lowered;
	[smem:$0x3FD2] =	sst s25  }
0xa7: {  	s6 =	sshll.u32 s26, $0x1;
	_ =	strace $0x80000046;
	[dreg:$0x1] =	wrdreg $0xFFFFFFFF  }
0xa8: {  	s28 =	simm.s32 $_size_execute0_lowered;
	s4 =	sadd.s32 s4, s6;
	[dreg:$0x0] =	wrdreg $0x0  }
0xa9: {  	s6 =	sshll.u32 s28, $0x1;
	[dreg:$0x2] =	wrdreg s4  }
0xaa: {  	[dreg:$0x3] =	wrdreg s6  }
0xab: {  	[dreg:$0x4] =	wrdreg $0xC0  }
0xac: {  	_ =	task [dreg:s8], $0x5FFFF  }
0xad: {  	[dreg:$0x1] =	wrdreg $0xFFFFFFFF  }
0xae: {  	[dreg:$0x0] =	wrdreg $0x60  }
0xaf: {  	[dreg:$0x2] =	wrdreg s24  }
0xb0: {  	[dreg:$0x3] =	wrdreg s2  }
0xb1: {  	[dreg:$0x4] =	wrdreg s18  }
0xb2: {  	[dreg:$0x5] =	wrdreg $0x9  }
0xb3: {  	_ =	task.clear_ibuf [dreg:s8], $0x6FFFF;
	_ =	strace $0x90000046  }
0xb4: {  	s29 =	simm.s32 $0x9;
	_ =	strace $0x80000048  }
0xb5: {  	_ =	swait.ge [sflag:s29], $0x1  }
0xb6: {  	[sflag:s29] =	ssyncadd.s32 $0xFFFFFFFF  }
0xb7: {  	_ =	strace $0x90000048  }
0xb8: {  	_ =	sfence  }
0xb9: {  	s30 =	sld [smem:$0x0];
	_ =	sdelay $0x2  }
0xba: {  	s31 =	sshll.u32 s1, $0xD;
	s1 =	sshrl.u32 s1, $0x2  }
0xbb: {  	s3 =	sand.u32 $0x4000, s31;
	s1 =	sadd.s32 s1, s30  }
0xbc: {  	s0 =	sor.u32 s3, s0;
	s1 =	sshll.u32 s1, $0x11  }
0xbd: {  	s0 =	sor.u32 s1, s0  }
0xbe: {  	s0 =	sadd.s32 $0x8F2B, s0  }
0xbf: {  	[sflag:s0] =	ssyncadd.remote.s32 $0x1  }
0xc0: {  	_ =	sfence.sel $0xFFFF  }
0xc1: {  	[dreg:$0x0] =	wrdreg $0xFFFFFFFF;
	(pc) =	sbr.abs _section_cstart, $3  }
0xc2: {  	[dreg:$0x1] =	wrdreg $0xFFFFFFFF  }
0xc3: {  	_ =	task.clear_ibuf [dreg:s8], $0x2FFFF;
	_ =	strace $0x9FFFFFFF  }
0xc4: {  	(tm) =	ssettm $0x7FFFFFFF  }
0xc5: {  	_ =	shalt  }
tec
execute0_lowered:
.L_overlay_start_1:
0x0: {  	(tag) =	ssettag $0x1  }
0x1: {  	s3 =	rddreg [dreg:$0x0]  }
0x2: {  	s7 =	rddreg [dreg:$0x1]  }
0x3: {  	s8 =	rddreg [dreg:$0x2]  }
0x4: {  	s0 =	stileid.u32;
	s1 =	rddreg [dreg:$0x3];
	s2 =	simm.s32 $0x0  }
0x5: {  	s24 =	srdreg.scid;
	s15 =	simm.s32 $0x80;
	s16 =	simm.s32 $0x4000  }
0x6: {  	s17 =	simm.s32 $0x4800;
	s18 =	simm.s32 $0x7800;
	s19 =	simm.s32 $0x9800  }
0x7: {  	s20 =	simm.s32 $0x1;
	s21 =	simm.s32 $0x7000;
	s22 =	simm.s32 $0x5000  }
0x8: {  	s23 =	simm.s32 $0x2;
	s4 =	sshll.u32 s0, $0x9;
	s5 =	sshll.u32 s0, $0xD  }
0x9: {  	[smem:$0x7FF] =	sst s2;
	s9 =	sand.u32 $0x1, s24;
	s26 =	sshll.u32 s0, $0x1  }
0xa: {  	s24 =	simm.s32 $0x0;
	s4 =	sor.u32 s4, s5;
	_ =	strace $0x80000047  }
0xb: {  	s10 =	sshll.u32 s9, $0x11;
	s28 =	ssub.s32 $0x2, s9;
	s30 =	sshll.u32 s9, $0xA  }
0xc: {  	s14 =	sshll.u32 s9, $0x5;
	s4 =	sand.u32 $0x1C200, s4;
	s29 =	sshrl.u32 s28, $0x1  }
0xd: {  	s7 =	sadd.s32 s7, s30;
	s8 =	sadd.s32 s8, s30;
	s6 =	sshrl.u32 s4, $0x3  }
0xe: {  	s4 =	sor.u32 s10, s4;
	s25 =	sadd.s32 s6, s3;
	s6 =	sand.u32 $0x10, s26  }
0xf: {  	s13 =	ssub.s32 s28, s29;
	s4 =	sshrl.u32 s4, $0x3;
	s11 =	sadd.s32 s6, s3  }
0x10: {  	s12 =	sadd.s32 s4, s3;
	s3 =	sadd.s32 $0x6C00, s25;
	s4 =	sadd.s32 $0xAC00, s25  }
0x11: {  	s5 =	sadd.s32 $0xEC00, s11;
	s6 =	sadd.s32 $0xEC20, s11;
	s9 =	sadd.s32 $0xF400, s12  }
0x12: {  	s31 =	sadd.s32 s14, s11;
	s11 =	smax.u32 s13, $0x1;
	s12 =	simm.s32 $0x200  }
0x13: {  	v0 =	vimm.f32 $0.0e+00;
	s13 =	simm.s32 $0x400;
	s14 =	simm.s32 $0x2000;
	s10 =	sadd.s32 $0x17400, s31  }
.LBB2_1:
0x14: {  	[tilespmem:s2], [sflag:$0x1] =	stream.strided.gather [hbm4b:s3+s12], $0x2000, s13, s12, $0x38;
	[tilespmem:$0xB800] =	vst v63  }
0x15: {  	_ = 	snop  }
0x16: {  	[tilespmem:s14], [sflag:$0x1] =	stream.strided.gather [hbm4b:s4+s12], $0x2000, s13, s12, $0x38;
	[tilespmem:$0xB800] =	vst v63  }
0x17: {  	_ = 	snop  }
0x18: {  	[tilespmem:s16], [sflag:$0x1] =	stream.strided.gather [hbm4b:s5+s15], $0x800, s13, s15, $0x38;
	[tilespmem:$0xB800] =	vst v63  }
0x19: {  	_ = 	snop  }
0x1a: {  	[tilespmem:s17], [sflag:$0x1] =	stream.strided.gather [hbm4b:s6+s15], $0x800, s13, s15, $0x38;
	[tilespmem:$0xB800] =	vst v63  }
0x1b: {  	_ = 	snop  }
0x1c: {  	[tilespmem:s18], [sflag:$0x1] =	stream.linear.gather [hbm4b:s7+s2], $0x2000, $0x38;
	[tilespmem:$0xB800] =	vst v63  }
0x1d: {  	s25 =	simm.s32 $0x5100  }
0x1e: {  	[tilespmem:s19], [sflag:$0x1] =	stream.linear.gather [hbm4b:s8+s2], $0x2000, $0x38;
	[tilespmem:$0xB800] =	vst v63  }
0x1f: {  	[tilespmem:s25+$0x80] =	vst v0  }
0x20: {  	[tilespmem:s25+$0xFFFFFF00] =	vst v0  }
0x21: {  	[tilespmem:s25+$0xF0] =	vst v0  }
0x22: {  	[tilespmem:s25+$0x70] =	vst v0  }
0x23: {  	[tilespmem:s25+$0xFFFFFFF0] =	vst v0  }
0x24: {  	[tilespmem:s25+$0xFFFFFF70] =	vst v0  }
0x25: {  	[tilespmem:s25+$0xD0] =	vst v0  }
0x26: {  	[tilespmem:s25+$0xE0] =	vst v0  }
0x27: {  	[tilespmem:s25+$0x60] =	vst v0  }
0x28: {  	[tilespmem:s25+$0xFFFFFFE0] =	vst v0  }
0x29: {  	[tilespmem:s25+$0xFFFFFF60] =	vst v0  }
0x2a: {  	[tilespmem:s25+$0x50] =	vst v0  }
0x2b: {  	[tilespmem:s25+$0xFFFFFFD0] =	vst v0  }
0x2c: {  	[tilespmem:s25+$0xFFFFFF50] =	vst v0  }
0x2d: {  	[tilespmem:s25+$0x90] =	vst v0  }
0x2e: {  	[tilespmem:s25+$0xA0] =	vst v0  }
0x2f: {  	[tilespmem:s25+$0xB0] =	vst v0  }
0x30: {  	[tilespmem:s25+$0xC0] =	vst v0  }
0x31: {  	[tilespmem:s25+$0x40] =	vst v0  }
0x32: {  	[tilespmem:s25+$0xFFFFFFC0] =	vst v0  }
0x33: {  	[tilespmem:s25+$0xFFFFFF40] =	vst v0  }
0x34: {  	[tilespmem:s25+$0x30] =	vst v0  }
0x35: {  	[tilespmem:s25+$0xFFFFFFB0] =	vst v0  }
0x36: {  	[tilespmem:s25+$0xFFFFFF30] =	vst v0  }
0x37: {  	[tilespmem:s25+$0x20] =	vst v0  }
0x38: {  	[tilespmem:s25+$0xFFFFFFA0] =	vst v0  }
0x39: {  	[tilespmem:s25+$0xFFFFFF20] =	vst v0  }
0x3a: {  	[tilespmem:s25+$0x10] =	vst v0  }
0x3b: {  	[tilespmem:s25+$0xFFFFFF90] =	vst v0  }
0x3c: {  	[tilespmem:s25+$0xFFFFFF10] =	vst v0  }
0x3d: {  	[tilespmem:s25+$0x0] =	vst v0  }
0x3e: {  	s26 =	simm.s32 $0x7040;
	[tilespmem:s25+$0xFFFFFF80] =	vst v0  }
0x3f: {  	[tilespmem:s26+$0x30] =	vst v0  }
0x40: {  	[tilespmem:s26+$0x20] =	vst v0  }
0x41: {  	[tilespmem:s26+$0x10] =	vst v0  }
0x42: {  	[tilespmem:s26+$0x0] =	vst v0  }
0x43: {  	[tilespmem:s26+$0xFFFFFFF0] =	vst v0  }
0x44: {  	[tilespmem:s26+$0xFFFFFFE0] =	vst v0  }
0x45: {  	s28 =	simm.s32 $0x0;
	[tilespmem:s26+$0xFFFFFFD0] =	vst v0  }
.LBB2_2:
0x46: {  	s28 =	sadd.s32 $0x8, s28;
	[tilespmem:s26+$0xFFFFFFC0] =	vst v0;
	s25 =	sadd.s32 $0x200, s25;
	s26 =	sadd.s32 $0x80, s26  }
0x47: {  	[tilespmem:s25+$0x80] =	vst v0;
	p0 =	slt.u32 s28, $0x78  }
0x48: {  	[tilespmem:s25+$0xFFFFFF00] =	vst v0  }
0x49: {  	[tilespmem:s25+$0xF0] =	vst v0  }
0x4a: {  	[tilespmem:s25+$0x70] =	vst v0  }
0x4b: {  	[tilespmem:s25+$0xFFFFFFF0] =	vst v0  }
0x4c: {  	[tilespmem:s25+$0xFFFFFF70] =	vst v0  }
0x4d: {  	[tilespmem:s26+$0x30] =	vst v0  }
0x4e: {  	[tilespmem:s25+$0xD0] =	vst v0  }
0x4f: {  	[tilespmem:s25+$0xE0] =	vst v0  }
0x50: {  	[tilespmem:s25+$0x60] =	vst v0  }
0x51: {  	[tilespmem:s25+$0xFFFFFFE0] =	vst v0  }
0x52: {  	[tilespmem:s25+$0xFFFFFF60] =	vst v0  }
0x53: {  	[tilespmem:s26+$0x20] =	vst v0  }
0x54: {  	[tilespmem:s25+$0x50] =	vst v0  }
0x55: {  	[tilespmem:s25+$0xFFFFFFD0] =	vst v0  }
0x56: {  	[tilespmem:s25+$0xFFFFFF50] =	vst v0  }
0x57: {  	[tilespmem:s26+$0x10] =	vst v0  }
0x58: {  	[tilespmem:s25+$0x90] =	vst v0  }
0x59: {  	[tilespmem:s25+$0xA0] =	vst v0  }
0x5a: {  	[tilespmem:s25+$0xB0] =	vst v0  }
0x5b: {  	[tilespmem:s25+$0xC0] =	vst v0  }
0x5c: {  	[tilespmem:s25+$0x40] =	vst v0  }
0x5d: {  	[tilespmem:s25+$0xFFFFFFC0] =	vst v0  }
0x5e: {  	[tilespmem:s25+$0xFFFFFF40] =	vst v0  }
0x5f: {  	[tilespmem:s26+$0x0] =	vst v0  }
0x60: {  	[tilespmem:s25+$0x30] =	vst v0  }
0x61: {  	[tilespmem:s25+$0xFFFFFFB0] =	vst v0  }
0x62: {  	[tilespmem:s25+$0xFFFFFF30] =	vst v0  }
0x63: {  	[tilespmem:s26+$0xFFFFFFF0] =	vst v0  }
0x64: {  	[tilespmem:s25+$0x20] =	vst v0  }
0x65: {  	[tilespmem:s25+$0xFFFFFFA0] =	vst v0  }
0x66: {  	[tilespmem:s25+$0xFFFFFF20] =	vst v0  }
0x67: {  	[tilespmem:s26+$0xFFFFFFE0] =	vst v0  }
0x68: {  	[tilespmem:s25+$0x10] =	vst v0  }
.Ltmp0:
0x69: {  	[tilespmem:s25+$0xFFFFFF90] =	vst v0;
	(pc) =	sbr.rel @p0 .LBB2_2-.Ltmp0, $4  }
0x6a: {  	[tilespmem:s25+$0xFFFFFF10] =	vst v0  }
0x6b: {  	[tilespmem:s26+$0xFFFFFFD0] =	vst v0  }
0x6c: {  	[tilespmem:s25+$0x0] =	vst v0  }
0x6d: {  	[tilespmem:s25+$0xFFFFFF80] =	vst v0  }
0x6e: {  	[tilespmem:s26+$0xFFFFFFC0] =	vst v0  }
0x6f: {  	_ =	swait.ge [sflag:s20], $0x2000  }
0x70: {  	[sflag:s20] =	ssyncset.done $0x0  }
0x71: {  	[sflag:s20] =	ssyncadd.s32 $0xFFFFE000  }
0x72: {  	_ =	swait.ge [sflag:s20], $0x2000  }
0x73: {  	[sflag:s20] =	ssyncset.done $0x0  }
0x74: {  	[sflag:s20] =	ssyncadd.s32 $0xFFFFE000  }
0x75: {  	_ =	swait.ge [sflag:s20], $0x800  }
0x76: {  	[sflag:s20] =	ssyncset.done $0x0  }
0x77: {  	[sflag:s20] =	ssyncadd.s32 $0xFFFFF800  }
0x78: {  	_ =	swait.ge [sflag:s20], $0x800  }
0x79: {  	[sflag:s20] =	ssyncset.done $0x0  }
0x7a: {  	[sflag:s20] =	ssyncadd.s32 $0xFFFFF800  }
0x7b: {  	_ =	swait.ge [sflag:s20], $0x2000  }
0x7c: {  	[sflag:s20] =	ssyncset.done $0x0  }
0x7d: {  	[sflag:s20] =	ssyncadd.s32 $0xFFFFE000  }
0x7e: {  	_ =	swait.ge [sflag:s20], $0x2000  }
0x7f: {  	[sflag:s20] =	ssyncset.done $0x0  }
0x80: {  	s25 =	simm.s32 $0x0;
	[sflag:s20] =	ssyncadd.s32 $0xFFFFE000  }
0x81: {  	v1 =	vld [tilespmem:s25+$0x7800]  }
0x82: {  	v2 =	vld [tilespmem:s25+$0x9800];
	_ =	sdelay $0x6  }
0x83: {  	v3 =	vld.idx.msk [tilespmem:v1+s16+$0x0], $0xffff  }
0x84: {  	v4 =	vld.idx.msk [tilespmem:v2+s17+$0x0], $0xffff;
	_ =	sdelay $0x4  }
0x85: {  	s28 =	simm.s32 $0x10;
	v3 =	vadd.f32 v4, v3  }
0x86: {  	v6 =	vld [tilespmem:s28+$0x9800]  }
0x87: {  	v4 =	vld [tilespmem:s28+$0x7800];
	v3 =	vmul.f32 $1.442695020e+00, v3;
	_ =	sdelay $0x1  }
0x88: {  	(erf) = vpow2.f32 v3;
	_ =	sdelay $0x2  }
0x89: {  	v3 =	vshll.u32 v1, $0x2  }
0x8a: {  	v1 =	vand.u32 $0x7F, v1;
	v3 =	vand.u32 $0xFFFFFE00, v3  }
0x8b: {  	v5 =	vshll.u32 v2, $0x2;
	v13 =	vor.u32 v1, v3;
	v3 =	vld.idx.msk [tilespmem:v6+s17+$0x0], $0xffff  }
0x8c: {  	v8 =	vand.u32 $0x7F, v2;
	v5 =	vand.u32 $0xFFFFFE00, v5;
	v7 =	vld.idx.msk [tilespmem:v4+s16+$0x0], $0xffff  }
0x8d: {  	s29 =	simm.s32 $0x20;
	v18 =	vor.u32 v8, v5  }
0x8e: {  	v9 =	vld [tilespmem:s29+$0x9800]  }
0x8f: {  	v8 =	vld [tilespmem:s29+$0x7800];
	v1 =	vpop (erf)  }
0x90: {  	[tilespmem:v2+s21+$0x0] =	vst.idx.add.f32.msk $0xffff, v1  }
0x91: {  	v3 =	vadd.f32 v3, v7;
	v2 =	vld.idx.msk [tilespmem:v13+s2+$0x0], $0xffff  }
0x92: {  	v5 =	vld.idx.msk [tilespmem:v18+s14+$0x0], $0xffff  }
0x93: {  	v3 =	vmul.f32 $1.442695020e+00, v3;
	_ =	sdelay $0x1  }
0x94: {  	(erf) = vpow2.f32 v3  }
0x95: {  	v10 =	vshll.u32 v6, $0x2  }
0x96: {  	v11 =	vand.u32 $0x7F, v6;
	v10 =	vand.u32 $0xFFFFFE00, v10;
	v2 =	vadd.f32 v5, v2  }
0x97: {  	v14 =	vld.idx.msk [tilespmem:v9+s17+$0x0], $0xffff;
	v7 =	vor.u32 $0x80, v13;
	v3 =	vor.u32 $0x80, v18;
	v5 =	vshll.u32 v4, $0x2  }
0x98: {  	s30 =	simm.s32 $0x30;
	v12 =	vld.idx.msk [tilespmem:v8+s16+$0x0], $0xffff;
	v4 =	vand.u32 $0x7F, v4;
	v5 =	vand.u32 $0xFFFFFE00, v5;
	v2 =	vmax.f32 v2, $0.0e+00  }
0x99: {  	v4 =	vor.u32 v4, v5;
	v5 =	vor.u32 v11, v10;
	v11 =	vld [tilespmem:s30+$0x7800];
	v2 =	vmul.f32 v2, v1  }
0x9a: {  	v10 =	vld [tilespmem:s30+$0x9800]  }
0x9b: {  	[tilespmem:v18+s22+$0x0] =	vst.idx.add.f32.msk $0xffff, v2  }
0x9c: {  	v15 =	vld.idx.msk [tilespmem:v3+s14+$0x0], $0xffff  }
0x9d: {  	v7 =	vld.idx.msk [tilespmem:v7+s2+$0x0], $0xffff;
	v2 =	vpop (erf)  }
0x9e: {  	[tilespmem:v6+s21+$0x0] =	vst.idx.add.f32.msk $0xffff, v2  }
0x9f: {  	v6 =	vld.idx.msk [tilespmem:v4+s2+$0x0], $0xffff  }
0xa0: {  	v16 =	vld.idx.msk [tilespmem:v5+s14+$0x0], $0xffff  }
0xa1: {  	v12 =	vadd.f32 v14, v12  }
0xa2: {  	v7 =	vadd.f32 v15, v7  }
0xa3: {  	s31 =	simm.s32 $0x40;
	v28 =	vor.u32 $0x100, v18;
	v14 =	vmul.f32 $1.442695020e+00, v12  }
0xa4: {  	v12 =	vld [tilespmem:s31+$0x7800];
	v15 =	vor.u32 $0x100, v13;
	v7 =	vmax.f32 v7, $0.0e+00  }
0xa5: {  	(erf) = vpow2.f32 v14;
	v19 =	vld.idx.msk [tilespmem:v11+s16+$0x0], $0xffff;
	v7 =	vmul.f32 v7, v1;
	v6 =	vadd.f32 v16, v6  }
0xa6: {  	v14 =	vor.u32 $0x80, v5;
	v21 =	vld.idx.msk [tilespmem:v10+s17+$0x0], $0xffff  }
0xa7: {  	[tilespmem:v3+s22+$0x0] =	vst.idx.add.f32.msk $0xffff, v7;
	v3 =	vmax.f32 v6, $0.0e+00  }
0xa8: {  	v6 =	vor.u32 $0x80, v4;
	v17 =	vld.idx.msk [tilespmem:v28+s14+$0x0], $0xffff;
	v3 =	vmul.f32 v3, v2  }
0xa9: {  	v16 =	vshll.u32 v9, $0x2;
	v7 =	vshll.u32 v8, $0x2;
	v8 =	vand.u32 $0x7F, v8;
	v15 =	vld.idx.msk [tilespmem:v15+s2+$0x0], $0xffff  }
0xaa: {  	v7 =	vand.u32 $0xFFFFFE00, v7;
	[tilespmem:v5+s22+$0x0] =	vst.idx.add.f32.msk $0xffff, v3;
	v3 =	vand.u32 $0xFFFFFE00, v16;
	v16 =	vand.u32 $0x7F, v9  }
0xab: {  	s25 =	simm.s32 $0x50;
	v7 =	vor.u32 v8, v7;
	v23 =	vld.idx.msk [tilespmem:v14+s14+$0x0], $0xffff;
	v8 =	vor.u32 v16, v3;
	v3 =	vshll.u32 v11, $0x2  }
0xac: {  	v16 =	vld [tilespmem:s25+$0x7800]  }
0xad: {  	v6 =	vld.idx.msk [tilespmem:v6+s2+$0x0], $0xffff  }
0xae: {  	v27 =	vadd.f32 v21, v19;
	v19 =	vld [tilespmem:s31+$0x9800];
	v20 =	vand.u32 $0xFFFFFE00, v3;
	v25 =	vadd.f32 v17, v15;
	v3 =	vpop (erf)  }
0xaf: {  	v22 =	vshll.u32 v12, $0x2;
	v18 =	vor.u32 $0x180, v18;
	v21 =	vor.u32 $0x180, v13;
	[tilespmem:v9+s21+$0x0] =	vst.idx.add.f32.msk $0xffff, v3  }
0xb0: {  	v27 =	vmul.f32 $1.442695020e+00, v27;
	v17 =	vor.u32 $0x100, v4;
	v26 =	vmax.f32 v25, $0.0e+00;
	v24 =	vld.idx.msk [tilespmem:v7+s2+$0x0], $0xffff  }
0xb1: {  	v15 =	vand.u32 $0xFFFFFE00, v22;
	v22 =	vshll.u32 v10, $0x2;
	v25 =	vld.idx.msk [tilespmem:v8+s14+$0x0], $0xffff;
	v29 =	vmul.f32 v26, v1  }
0xb2: {  	v22 =	vand.u32 $0xFFFFFE00, v22;
	v13 =	vshll.u32 v16, $0x2;
	v26 =	vadd.f32 v23, v6  }
0xb3: {  	s26 =	simm.s32 $0x180;
	v9 =	vor.u32 $0x100, v7;
	v23 =	vand.u32 $0xFFFFFE00, v13;
	v13 =	vor.u32 $0x100, v5;
	v6 =	vmovc v18;
	[tilespmem:v28+s22+$0x0] =	vst.idx.add.f32.msk $0xffff, v29  }
.LBB2_4:
0xb4: {  	s28 =	sshra.s32 s26, $0x2;
	p0 =	sne.s32 s26, $0x7FC0;
	s26 =	sadd.s32 $0x40, s26;
	v28 =	vld.idx.msk [tilespmem:v12+s16+$0x0], $0xffff;
	v26 =	vmax.f32 v26, $0.0e+00  }
0xb5: {  	(erf) = vpow2.f32 v27;
	v26 =	vmul.f32 v26, v2;
	v18 =	vld.idx.msk [tilespmem:v18+s14+$0x0], $0xffff  }
0xb6: {  	v24 =	vadd.f32 v25, v24;
	v27 =	vshll.u32 v19, $0x2;
	v21 =	vld.idx.msk [tilespmem:v21+s2+$0x0], $0xffff  }
0xb7: {  	v25 =	vand.u32 $0xFFFFFE00, v27;
	[tilespmem:v14+s22+$0x0] =	vst.idx.add.f32.msk $0xffff, v26;
	v14 =	vor.u32 $0x80, v8  }
0xb8: {  	v24 =	vmax.f32 v24, $0.0e+00;
	v26 =	vor.u32 $0x80, v7;
	v27 =	vld.idx.msk [tilespmem:v13+s14+$0x0], $0xffff  }
0xb9: {  	v24 =	vmul.f32 v24, v3;
	v29 =	vld.idx.msk [tilespmem:v17+s2+$0x0], $0xffff;
	v17 =	vmov v9  }
0xba: {  	v9 =	vand.u32 $0x7F, v11;
	v11 =	vmov v12;
	v12 =	vmov v16;
	v30 =	vld.idx.msk [tilespmem:v19+s17+$0x0], $0xffff  }
0xbb: {  	v16 =	vand.u32 $0x7F, v10;
	v31 =	vor.u32 v9, v20;
	v20 =	vmovc v15;
	v15 =	vmov v23;
	[tilespmem:v8+s22+$0x0] =	vst.idx.add.f32.msk $0xffff, v24  }
0xbc: {  	v23 =	vor.u32 v16, v22;
	v22 =	vmovc v25;
	v9 =	vor.u32 $0x100, v31;
	v18 =	vadd.f32 v18, v21;
	v32 =	vld.idx.msk [tilespmem:v14+s14+$0x0], $0xffff  }
0xbd: {  	v26 =	vld.idx.msk [tilespmem:v26+s2+$0x0], $0xffff  }
0xbe: {  	v18 =	vmax.f32 v18, $0.0e+00;
	v16 =	vld [tilespmem:s28+$0x7800];
	v21 =	vpop (erf)  }
0xbf: {  	v27 =	vadd.f32 v27, v29;
	v29 =	vmul.f32 v18, v1;
	v1 =	vmov v2;
	[tilespmem:v10+s21+$0x0] =	vst.idx.add.f32.msk $0xffff, v21  }
.Ltmp1:
0xc0: {  	v2 =	vmov v3;
	v3 =	vmov v21;
	v10 =	vmov v19;
	v24 =	vld.idx.msk [tilespmem:v31+s2+$0x0], $0xffff;
	(pc) =	sbr.rel @p0 .LBB2_4-.Ltmp1, $4  }
0xc1: {  	v18 =	vor.u32 $0x180, v5;
	v5 =	vmovc v8;
	v8 =	vmov v23;
	v21 =	vmax.f32 v27, $0.0e+00;
	v25 =	vld.idx.msk [tilespmem:v23+s14+$0x0], $0xffff  }
0xc2: {  	v27 =	vadd.f32 v30, v28;
	v28 =	vmul.f32 v21, v1;
	v21 =	vor.u32 $0x180, v4;
	v4 =	vmovc v7;
	v7 =	vmovc v31;
	v19 =	vld [tilespmem:s25+$0x9800];
	s25 =	smov.u32 s28  }
0xc3: {  	v26 =	vadd.f32 v32, v26;
	v23 =	vshll.u32 v16, $0x2;
	[tilespmem:v6+s22+$0x0] =	vst.idx.add.f32.msk $0xffff, v29;
	v6 =	vmov v18  }
0xc4: {  	v27 =	vmul.f32 $1.442695020e+00, v27;
	v23 =	vand.u32 $0xFFFFFE00, v23;
	[tilespmem:v13+s22+$0x0] =	vst.idx.add.f32.msk $0xffff, v28;
	v13 =	vor.u32 $0x100, v5  }
0xc5: {  	_ = 	snop  }
0xc6: {  	v28 =	vld [tilespmem:s25+$0x9800];
	_ =	sdelay $0x3  }
0xc7: {  	v29 =	vld.idx.msk [tilespmem:v12+s16+$0x0], $0xffff  }
0xc8: {  	v30 =	vld.idx.msk [tilespmem:v19+s17+$0x0], $0xffff;
	_ =	sdelay $0x1  }
0xc9: {  	v31 =	vld.idx.msk [tilespmem:v16+s16+$0x0], $0xffff  }
0xca: {  	v32 =	vld.idx.msk [tilespmem:v28+s17+$0x0], $0xffff;
	_ =	sdelay $0x1  }
0xcb: {  	v29 =	vadd.f32 v30, v29  }
0xcc: {  	(erf) = vpow2.f32 v27  }
0xcd: {  	v26 =	vmax.f32 v26, $0.0e+00;
	v34 =	vmul.f32 $1.442695020e+00, v29  }
0xce: {  	v18 =	vld.idx.msk [tilespmem:v18+s14+$0x0], $0xffff;
	v24 =	vadd.f32 v25, v24;
	v36 =	vmul.f32 v26, v2;
	v35 =	vadd.f32 v32, v31  }
0xcf: {  	v47 =	vor.u32 $0x80, v8;
	v21 =	vld.idx.msk [tilespmem:v21+s2+$0x0], $0xffff;
	(erf) = vpow2.f32 v34  }
0xd0: {  	v49 =	vor.u32 $0x80, v7;
	v24 =	vmax.f32 v24, $0.0e+00;
	[tilespmem:v14+s22+$0x0] =	vst.idx.add.f32.msk $0xffff, v36;
	v37 =	vmul.f32 $1.442695020e+00, v35  }
0xd1: {  	v11 =	vand.u32 $0x7F, v11;
	v25 =	vld.idx.msk [tilespmem:v13+s14+$0x0], $0xffff;
	v24 =	vmul.f32 v24, v3  }
0xd2: {  	v38 =	vand.u32 $0x7F, v10;
	v20 =	vor.u32 v11, v20;
	v17 =	vld.idx.msk [tilespmem:v17+s2+$0x0], $0xffff;
	(erf) = vpow2.f32 v37  }
0xd3: {  	v14 =	vor.u32 v38, v22;
	[tilespmem:v8+s22+$0x0] =	vst.idx.add.f32.msk $0xffff, v24  }
0xd4: {  	v40 =	vand.u32 $0x7F, v12;
	v39 =	vshll.u32 v19, $0x2;
	v53 =	vld.idx.msk [tilespmem:v47+s14+$0x0], $0xffff  }
0xd5: {  	v12 =	vor.u32 v40, v15;
	v41 =	vand.u32 $0x7F, v19;
	v22 =	vand.u32 $0xFFFFFE00, v39;
	v27 =	vld.idx.msk [tilespmem:v49+s2+$0x0], $0xffff;
	v11 =	vpop (erf)  }
0xd6: {  	v15 =	vor.u32 v41, v22;
	[tilespmem:v10+s21+$0x0] =	vst.idx.add.f32.msk $0xffff, v11  }
0xd7: {  	v44 =	vand.u32 $0x7F, v16;
	v43 =	vshll.u32 v28, $0x2;
	v42 =	vld.idx.msk [tilespmem:v20+s2+$0x0], $0xffff  }
0xd8: {  	v16 =	vor.u32 v44, v23;
	v46 =	vand.u32 $0x7F, v28;
	v24 =	vand.u32 $0xFFFFFE00, v43;
	v45 =	vld.idx.msk [tilespmem:v14+s14+$0x0], $0xffff;
	v10 =	vpop (erf)  }
0xd9: {  	[tilespmem:v19+s21+$0x0] =	vst.idx.add.f32.msk $0xffff, v10;
	v19 =	vor.u32 v46, v24  }
0xda: {  	v17 =	vadd.f32 v25, v17;
	v48 =	vld.idx.msk [tilespmem:v12+s2+$0x0], $0xffff  }
0xdb: {  	v4 =	vor.u32 $0x180, v4;
	v50 =	vld.idx.msk [tilespmem:v15+s14+$0x0], $0xffff;
	v30 =	vpop (erf)  }
0xdc: {  	v17 =	vmax.f32 v17, $0.0e+00;
	v27 =	vadd.f32 v53, v27;
	[tilespmem:v28+s21+$0x0] =	vst.idx.add.f32.msk $0xffff, v30  }
0xdd: {  	v17 =	vmul.f32 v17, v2;
	v22 =	vadd.f32 v45, v42;
	v51 =	vld.idx.msk [tilespmem:v16+s2+$0x0], $0xffff  }
0xde: {  	v52 =	vor.u32 $0x80, v14;
	v27 =	vmax.f32 v27, $0.0e+00;
	v28 =	vld.idx.msk [tilespmem:v19+s14+$0x0], $0xffff  }
0xdf: {  	v54 =	vor.u32 $0x80, v20;
	[tilespmem:v13+s22+$0x0] =	vst.idx.add.f32.msk $0xffff, v17;
	v27 =	vmul.f32 v27, v3;
	v22 =	vmax.f32 v22, $0.0e+00  }
0xe0: {  	v4 =	vld.idx.msk [tilespmem:v4+s2+$0x0], $0xffff;
	v22 =	vmul.f32 v22, v11;
	v24 =	vadd.f32 v50, v48  }
0xe1: {  	v55 =	vor.u32 $0x80, v15;
	[tilespmem:v47+s22+$0x0] =	vst.idx.add.f32.msk $0xffff, v27  }
0xe2: {  	v57 =	vor.u32 $0x80, v12;
	[tilespmem:v14+s22+$0x0] =	vst.idx.add.f32.msk $0xffff, v22;
	v56 =	vmax.f32 v24, $0.0e+00  }
0xe3: {  	v58 =	vld.idx.msk [tilespmem:v52+s14+$0x0], $0xffff;
	v17 =	vmul.f32 v56, v10;
	v25 =	vadd.f32 v28, v51  }
0xe4: {  	v60 =	vor.u32 $0x80, v19;
	v59 =	vld.idx.msk [tilespmem:v54+s2+$0x0], $0xffff  }
0xe5: {  	v62 =	vor.u32 $0x80, v16;
	[tilespmem:v15+s22+$0x0] =	vst.idx.add.f32.msk $0xffff, v17;
	v61 =	vmax.f32 v25, $0.0e+00  }
0xe6: {  	v5 =	vor.u32 $0x180, v5;
	v63 =	vld.idx.msk [tilespmem:v55+s14+$0x0], $0xffff;
	v17 =	vmul.f32 v61, v30  }
0xe7: {  	v22 =	vld.idx.msk [tilespmem:v57+s2+$0x0], $0xffff  }
0xe8: {  	v35 =	vor.u32 $0x100, v8;
	[tilespmem:v19+s22+$0x0] =	vst.idx.add.f32.msk $0xffff, v17  }
0xe9: {  	v24 =	vadd.f32 v58, v59;
	v36 =	vld.idx.msk [tilespmem:v60+s14+$0x0], $0xffff  }
0xea: {  	v37 =	vor.u32 $0x100, v14;
	v25 =	vld.idx.msk [tilespmem:v62+s2+$0x0], $0xffff  }
0xeb: {  	v38 =	vor.u32 $0x100, v20;
	v45 =	vld.idx.msk [tilespmem:v5+s14+$0x0], $0xffff;
	v24 =	vmax.f32 v24, $0.0e+00  }
0xec: {  	v9 =	vld.idx.msk [tilespmem:v9+s2+$0x0], $0xffff;
	v24 =	vmul.f32 v24, v11;
	v22 =	vadd.f32 v63, v22  }
0xed: {  	v40 =	vor.u32 $0x100, v15;
	v39 =	vld.idx.msk [tilespmem:v35+s14+$0x0], $0xffff  }
0xee: {  	v42 =	vor.u32 $0x100, v12;
	[tilespmem:v52+s22+$0x0] =	vst.idx.add.f32.msk $0xffff, v24;
	v22 =	vmax.f32 v22, $0.0e+00  }
0xef: {  	v43 =	vld.idx.msk [tilespmem:v37+s14+$0x0], $0xffff;
	v22 =	vmul.f32 v22, v10;
	v25 =	vadd.f32 v36, v25  }
0xf0: {  	v44 =	vor.u32 $0x100, v19;
	v26 =	vld.idx.msk [tilespmem:v38+s2+$0x0], $0xffff  }
0xf1: {  	v46 =	vor.u32 $0x100, v16;
	[tilespmem:v55+s22+$0x0] =	vst.idx.add.f32.msk $0xffff, v22;
	v41 =	vmax.f32 v25, $0.0e+00  }
0xf2: {  	v9 =	vadd.f32 v39, v9;
	v47 =	vld.idx.msk [tilespmem:v40+s14+$0x0], $0xffff;
	v13 =	vmul.f32 v41, v30  }
0xf3: {  	v49 =	vor.u32 $0x180, v7;
	v22 =	vld.idx.msk [tilespmem:v42+s2+$0x0], $0xffff  }
0xf4: {  	v48 =	vor.u32 $0x180, v8;
	v9 =	vmax.f32 v9, $0.0e+00;
	[tilespmem:v60+s22+$0x0] =	vst.idx.add.f32.msk $0xffff, v13  }
0xf5: {  	v9 =	vmul.f32 v9, v3;
	v25 =	vadd.f32 v43, v26;
	v50 =	vld.idx.msk [tilespmem:v44+s14+$0x0], $0xffff  }
0xf6: {  	v14 =	vor.u32 $0x180, v14;
	v29 =	vld.idx.msk [tilespmem:v46+s2+$0x0], $0xffff  }
0xf7: {  	[tilespmem:v35+s22+$0x0] =	vst.idx.add.f32.msk $0xffff, v9;
	v52 =	vor.u32 $0x180, v20;
	v51 =	vmax.f32 v25, $0.0e+00  }
0xf8: {  	v7 =	vld.idx.msk [tilespmem:v49+s2+$0x0], $0xffff;
	v9 =	vmul.f32 v51, v11;
	v22 =	vadd.f32 v47, v22  }
0xf9: {  	v53 =	vld.idx.msk [tilespmem:v48+s14+$0x0], $0xffff;
	v15 =	vor.u32 $0x180, v15  }
0xfa: {  	v12 =	vor.u32 $0x180, v12;
	[tilespmem:v37+s22+$0x0] =	vst.idx.add.f32.msk $0xffff, v9;
	v54 =	vmax.f32 v22, $0.0e+00  }
0xfb: {  	v55 =	vld.idx.msk [tilespmem:v14+s14+$0x0], $0xffff;
	v9 =	vmul.f32 v54, v10;
	v56 =	vadd.f32 v50, v29  }
0xfc: {  	v19 =	vor.u32 $0x180, v19;
	v17 =	vld.idx.msk [tilespmem:v52+s2+$0x0], $0xffff  }
0xfd: {  	v16 =	vor.u32 $0x180, v16;
	[tilespmem:v40+s22+$0x0] =	vst.idx.add.f32.msk $0xffff, v9;
	v57 =	vmax.f32 v56, $0.0e+00  }
0xfe: {  	v58 =	vld.idx.msk [tilespmem:v15+s14+$0x0], $0xffff;
	v9 =	vmul.f32 v57, v30  }
0xff: {  	v12 =	vld.idx.msk [tilespmem:v12+s2+$0x0], $0xffff  }
0x100: {  	[tilespmem:v44+s22+$0x0] =	vst.idx.add.f32.msk $0xffff, v9  }
0x101: {  	v9 =	vld.idx.msk [tilespmem:v19+s14+$0x0], $0xffff  }
0x102: {  	v18 =	vadd.f32 v18, v21;
	v16 =	vld.idx.msk [tilespmem:v16+s2+$0x0], $0xffff  }
0x103: {  	v4 =	vadd.f32 v45, v4  }
0x104: {  	v59 =	vmax.f32 v18, $0.0e+00;
	v7 =	vadd.f32 v53, v7  }
0x105: {  	v4 =	vmax.f32 v4, $0.0e+00;
	v1 =	vmul.f32 v59, v1;
	v60 =	vadd.f32 v55, v17  }
0x106: {  	v2 =	vmul.f32 v4, v2;
	v61 =	vmax.f32 v7, $0.0e+00;
	v62 =	vadd.f32 v58, v12  }
0x107: {  	[tilespmem:v6+s22+$0x0] =	vst.idx.add.f32.msk $0xffff, v1;
	v1 =	vmul.f32 v61, v3;
	v3 =	vmax.f32 v60, $0.0e+00;
	v63 =	vadd.f32 v9, v16  }
0x108: {  	[tilespmem:v5+s22+$0x0] =	vst.idx.add.f32.msk $0xffff, v2;
	v2 =	vmul.f32 v3, v11;
	v3 =	vmax.f32 v62, $0.0e+00  }
0x109: {  	[tilespmem:v48+s22+$0x0] =	vst.idx.add.f32.msk $0xffff, v1;
	v1 =	vmul.f32 v3, v10;
	v3 =	vmax.f32 v63, $0.0e+00  }
0x10a: {  	[tilespmem:v14+s22+$0x0] =	vst.idx.add.f32.msk $0xffff, v2;
	v2 =	vmul.f32 v3, v30  }
0x10b: {  	[tilespmem:v15+s22+$0x0] =	vst.idx.add.f32.msk $0xffff, v1  }
0x10c: {  	s31 =	sor.u32 $0x8, s0;
	[tilespmem:v19+s22+$0x0] =	vst.idx.add.f32.msk $0xffff, v2  }
0x10d: {  	[hbm4b:s9+s12] =	stream.strided.scatter [tilespmem:s22], [sflag:$0x2], $0x2000, s13, s12, $0x38;
	[tilespmem:$0xB800] =	vst v63  }
0x10e: {  	s24 =	sadd.s32 $0x1, s24;
	p0 =	seq.s32 s31, $0x8;
	_ =	swait.ge [sflag:s23], $0x2000  }
0x10f: {  	p1 =	sne.s32 s24, s11;
	s25 =	simm.s32 @p0 $0x80;
	[sflag:s23] =	ssyncset.done $0x0  }
0x110: {  	s26 =	simm.s32 @p0 $0x200;
	s28 =	simm.s32 @p0 $0x7000;
	[sflag:s23] =	ssyncadd.s32 $0xFFFFE000  }
0x111: {  	[hbm4b:s10+s25] =	stream.strided.scatter @p0 [tilespmem:s28], [sflag:$0x2], $0x800, s26, s25, $0x38;
	[tilespmem:$0xB800] =	vst v63  }
.Ltmp2:
0x112: {  	_ = 	snop;
	(pc) =	sbr.rel @p1 .LBB2_1-.Ltmp2, $4  }
0x113: {  	s25 =	simm.s32 @p0 $0x2  }
0x114: {  	_ =	swait.ge @p0 [sflag:s25], $0x800  }
0x115: {  	[sflag:s25] =	ssyncset.done @p0 $0x0  }
0x116: {  	[sflag:s25] =	ssyncadd.s32 @p0 $0xFFFFF800  }
0x117: {  	_ =	sfence.sel $0x180000  }
0x118: {  	[bflag:$0x0] =	sbarrier.arrive $0xFFFF  }
0x119: {  	p0 =	sne.s32 s0, $0x0;
	_ =	strace $0x90000047  }
0x11a: {  	s0 =	sadd.s32 @!p0 $0x100000, s1;
	[bflag:$0x2] =	sbarrier.arrive $0xFFFF  }
0x11b: {  	[sflag:s0] =	ssyncadd.tile.s32 @!p0 $0x1;
	_ =	shalt  }
.Lfunc_end2:
_tile_overlayer_lowered:
.L_overlay_start_2:
0x11c: {  	(tag) =	ssettag $0x2  }
0x11d: {  	s0 =	rddreg [dreg:$0x0];
	s2 =	stileid.u32  }
0x11e: {  	s1 =	rddreg [dreg:$0x1];
	p0 =	sne.s32 s2, $0x0  }
0x11f: {  	s3 =	rddreg [dreg:$0x2];
	[bflag:$0x3] =	sbarrier.arrive $0xFFFF;
	s2 =	simm.s32 @!p0 $0x1C02  }
0x120: {  	[timem:s3], [sflag:s2] =	dma.local @!p0 [hbm:s0], s1  }
0x121: {  	s0 =	simm.s32 @!p0 $0x2  }
0x122: {  	_ =	swait.ge @!p0 [sflag:s0], s1  }
0x123: {  	s1 =	ssub.s32 @!p0 $0x0, s1;
	[sflag:s0] =	ssyncset.done @!p0 $0x0  }
0x124: {  	[sflag:s0] =	ssyncadd.s32 @!p0 s1  }
0x125: {  	[bflag:$0x3] =	sbarrier.arrive $0xFFFF  }
0x126: {  	_ =	shalt  }

</sc_bundles>
